<compile_context>
chip_gen: v7x
topology: tpu7x:2x2x1
jax: 0.10.2.dev20260603
libtpu: 0.0.44.dev20260713+nightly
codegen_flags: <defaults>
</compile_context>

<pallas_src>
import functools

import jax
import jax.numpy as jnp
from jax import lax
from jax.experimental import pallas as pl
from jax.experimental.pallas import tpu as pltpu
from jax.experimental.pallas import tpu_sc as plsc

B, T = 16384, 20
D = 64
NW = 32
BPW = B // NW
SROWS = 64
NCHUNK = BPW // SROWS
NB = 16
PAIRS = SROWS // (2 * NB)


def _make_gather():
    mesh = plsc.VectorSubcoreMesh(core_axis_name="c", subcore_axis_name="s")

    @functools.partial(
        pl.kernel,
        mesh=mesh,
        out_type=jax.ShapeDtypeStruct((B, T, 2 * D), jnp.float32),
        scratch_types=[
            pltpu.VMEM((SROWS, T), jnp.int32),
            pltpu.VMEM((SROWS, T), jnp.int32),
            pltpu.VMEM((NB, T, 2 * D), jnp.float32),
            pltpu.VMEM((NB, T, 2 * D), jnp.float32),
            pltpu.SemaphoreType.DMA,
            pltpu.SemaphoreType.DMA,
            pltpu.SemaphoreType.DMA,
            pltpu.SemaphoreType.DMA,
        ],
    )
    def k(x_hbm, y_hbm, xt_hbm, yt_hbm, out_hbm, xw, yw, comba, combb,
          gsema, gsemb, wsema, wsemb):
        wid = lax.axis_index("s") * 2 + lax.axis_index("c")
        b0 = wid * BPW

        def fire(table, idxw, r0, comb, gsem, add):
            return [pltpu.async_copy(
                table.at[idxw.at[r0 + j]], comb.at[j], gsem, add=add)
                for j in range(NB)]

        def chunk(c, carry):
            bc = b0 + c * SROWS
            pltpu.sync_copy(x_hbm.at[pl.ds(bc, SROWS)], xw)
            pltpu.sync_copy(y_hbm.at[pl.ds(bc, SROWS)], yw)

            def pair(p, inner):
                first = jnp.logical_and(c == 0, p == 0)
                ra = p * 2 * NB
                rb = ra + NB

                @pl.when(jnp.logical_not(first))
                def _():
                    pltpu.make_async_copy(
                        comba, out_hbm.at[pl.ds(b0, NB)], wsema).wait()
                    pltpu.make_async_copy(
                        combb, out_hbm.at[pl.ds(b0, NB)], wsemb).wait()

                xa = fire(xt_hbm, xw, ra, comba, gsema, False)
                xb = fire(xt_hbm, xw, rb, combb, gsemb, False)
                for cpy in xa:
                    cpy.wait()
                ya = fire(yt_hbm, yw, ra, comba, gsema, True)
                for cpy in xb:
                    cpy.wait()
                yb = fire(yt_hbm, yw, rb, combb, gsemb, True)
                for cpy in ya:
                    cpy.wait()
                pltpu.make_async_copy(
                    comba, out_hbm.at[pl.ds(bc + ra, NB)], wsema).start()
                for cpy in yb:
                    cpy.wait()
                pltpu.make_async_copy(
                    combb, out_hbm.at[pl.ds(bc + rb, NB)], wsemb).start()
                return inner

            lax.fori_loop(0, PAIRS, pair, 0)
            return carry

        lax.fori_loop(0, NCHUNK, chunk, 0)

        pltpu.make_async_copy(comba, out_hbm.at[pl.ds(b0, NB)], wsema).wait()
        pltpu.make_async_copy(combb, out_hbm.at[pl.ds(b0, NB)], wsemb).wait()

    return k


_gather = _make_gather()


def kernel(x, y, posenc):
    zeros = jnp.zeros_like(posenc)
    xt = jnp.concatenate([posenc, zeros], axis=1)
    yt = jnp.concatenate([zeros, posenc], axis=1)
    return _gather(x, y, xt, yt)

# --- scband reference (transcript-rebuilt; emitter-appended) ---
"""Pipeline reference for scband-sinusoidal-positional-encoder-55619826483553 (READ-ONLY COPY).

The authoritative reference and input builder live on the scoring server;
editing this copy changes nothing except your own understanding.
"""

import jax, jax.numpy as jnp
import numpy as np
import math

RESOLUTION = 100000
OUT_CHANNELS = 128

def _build_posenc(resolution, out_channels):
    encoding_len = out_channels // 2
    position = np.arange(resolution, dtype=np.float32)[:, None]
    div_term = np.exp(np.arange(0, encoding_len, 2, dtype=np.float32) * (-math.log(10000.0) / encoding_len))
    pe = np.zeros((resolution, encoding_len), dtype=np.float32)
    pe[:, 0::2] = np.sin(position * div_term)
    pe[:, 1::2] = np.cos(position * div_term)
    return jnp.asarray(pe)

def setup_inputs(seed: int = 0) -> dict:
    key = jax.random.key(seed)
    k1, k2 = jax.random.split(key)
    x = jax.random.randint(k1, (16384, 20), 0, RESOLUTION, dtype=jnp.int32)
    y = jax.random.randint(k2, (16384, 20), 0, RESOLUTION, dtype=jnp.int32)
    posenc = _build_posenc(RESOLUTION, OUT_CHANNELS)
    return {"x": x, "y": y, "posenc": posenc}

def reference(x, y, posenc):
    resolution = posenc.shape[0]
    x = x % resolution
    y = y % resolution
    enc_x = jnp.take(posenc, x, axis=0)
    enc_y = jnp.take(posenc, y, axis=0)
    return jnp.concatenate([enc_x, enc_y], axis=-1)

if __name__ == "__main__":
    import jax
    _d = setup_inputs()
    print(jax.jit(kernel)(*tuple(_d.values())))

</pallas_src>

<mosaic_0001>
#map = affine_map<(d0, d1) -> (0, 0)>
#map1 = affine_map<(d0, d1) -> (0, 0, 0)>
module attributes {stable_mosaic.version = 14 : i64} {
  func.func @k(%arg0: i32, %arg1: i32, %arg2: memref<16384x20xi32, #tpu.memory_space<hbm>>, %arg3: memref<16384x20xi32, #tpu.memory_space<hbm>>, %arg4: memref<100000x128xf32, #tpu.memory_space<hbm>>, %arg5: memref<100000x128xf32, #tpu.memory_space<hbm>>, %arg6: memref<16384x20x128xf32, #tpu.memory_space<hbm>>, %arg7: memref<64x20xi32, #tpu.memory_space<vmem>>, %arg8: memref<64x20xi32, #tpu.memory_space<vmem>>, %arg9: memref<16x20x128xf32, #tpu.memory_space<vmem>>, %arg10: memref<16x20x128xf32, #tpu.memory_space<vmem>>, %arg11: memref<!tpu.dma_semaphore, #tpu.memory_space<semaphore_mem>>, %arg12: memref<!tpu.dma_semaphore, #tpu.memory_space<semaphore_mem>>, %arg13: memref<!tpu.dma_semaphore, #tpu.memory_space<semaphore_mem>>, %arg14: memref<!tpu.dma_semaphore, #tpu.memory_space<semaphore_mem>>) attributes {dimension_semantics = [#tpu.dimension_semantics<core_parallel>, #tpu.dimension_semantics<subcore_parallel>], iteration_bounds = array<i64: 2, 16>, scalar_prefetch = 0 : i64, scratch_operands = 8 : i64, tpu.core_type = #tpu.core_type<sc_vector_subcore>, window_params = [{transform_indices = #map}, {transform_indices = #map}, {transform_indices = #map}, {transform_indices = #map}, {transform_indices = #map1}]} {
    %mul3A = arith.constant 2 : i32
    %mul3A_0 = arith.muli %arg1, %mul3A : i32
    %add3A = arith.addi %mul3A_0, %arg0 : i32
    %mul3A_1 = arith.constant 512 : i32
    %mul3A_2 = arith.muli %add3A, %mul3A_1 : i32
    %scan3A = arith.constant 0 : i32
    %scan3A_3 = arith.constant 0 : i32
    %scan3A_4 = arith.constant 8 : i32
    %scan3A_5 = arith.addi %scan3A_3, %scan3A_4 : i32
    %scan3A_6 = arith.constant 1 : i32
    scf.for %scan3A_19 = %scan3A_3 to %scan3A_5 step %scan3A_6  : i32 {
      %mul3A_20 = arith.constant 64 : i32
      %mul3A_21 = arith.muli %scan3A_19, %mul3A_20 : i32
      %add3A_22 = arith.addi %mul3A_2, %mul3A_21 : i32
      "tpu.region"() ({
        %run_scoped3A = tpu.sem_alloc : memref<!tpu.dma_semaphore, #tpu.memory_space<semaphore_mem>>
        %dma_start3A = arith.constant 0 : i32
        %dma_start3A_29 = tpu.memref_slice %arg2[%add3A_22, %dma_start3A] : memref<16384x20xi32, #tpu.memory_space<hbm>> -> memref<64x20xi32, #tpu.memory_space<hbm>>
        %dma_start3A_30 = arith.constant 0 : i32
        %dma_start3A_31 = tpu.memref_slice %arg2[%add3A_22, %dma_start3A_30] : memref<16384x20xi32, #tpu.memory_space<hbm>> -> memref<64x20xi32, #tpu.memory_space<hbm>>
        tpu.enqueue_dma source(%dma_start3A_31 : memref<64x20xi32, #tpu.memory_space<hbm>>) target(%arg7 : memref<64x20xi32, #tpu.memory_space<vmem>>) target_semaphore(%run_scoped3A : memref<!tpu.dma_semaphore, #tpu.memory_space<semaphore_mem>>)
        %dma_wait3A_32 = arith.constant 0 : i32
        %dma_wait3A_33 = tpu.memref_slice %arg2[%add3A_22, %dma_wait3A_32] : memref<16384x20xi32, #tpu.memory_space<hbm>> -> memref<64x20xi32, #tpu.memory_space<hbm>>
        %dma_wait3A_34 = arith.constant 0 : i32
        %dma_wait3A_35 = tpu.memref_slice %arg2[%add3A_22, %dma_wait3A_34] : memref<16384x20xi32, #tpu.memory_space<hbm>> -> memref<64x20xi32, #tpu.memory_space<hbm>>
        tpu.wait_dma2 semaphore(%run_scoped3A : memref<!tpu.dma_semaphore, #tpu.memory_space<semaphore_mem>>) src(%dma_wait3A_35 : memref<64x20xi32, #tpu.memory_space<hbm>>) dst(%arg7 : memref<64x20xi32, #tpu.memory_space<vmem>>)
        tpu.yield
      }) : () -> ()
      "tpu.region"() ({
        %run_scoped3A = tpu.sem_alloc : memref<!tpu.dma_semaphore, #tpu.memory_space<semaphore_mem>>
        %dma_start3A = arith.constant 0 : i32
        %dma_start3A_29 = tpu.memref_slice %arg3[%add3A_22, %dma_start3A] : memref<16384x20xi32, #tpu.memory_space<hbm>> -> memref<64x20xi32, #tpu.memory_space<hbm>>
        %dma_start3A_30 = arith.constant 0 : i32
        %dma_start3A_31 = tpu.memref_slice %arg3[%add3A_22, %dma_start3A_30] : memref<16384x20xi32, #tpu.memory_space<hbm>> -> memref<64x20xi32, #tpu.memory_space<hbm>>
        tpu.enqueue_dma source(%dma_start3A_31 : memref<64x20xi32, #tpu.memory_space<hbm>>) target(%arg8 : memref<64x20xi32, #tpu.memory_space<vmem>>) target_semaphore(%run_scoped3A : memref<!tpu.dma_semaphore, #tpu.memory_space<semaphore_mem>>)
        %dma_wait3A_32 = arith.constant 0 : i32
        %dma_wait3A_33 = tpu.memref_slice %arg3[%add3A_22, %dma_wait3A_32] : memref<16384x20xi32, #tpu.memory_space<hbm>> -> memref<64x20xi32, #tpu.memory_space<hbm>>
        %dma_wait3A_34 = arith.constant 0 : i32
        %dma_wait3A_35 = tpu.memref_slice %arg3[%add3A_22, %dma_wait3A_34] : memref<16384x20xi32, #tpu.memory_space<hbm>> -> memref<64x20xi32, #tpu.memory_space<hbm>>
        tpu.wait_dma2 semaphore(%run_scoped3A : memref<!tpu.dma_semaphore, #tpu.memory_space<semaphore_mem>>) src(%dma_wait3A_35 : memref<64x20xi32, #tpu.memory_space<hbm>>) dst(%arg8 : memref<64x20xi32, #tpu.memory_space<vmem>>)
        tpu.yield
      }) : () -> ()
      %scan3A_23 = arith.constant 0 : i32
      %scan3A_24 = arith.constant 0 : i32
      %scan3A_25 = arith.constant 2 : i32
      %scan3A_26 = arith.addi %scan3A_24, %scan3A_25 : i32
      %scan3A_27 = arith.constant 1 : i32
      scf.for %scan3A_29 = %scan3A_24 to %scan3A_26 step %scan3A_27  : i32 {
        %eq3A = arith.constant 0 : i32
        %eq3A_30 = arith.cmpi eq, %scan3A_19, %eq3A : i32
        %eq3A_31 = arith.constant 0 : i32
        %eq3A_32 = arith.cmpi eq, %scan3A_29, %eq3A_31 : i32
        %and3A = arith.andi %eq3A_30, %eq3A_32 : i1
        %mul3A_33 = arith.constant 2 : i32
        %mul3A_34 = arith.muli %scan3A_29, %mul3A_33 : i32
        %mul3A_35 = arith.constant 16 : i32
        %mul3A_36 = arith.muli %mul3A_34, %mul3A_35 : i32
        %add3A_37 = arith.constant 16 : i32
        %add3A_38 = arith.addi %mul3A_36, %add3A_37 : i32
        %not3A = arith.constant true
        %not3A_39 = arith.xori %and3A, %not3A : i1
        %convert_element_type3A = arith.extui %not3A_39 : i1 to i32
        %cond3A = arith.constant 0 : i32
        %cond3A_40 = arith.cmpi ne, %convert_element_type3A, %cond3A : i32
        scf.if %cond3A_40 {
          %dma_wait3A_1590 = arith.constant 0 : i32
          %dma_wait3A_1591 = arith.constant 0 : i32
          %dma_wait3A_1592 = tpu.memref_slice %arg6[%mul3A_2, %dma_wait3A_1590, %dma_wait3A_1591] : memref<16384x20x128xf32, #tpu.memory_space<hbm>> -> memref<16x20x128xf32, #tpu.memory_space<hbm>>
          %dma_wait3A_1593 = arith.constant 0 : i32
          %dma_wait3A_1594 = arith.constant 0 : i32
          %dma_wait3A_1595 = tpu.memref_slice %arg6[%mul3A_2, %dma_wait3A_1593, %dma_wait3A_1594] : memref<16384x20x128xf32, #tpu.memory_space<hbm>> -> memref<16x20x128xf32, #tpu.memory_space<hbm>>
          tpu.wait_dma2 semaphore(%arg13 : memref<!tpu.dma_semaphore, #tpu.memory_space<semaphore_mem>>) src(%arg9 : memref<16x20x128xf32, #tpu.memory_space<vmem>>) dst(%dma_wait3A_1595 : memref<16x20x128xf32, #tpu.memory_space<hbm>>)
          %dma_wait3A_1596 = arith.constant 0 : i32
          %dma_wait3A_1597 = arith.constant 0 : i32
          %dma_wait3A_1598 = tpu.memref_slice %arg6[%mul3A_2, %dma_wait3A_1596, %dma_wait3A_1597] : memref<16384x20x128xf32, #tpu.memory_space<hbm>> -> memref<16x20x128xf32, #tpu.memory_space<hbm>>
          %dma_wait3A_1599 = arith.constant 0 : i32
          %dma_wait3A_1600 = arith.constant 0 : i32
          %dma_wait3A_1601 = tpu.memref_slice %arg6[%mul3A_2, %dma_wait3A_1599, %dma_wait3A_1600] : memref<16384x20x128xf32, #tpu.memory_space<hbm>> -> memref<16x20x128xf32, #tpu.memory_space<hbm>>
          tpu.wait_dma2 semaphore(%arg14 : memref<!tpu.dma_semaphore, #tpu.memory_space<semaphore_mem>>) src(%arg10 : memref<16x20x128xf32, #tpu.memory_space<vmem>>) dst(%dma_wait3A_1601 : memref<16x20x128xf32, #tpu.memory_space<hbm>>)
        } else {
        }
        %add3A_41 = arith.constant 0 : i32
        %add3A_42 = arith.addi %mul3A_36, %add3A_41 : i32
        %dma_start3A = arith.constant 0 : i32
        %dma_start3A_43 = arith.constant 0 : i32
        %dma_start3A_44 = arith.constant 0 : i32
        %dma_start3A_45 = tpu.memref_slice %arg9[%dma_start3A, %dma_start3A_43, %dma_start3A_44] : memref<16x20x128xf32, #tpu.memory_space<vmem>> -> memref<1x20x128xf32, #tpu.memory_space<vmem>>
        %dma_start3A_46 = tpu.memref_squeeze %dma_start3A_45 : memref<1x20x128xf32, #tpu.memory_space<vmem>> -> memref<20x128xf32, #tpu.memory_space<vmem>>
        %dma_start3A_47 = arith.constant 0 : i32
        %dma_start3A_48 = tpu.memref_slice %arg7[%add3A_42, %dma_start3A_47] : memref<64x20xi32, #tpu.memory_space<vmem>> -> memref<1x20xi32, #tpu.memory_space<vmem>>
        %dma_start3A_49 = tpu.memref_squeeze %dma_start3A_48 : memref<1x20xi32, #tpu.memory_space<vmem>> -> memref<20xi32, #tpu.memory_space<vmem>>
        %dma_start3A_50 = arith.constant 0 : i32
        %dma_start3A_51 = arith.constant 0 : i32
        %dma_start3A_52 = tpu.memref_slice %arg4[%dma_start3A_50, %dma_start3A_51] : memref<100000x128xf32, #tpu.memory_space<hbm>> -> memref<100000x128xf32, #tpu.memory_space<hbm>>
        tpu.enqueue_indirect_dma source(%dma_start3A_52 : memref<100000x128xf32, #tpu.memory_space<hbm>>) target(%dma_start3A_46 : memref<20x128xf32, #tpu.memory_space<vmem>>) offsets(%dma_start3A_49 : memref<20xi32, #tpu.memory_space<vmem>>) semaphore(%arg11 : memref<!tpu.dma_semaphore, #tpu.memory_space<semaphore_mem>>)
        %add3A_53 = arith.constant 1 : i32
        %add3A_54 = arith.addi %mul3A_36, %add3A_53 : i32
        %dma_start3A_55 = arith.constant 1 : i32
        %dma_start3A_56 = arith.constant 0 : i32
        %dma_start3A_57 = arith.constant 0 : i32
        %dma_start3A_58 = tpu.memref_slice %arg9[%dma_start3A_55, %dma_start3A_56, %dma_start3A_57] : memref<16x20x128xf32, #tpu.memory_space<vmem>> -> memref<1x20x128xf32, #tpu.memory_space<vmem>>
        %dma_start3A_59 = tpu.memref_squeeze %dma_start3A_58 : memref<1x20x128xf32, #tpu.memory_space<vmem>> -> memref<20x128xf32, #tpu.memory_space<vmem>>
        %dma_start3A_60 = arith.constant 0 : i32
        %dma_start3A_61 = tpu.memref_slice %arg7[%add3A_54, %dma_start3A_60] : memref<64x20xi32, #tpu.memory_space<vmem>> -> memref<1x20xi32, #tpu.memory_space<vmem>>
        %dma_start3A_62 = tpu.memref_squeeze %dma_start3A_61 : memref<1x20xi32, #tpu.memory_space<vmem>> -> memref<20xi32, #tpu.memory_space<vmem>>
        %dma_start3A_63 = arith.constant 0 : i32
        %dma_start3A_64 = arith.constant 0 : i32
        %dma_start3A_65 = tpu.memref_slice %arg4[%dma_start3A_63, %dma_start3A_64] : memref<100000x128xf32, #tpu.memory_space<hbm>> -> memref<100000x128xf32, #tpu.memory_space<hbm>>
        tpu.enqueue_indirect_dma source(%dma_start3A_65 : memref<100000x128xf32, #tpu.memory_space<hbm>>) target(%dma_start3A_59 : memref<20x128xf32, #tpu.memory_space<vmem>>) offsets(%dma_start3A_62 : memref<20xi32, #tpu.memory_space<vmem>>) semaphore(%arg11 : memref<!tpu.dma_semaphore, #tpu.memory_space<semaphore_mem>>)
        %add3A_66 = arith.constant 2 : i32
        %add3A_67 = arith.addi %mul3A_36, %add3A_66 : i32
        %dma_start3A_68 = arith.constant 2 : i32
        %dma_start3A_69 = arith.constant 0 : i32
        %dma_start3A_70 = arith.constant 0 : i32
        %dma_start3A_71 = tpu.memref_slice %arg9[%dma_start3A_68, %dma_start3A_69, %dma_start3A_70] : memref<16x20x128xf32, #tpu.memory_space<vmem>> -> memref<1x20x128xf32, #tpu.memory_space<vmem>>
        %dma_start3A_72 = tpu.memref_squeeze %dma_start3A_71 : memref<1x20x128xf32, #tpu.memory_space<vmem>> -> memref<20x128xf32, #tpu.memory_space<vmem>>
        %dma_start3A_73 = arith.constant 0 : i32
        %dma_start3A_74 = tpu.memref_slice %arg7[%add3A_67, %dma_start3A_73] : memref<64x20xi32, #tpu.memory_space<vmem>> -> memref<1x20xi32, #tpu.memory_space<vmem>>
        %dma_start3A_75 = tpu.memref_squeeze %dma_start3A_74 : memref<1x20xi32, #tpu.memory_space<vmem>> -> memref<20xi32, #tpu.memory_space<vmem>>
        %dma_start3A_76 = arith.constant 0 : i32
        %dma_start3A_77 = arith.constant 0 : i32
        %dma_start3A_78 = tpu.memref_slice %arg4[%dma_start3A_76, %dma_start3A_77] : memref<100000x128xf32, #tpu.memory_space<hbm>> -> memref<100000x128xf32, #tpu.memory_space<hbm>>
        tpu.enqueue_indirect_dma source(%dma_start3A_78 : memref<100000x128xf32, #tpu.memory_space<hbm>>) target(%dma_start3A_72 : memref<20x128xf32, #tpu.memory_space<vmem>>) offsets(%dma_start3A_75 : memref<20xi32, #tpu.memory_space<vmem>>) semaphore(%arg11 : memref<!tpu.dma_semaphore, #tpu.memory_space<semaphore_mem>>)
        %add3A_79 = arith.constant 3 : i32
        %add3A_80 = arith.addi %mul3A_36, %add3A_79 : i32
        %dma_start3A_81 = arith.constant 3 : i32
        %dma_start3A_82 = arith.constant 0 : i32
        %dma_start3A_83 = arith.constant 0 : i32
        %dma_start3A_84 = tpu.memref_slice %arg9[%dma_start3A_81, %dma_start3A_82, %dma_start3A_83] : memref<16x20x128xf32, #tpu.memory_space<vmem>> -> memref<1x20x128xf32, #tpu.memory_space<vmem>>
        %dma_start3A_85 = tpu.memref_squeeze %dma_start3A_84 : memref<1x20x128xf32, #tpu.memory_space<vmem>> -> memref<20x128xf32, #tpu.memory_space<vmem>>
        %dma_start3A_86 = arith.constant 0 : i32
        %dma_start3A_87 = tpu.memref_slice %arg7[%add3A_80, %dma_start3A_86] : memref<64x20xi32, #tpu.memory_space<vmem>> -> memref<1x20xi32, #tpu.memory_space<vmem>>
        %dma_start3A_88 = tpu.memref_squeeze %dma_start3A_87 : memref<1x20xi32, #tpu.memory_space<vmem>> -> memref<20xi32, #tpu.memory_space<vmem>>
        %dma_start3A_89 = arith.constant 0 : i32
        %dma_start3A_90 = arith.constant 0 : i32
        %dma_start3A_91 = tpu.memref_slice %arg4[%dma_start3A_89, %dma_start3A_90] : memref<100000x128xf32, #tpu.memory_space<hbm>> -> memref<100000x128xf32, #tpu.memory_space<hbm>>
        tpu.enqueue_indirect_dma source(%dma_start3A_91 : memref<100000x128xf32, #tpu.memory_space<hbm>>) target(%dma_start3A_85 : memref<20x128xf32, #tpu.memory_space<vmem>>) offsets(%dma_start3A_88 : memref<20xi32, #tpu.memory_space<vmem>>) semaphore(%arg11 : memref<!tpu.dma_semaphore, #tpu.memory_space<semaphore_mem>>)
        %add3A_92 = arith.constant 4 : i32
        %add3A_93 = arith.addi %mul3A_36, %add3A_92 : i32
        %dma_start3A_94 = arith.constant 4 : i32
        %dma_start3A_95 = arith.constant 0 : i32
        %dma_start3A_96 = arith.constant 0 : i32
        %dma_start3A_97 = tpu.memref_slice %arg9[%dma_start3A_94, %dma_start3A_95, %dma_start3A_96] : memref<16x20x128xf32, #tpu.memory_space<vmem>> -> memref<1x20x128xf32, #tpu.memory_space<vmem>>
        %dma_start3A_98 = tpu.memref_squeeze %dma_start3A_97 : memref<1x20x128xf32, #tpu.memory_space<vmem>> -> memref<20x128xf32, #tpu.memory_space<vmem>>
        %dma_start3A_99 = arith.constant 0 : i32
        %dma_start3A_100 = tpu.memref_slice %arg7[%add3A_93, %dma_start3A_99] : memref<64x20xi32, #tpu.memory_space<vmem>> -> memref<1x20xi32, #tpu.memory_space<vmem>>
        %dma_start3A_101 = tpu.memref_squeeze %dma_start3A_100 : memref<1x20xi32, #tpu.memory_space<vmem>> -> memref<20xi32, #tpu.memory_space<vmem>>
        %dma_start3A_102 = arith.constant 0 : i32
        %dma_start3A_103 = arith.constant 0 : i32
        %dma_start3A_104 = tpu.memref_slice %arg4[%dma_start3A_102, %dma_start3A_103] : memref<100000x128xf32, #tpu.memory_space<hbm>> -> memref<100000x128xf32, #tpu.memory_space<hbm>>
        tpu.enqueue_indirect_dma source(%dma_start3A_104 : memref<100000x128xf32, #tpu.memory_space<hbm>>) target(%dma_start3A_98 : memref<20x128xf32, #tpu.memory_space<vmem>>) offsets(%dma_start3A_101 : memref<20xi32, #tpu.memory_space<vmem>>) semaphore(%arg11 : memref<!tpu.dma_semaphore, #tpu.memory_space<semaphore_mem>>)
        %add3A_105 = arith.constant 5 : i32
        %add3A_106 = arith.addi %mul3A_36, %add3A_105 : i32
        %dma_start3A_107 = arith.constant 5 : i32
        %dma_start3A_108 = arith.constant 0 : i32
        %dma_start3A_109 = arith.constant 0 : i32
        %dma_start3A_110 = tpu.memref_slice %arg9[%dma_start3A_107, %dma_start3A_108, %dma_start3A_109] : memref<16x20x128xf32, #tpu.memory_space<vmem>> -> memref<1x20x128xf32, #tpu.memory_space<vmem>>
        %dma_start3A_111 = tpu.memref_squeeze %dma_start3A_110 : memref<1x20x128xf32, #tpu.memory_space<vmem>> -> memref<20x128xf32, #tpu.memory_space<vmem>>
        %dma_start3A_112 = arith.constant 0 : i32
        %dma_start3A_113 = tpu.memref_slice %arg7[%add3A_106, %dma_start3A_112] : memref<64x20xi32, #tpu.memory_space<vmem>> -> memref<1x20xi32, #tpu.memory_space<vmem>>
        %dma_start3A_114 = tpu.memref_squeeze %dma_start3A_113 : memref<1x20xi32, #tpu.memory_space<vmem>> -> memref<20xi32, #tpu.memory_space<vmem>>
        %dma_start3A_115 = arith.constant 0 : i32
        %dma_start3A_116 = arith.constant 0 : i32
        %dma_start3A_117 = tpu.memref_slice %arg4[%dma_start3A_115, %dma_start3A_116] : memref<100000x128xf32, #tpu.memory_space<hbm>> -> memref<100000x128xf32, #tpu.memory_space<hbm>>
        tpu.enqueue_indirect_dma source(%dma_start3A_117 : memref<100000x128xf32, #tpu.memory_space<hbm>>) target(%dma_start3A_111 : memref<20x128xf32, #tpu.memory_space<vmem>>) offsets(%dma_start3A_114 : memref<20xi32, #tpu.memory_space<vmem>>) semaphore(%arg11 : memref<!tpu.dma_semaphore, #tpu.memory_space<semaphore_mem>>)
        %add3A_118 = arith.constant 6 : i32
        %add3A_119 = arith.addi %mul3A_36, %add3A_118 : i32
        %dma_start3A_120 = arith.constant 6 : i32
        %dma_start3A_121 = arith.constant 0 : i32
        %dma_start3A_122 = arith.constant 0 : i32
        %dma_start3A_123 = tpu.memref_slice %arg9[%dma_start3A_120, %dma_start3A_121, %dma_start3A_122] : memref<16x20x128xf32, #tpu.memory_space<vmem>> -> memref<1x20x128xf32, #tpu.memory_space<vmem>>
        %dma_start3A_124 = tpu.memref_squeeze %dma_start3A_123 : memref<1x20x128xf32, #tpu.memory_space<vmem>> -> memref<20x128xf32, #tpu.memory_space<vmem>>
        %dma_start3A_125 = arith.constant 0 : i32
        %dma_start3A_126 = tpu.memref_slice %arg7[%add3A_119, %dma_start3A_125] : memref<64x20xi32, #tpu.memory_space<vmem>> -> memref<1x20xi32, #tpu.memory_space<vmem>>
        %dma_start3A_127 = tpu.memref_squeeze %dma_start3A_126 : memref<1x20xi32, #tpu.memory_space<vmem>> -> memref<20xi32, #tpu.memory_space<vmem>>
        %dma_start3A_128 = arith.constant 0 : i32
        %dma_start3A_129 = arith.constant 0 : i32
        %dma_start3A_130 = tpu.memref_slice %arg4[%dma_start3A_128, %dma_start3A_129] : memref<100000x128xf32, #tpu.memory_space<hbm>> -> memref<100000x128xf32, #tpu.memory_space<hbm>>
        tpu.enqueue_indirect_dma source(%dma_start3A_130 : memref<100000x128xf32, #tpu.memory_space<hbm>>) target(%dma_start3A_124 : memref<20x128xf32, #tpu.memory_space<vmem>>) offsets(%dma_start3A_127 : memref<20xi32, #tpu.memory_space<vmem>>) semaphore(%arg11 : memref<!tpu.dma_semaphore, #tpu.memory_space<semaphore_mem>>)
        %add3A_131 = arith.constant 7 : i32
        %add3A_132 = arith.addi %mul3A_36, %add3A_131 : i32
        %dma_start3A_133 = arith.constant 7 : i32
        %dma_start3A_134 = arith.constant 0 : i32
        %dma_start3A_135 = arith.constant 0 : i32
        %dma_start3A_136 = tpu.memref_slice %arg9[%dma_start3A_133, %dma_start3A_134, %dma_start3A_135] : memref<16x20x128xf32, #tpu.memory_space<vmem>> -> memref<1x20x128xf32, #tpu.memory_space<vmem>>
        %dma_start3A_137 = tpu.memref_squeeze %dma_start3A_136 : memref<1x20x128xf32, #tpu.memory_space<vmem>> -> memref<20x128xf32, #tpu.memory_space<vmem>>
        %dma_start3A_138 = arith.constant 0 : i32
        %dma_start3A_139 = tpu.memref_slice %arg7[%add3A_132, %dma_start3A_138] : memref<64x20xi32, #tpu.memory_space<vmem>> -> memref<1x20xi32, #tpu.memory_space<vmem>>
        %dma_start3A_140 = tpu.memref_squeeze %dma_start3A_139 : memref<1x20xi32, #tpu.memory_space<vmem>> -> memref<20xi32, #tpu.memory_space<vmem>>
        %dma_start3A_141 = arith.constant 0 : i32
        %dma_start3A_142 = arith.constant 0 : i32
        %dma_start3A_143 = tpu.memref_slice %arg4[%dma_start3A_141, %dma_start3A_142] : memref<100000x128xf32, #tpu.memory_space<hbm>> -> memref<100000x128xf32, #tpu.memory_space<hbm>>
        tpu.enqueue_indirect_dma source(%dma_start3A_143 : memref<100000x128xf32, #tpu.memory_space<hbm>>) target(%dma_start3A_137 : memref<20x128xf32, #tpu.memory_space<vmem>>) offsets(%dma_start3A_140 : memref<20xi32, #tpu.memory_space<vmem>>) semaphore(%arg11 : memref<!tpu.dma_semaphore, #tpu.memory_space<semaphore_mem>>)
        %add3A_144 = arith.constant 8 : i32
        %add3A_145 = arith.addi %mul3A_36, %add3A_144 : i32
        %dma_start3A_146 = arith.constant 8 : i32
        %dma_start3A_147 = arith.constant 0 : i32
        %dma_start3A_148 = arith.constant 0 : i32
        %dma_start3A_149 = tpu.memref_slice %arg9[%dma_start3A_146, %dma_start3A_147, %dma_start3A_148] : memref<16x20x128xf32, #tpu.memory_space<vmem>> -> memref<1x20x128xf32, #tpu.memory_space<vmem>>
        %dma_start3A_150 = tpu.memref_squeeze %dma_start3A_149 : memref<1x20x128xf32, #tpu.memory_space<vmem>> -> memref<20x128xf32, #tpu.memory_space<vmem>>
        %dma_start3A_151 = arith.constant 0 : i32
        %dma_start3A_152 = tpu.memref_slice %arg7[%add3A_145, %dma_start3A_151] : memref<64x20xi32, #tpu.memory_space<vmem>> -> memref<1x20xi32, #tpu.memory_space<vmem>>
        %dma_start3A_153 = tpu.memref_squeeze %dma_start3A_152 : memref<1x20xi32, #tpu.memory_space<vmem>> -> memref<20xi32, #tpu.memory_space<vmem>>
        %dma_start3A_154 = arith.constant 0 : i32
        %dma_start3A_155 = arith.constant 0 : i32
        %dma_start3A_156 = tpu.memref_slice %arg4[%dma_start3A_154, %dma_start3A_155] : memref<100000x128xf32, #tpu.memory_space<hbm>> -> memref<100000x128xf32, #tpu.memory_space<hbm>>
        tpu.enqueue_indirect_dma source(%dma_start3A_156 : memref<100000x128xf32, #tpu.memory_space<hbm>>) target(%dma_start3A_150 : memref<20x128xf32, #tpu.memory_space<vmem>>) offsets(%dma_start3A_153 : memref<20xi32, #tpu.memory_space<vmem>>) semaphore(%arg11 : memref<!tpu.dma_semaphore, #tpu.memory_space<semaphore_mem>>)
        %add3A_157 = arith.constant 9 : i32
        %add3A_158 = arith.addi %mul3A_36, %add3A_157 : i32
        %dma_start3A_159 = arith.constant 9 : i32
        %dma_start3A_160 = arith.constant 0 : i32
        %dma_start3A_161 = arith.constant 0 : i32
        %dma_start3A_162 = tpu.memref_slice %arg9[%dma_start3A_159, %dma_start3A_160, %dma_start3A_161] : memref<16x20x128xf32, #tpu.memory_space<vmem>> -> memref<1x20x128xf32, #tpu.memory_space<vmem>>
        %dma_start3A_163 = tpu.memref_squeeze %dma_start3A_162 : memref<1x20x128xf32, #tpu.memory_space<vmem>> -> memref<20x128xf32, #tpu.memory_space<vmem>>
        %dma_start3A_164 = arith.constant 0 : i32
        %dma_start3A_165 = tpu.memref_slice %arg7[%add3A_158, %dma_start3A_164] : memref<64x20xi32, #tpu.memory_space<vmem>> -> memref<1x20xi32, #tpu.memory_space<vmem>>
        %dma_start3A_166 = tpu.memref_squeeze %dma_start3A_165 : memref<1x20xi32, #tpu.memory_space<vmem>> -> memref<20xi32, #tpu.memory_space<vmem>>
        %dma_start3A_167 = arith.constant 0 : i32
        %dma_start3A_168 = arith.constant 0 : i32
        %dma_start3A_169 = tpu.memref_slice %arg4[%dma_start3A_167, %dma_start3A_168] : memref<100000x128xf32, #tpu.memory_space<hbm>> -> memref<100000x128xf32, #tpu.memory_space<hbm>>
        tpu.enqueue_indirect_dma source(%dma_start3A_169 : memref<100000x128xf32, #tpu.memory_space<hbm>>) target(%dma_start3A_163 : memref<20x128xf32, #tpu.memory_space<vmem>>) offsets(%dma_start3A_166 : memref<20xi32, #tpu.memory_space<vmem>>) semaphore(%arg11 : memref<!tpu.dma_semaphore, #tpu.memory_space<semaphore_mem>>)
        %add3A_170 = arith.constant 10 : i32
        %add3A_171 = arith.addi %mul3A_36, %add3A_170 : i32
        %dma_start3A_172 = arith.constant 10 : i32
        %dma_start3A_173 = arith.constant 0 : i32
        %dma_start3A_174 = arith.constant 0 : i32
        %dma_start3A_175 = tpu.memref_slice %arg9[%dma_start3A_172, %dma_start3A_173, %dma_start3A_174] : memref<16x20x128xf32, #tpu.memory_space<vmem>> -> memref<1x20x128xf32, #tpu.memory_space<vmem>>
        %dma_start3A_176 = tpu.memref_squeeze %dma_start3A_175 : memref<1x20x128xf32, #tpu.memory_space<vmem>> -> memref<20x128xf32, #tpu.memory_space<vmem>>
        %dma_start3A_177 = arith.constant 0 : i32
        %dma_start3A_178 = tpu.memref_slice %arg7[%add3A_171, %dma_start3A_177] : memref<64x20xi32, #tpu.memory_space<vmem>> -> memref<1x20xi32, #tpu.memory_space<vmem>>
        %dma_start3A_179 = tpu.memref_squeeze %dma_start3A_178 : memref<1x20xi32, #tpu.memory_space<vmem>> -> memref<20xi32, #tpu.memory_space<vmem>>
        %dma_start3A_180 = arith.constant 0 : i32
        %dma_start3A_181 = arith.constant 0 : i32
        %dma_start3A_182 = tpu.memref_slice %arg4[%dma_start3A_180, %dma_start3A_181] : memref<100000x128xf32, #tpu.memory_space<hbm>> -> memref<100000x128xf32, #tpu.memory_space<hbm>>
        tpu.enqueue_indirect_dma source(%dma_start3A_182 : memref<100000x128xf32, #tpu.memory_space<hbm>>) target(%dma_start3A_176 : memref<20x128xf32, #tpu.memory_space<vmem>>) offsets(%dma_start3A_179 : memref<20xi32, #tpu.memory_space<vmem>>) semaphore(%arg11 : memref<!tpu.dma_semaphore, #tpu.memory_space<semaphore_mem>>)
        %add3A_183 = arith.constant 11 : i32
        %add3A_184 = arith.addi %mul3A_36, %add3A_183 : i32
        %dma_start3A_185 = arith.constant 11 : i32
        %dma_start3A_186 = arith.constant 0 : i32
        %dma_start3A_187 = arith.constant 0 : i32
        %dma_start3A_188 = tpu.memref_slice %arg9[%dma_start3A_185, %dma_start3A_186, %dma_start3A_187] : memref<16x20x128xf32, #tpu.memory_space<vmem>> -> memref<1x20x128xf32, #tpu.memory_space<vmem>>
        %dma_start3A_189 = tpu.memref_squeeze %dma_start3A_188 : memref<1x20x128xf32, #tpu.memory_space<vmem>> -> memref<20x128xf32, #tpu.memory_space<vmem>>
        %dma_start3A_190 = arith.constant 0 : i32
        %dma_start3A_191 = tpu.memref_slice %arg7[%add3A_184, %dma_start3A_190] : memref<64x20xi32, #tpu.memory_space<vmem>> -> memref<1x20xi32, #tpu.memory_space<vmem>>
        %dma_start3A_192 = tpu.memref_squeeze %dma_start3A_191 : memref<1x20xi32, #tpu.memory_space<vmem>> -> memref<20xi32, #tpu.memory_space<vmem>>
        %dma_start3A_193 = arith.constant 0 : i32
        %dma_start3A_194 = arith.constant 0 : i32
        %dma_start3A_195 = tpu.memref_slice %arg4[%dma_start3A_193, %dma_start3A_194] : memref<100000x128xf32, #tpu.memory_space<hbm>> -> memref<100000x128xf32, #tpu.memory_space<hbm>>
        tpu.enqueue_indirect_dma source(%dma_start3A_195 : memref<100000x128xf32, #tpu.memory_space<hbm>>) target(%dma_start3A_189 : memref<20x128xf32, #tpu.memory_space<vmem>>) offsets(%dma_start3A_192 : memref<20xi32, #tpu.memory_space<vmem>>) semaphore(%arg11 : memref<!tpu.dma_semaphore, #tpu.memory_space<semaphore_mem>>)
        %add3A_196 = arith.constant 12 : i32
        %add3A_197 = arith.addi %mul3A_36, %add3A_196 : i32
        %dma_start3A_198 = arith.constant 12 : i32
        %dma_start3A_199 = arith.constant 0 : i32
        %dma_start3A_200 = arith.constant 0 : i32
        %dma_start3A_201 = tpu.memref_slice %arg9[%dma_start3A_198, %dma_start3A_199, %dma_start3A_200] : memref<16x20x128xf32, #tpu.memory_space<vmem>> -> memref<1x20x128xf32, #tpu.memory_space<vmem>>
        %dma_start3A_202 = tpu.memref_squeeze %dma_start3A_201 : memref<1x20x128xf32, #tpu.memory_space<vmem>> -> memref<20x128xf32, #tpu.memory_space<vmem>>
        %dma_start3A_203 = arith.constant 0 : i32
        %dma_start3A_204 = tpu.memref_slice %arg7[%add3A_197, %dma_start3A_203] : memref<64x20xi32, #tpu.memory_space<vmem>> -> memref<1x20xi32, #tpu.memory_space<vmem>>
        %dma_start3A_205 = tpu.memref_squeeze %dma_start3A_204 : memref<1x20xi32, #tpu.memory_space<vmem>> -> memref<20xi32, #tpu.memory_space<vmem>>
        %dma_start3A_206 = arith.constant 0 : i32
        %dma_start3A_207 = arith.constant 0 : i32
        %dma_start3A_208 = tpu.memref_slice %arg4[%dma_start3A_206, %dma_start3A_207] : memref<100000x128xf32, #tpu.memory_space<hbm>> -> memref<100000x128xf32, #tpu.memory_space<hbm>>
        tpu.enqueue_indirect_dma source(%dma_start3A_208 : memref<100000x128xf32, #tpu.memory_space<hbm>>) target(%dma_start3A_202 : memref<20x128xf32, #tpu.memory_space<vmem>>) offsets(%dma_start3A_205 : memref<20xi32, #tpu.memory_space<vmem>>) semaphore(%arg11 : memref<!tpu.dma_semaphore, #tpu.memory_space<semaphore_mem>>)
        %add3A_209 = arith.constant 13 : i32
        %add3A_210 = arith.addi %mul3A_36, %add3A_209 : i32
        %dma_start3A_211 = arith.constant 13 : i32
        %dma_start3A_212 = arith.constant 0 : i32
        %dma_start3A_213 = arith.constant 0 : i32
        %dma_start3A_214 = tpu.memref_slice %arg9[%dma_start3A_211, %dma_start3A_212, %dma_start3A_213] : memref<16x20x128xf32, #tpu.memory_space<vmem>> -> memref<1x20x128xf32, #tpu.memory_space<vmem>>
        %dma_start3A_215 = tpu.memref_squeeze %dma_start3A_214 : memref<1x20x128xf32, #tpu.memory_space<vmem>> -> memref<20x128xf32, #tpu.memory_space<vmem>>
        %dma_start3A_216 = arith.constant 0 : i32
        %dma_start3A_217 = tpu.memref_slice %arg7[%add3A_210, %dma_start3A_216] : memref<64x20xi32, #tpu.memory_space<vmem>> -> memref<1x20xi32, #tpu.memory_space<vmem>>
        %dma_start3A_218 = tpu.memref_squeeze %dma_start3A_217 : memref<1x20xi32, #tpu.memory_space<vmem>> -> memref<20xi32, #tpu.memory_space<vmem>>
        %dma_start3A_219 = arith.constant 0 : i32
        %dma_start3A_220 = arith.constant 0 : i32
        %dma_start3A_221 = tpu.memref_slice %arg4[%dma_start3A_219, %dma_start3A_220] : memref<100000x128xf32, #tpu.memory_space<hbm>> -> memref<100000x128xf32, #tpu.memory_space<hbm>>
        tpu.enqueue_indirect_dma source(%dma_start3A_221 : memref<100000x128xf32, #tpu.memory_space<hbm>>) target(%dma_start3A_215 : memref<20x128xf32, #tpu.memory_space<vmem>>) offsets(%dma_start3A_218 : memref<20xi32, #tpu.memory_space<vmem>>) semaphore(%arg11 : memref<!tpu.dma_semaphore, #tpu.memory_space<semaphore_mem>>)
        %add3A_222 = arith.constant 14 : i32
        %add3A_223 = arith.addi %mul3A_36, %add3A_222 : i32
        %dma_start3A_224 = arith.constant 14 : i32
        %dma_start3A_225 = arith.constant 0 : i32
        %dma_start3A_226 = arith.constant 0 : i32
        %dma_start3A_227 = tpu.memref_slice %arg9[%dma_start3A_224, %dma_start3A_225, %dma_start3A_226] : memref<16x20x128xf32, #tpu.memory_space<vmem>> -> memref<1x20x128xf32, #tpu.memory_space<vmem>>
        %dma_start3A_228 = tpu.memref_squeeze %dma_start3A_227 : memref<1x20x128xf32, #tpu.memory_space<vmem>> -> memref<20x128xf32, #tpu.memory_space<vmem>>
        %dma_start3A_229 = arith.constant 0 : i32
        %dma_start3A_230 = tpu.memref_slice %arg7[%add3A_223, %dma_start3A_229] : memref<64x20xi32, #tpu.memory_space<vmem>> -> memref<1x20xi32, #tpu.memory_space<vmem>>
        %dma_start3A_231 = tpu.memref_squeeze %dma_start3A_230 : memref<1x20xi32, #tpu.memory_space<vmem>> -> memref<20xi32, #tpu.memory_space<vmem>>
        %dma_start3A_232 = arith.constant 0 : i32
        %dma_start3A_233 = arith.constant 0 : i32
        %dma_start3A_234 = tpu.memref_slice %arg4[%dma_start3A_232, %dma_start3A_233] : memref<100000x128xf32, #tpu.memory_space<hbm>> -> memref<100000x128xf32, #tpu.memory_space<hbm>>
        tpu.enqueue_indirect_dma source(%dma_start3A_234 : memref<100000x128xf32, #tpu.memory_space<hbm>>) target(%dma_start3A_228 : memref<20x128xf32, #tpu.memory_space<vmem>>) offsets(%dma_start3A_231 : memref<20xi32, #tpu.memory_space<vmem>>) semaphore(%arg11 : memref<!tpu.dma_semaphore, #tpu.memory_space<semaphore_mem>>)
        %add3A_235 = arith.constant 15 : i32
        %add3A_236 = arith.addi %mul3A_36, %add3A_235 : i32
        %dma_start3A_237 = arith.constant 15 : i32
        %dma_start3A_238 = arith.constant 0 : i32
        %dma_start3A_239 = arith.constant 0 : i32
        %dma_start3A_240 = tpu.memref_slice %arg9[%dma_start3A_237, %dma_start3A_238, %dma_start3A_239] : memref<16x20x128xf32, #tpu.memory_space<vmem>> -> memref<1x20x128xf32, #tpu.memory_space<vmem>>
        %dma_start3A_241 = tpu.memref_squeeze %dma_start3A_240 : memref<1x20x128xf32, #tpu.memory_space<vmem>> -> memref<20x128xf32, #tpu.memory_space<vmem>>
        %dma_start3A_242 = arith.constant 0 : i32
        %dma_start3A_243 = tpu.memref_slice %arg7[%add3A_236, %dma_start3A_242] : memref<64x20xi32, #tpu.memory_space<vmem>> -> memref<1x20xi32, #tpu.memory_space<vmem>>
        %dma_start3A_244 = tpu.memref_squeeze %dma_start3A_243 : memref<1x20xi32, #tpu.memory_space<vmem>> -> memref<20xi32, #tpu.memory_space<vmem>>
        %dma_start3A_245 = arith.constant 0 : i32
        %dma_start3A_246 = arith.constant 0 : i32
        %dma_start3A_247 = tpu.memref_slice %arg4[%dma_start3A_245, %dma_start3A_246] : memref<100000x128xf32, #tpu.memory_space<hbm>> -> memref<100000x128xf32, #tpu.memory_space<hbm>>
        tpu.enqueue_indirect_dma source(%dma_start3A_247 : memref<100000x128xf32, #tpu.memory_space<hbm>>) target(%dma_start3A_241 : memref<20x128xf32, #tpu.memory_space<vmem>>) offsets(%dma_start3A_244 : memref<20xi32, #tpu.memory_space<vmem>>) semaphore(%arg11 : memref<!tpu.dma_semaphore, #tpu.memory_space<semaphore_mem>>)
        %add3A_248 = arith.constant 0 : i32
        %add3A_249 = arith.addi %add3A_38, %add3A_248 : i32
        %dma_start3A_250 = arith.constant 0 : i32
        %dma_start3A_251 = arith.constant 0 : i32
        %dma_start3A_252 = arith.constant 0 : i32
        %dma_start3A_253 = tpu.memref_slice %arg10[%dma_start3A_250, %dma_start3A_251, %dma_start3A_252] : memref<16x20x128xf32, #tpu.memory_space<vmem>> -> memref<1x20x128xf32, #tpu.memory_space<vmem>>
        %dma_start3A_254 = tpu.memref_squeeze %dma_start3A_253 : memref<1x20x128xf32, #tpu.memory_space<vmem>> -> memref<20x128xf32, #tpu.memory_space<vmem>>
        %dma_start3A_255 = arith.constant 0 : i32
        %dma_start3A_256 = tpu.memref_slice %arg7[%add3A_249, %dma_start3A_255] : memref<64x20xi32, #tpu.memory_space<vmem>> -> memref<1x20xi32, #tpu.memory_space<vmem>>
        %dma_start3A_257 = tpu.memref_squeeze %dma_start3A_256 : memref<1x20xi32, #tpu.memory_space<vmem>> -> memref<20xi32, #tpu.memory_space<vmem>>
        %dma_start3A_258 = arith.constant 0 : i32
        %dma_start3A_259 = arith.constant 0 : i32
        %dma_start3A_260 = tpu.memref_slice %arg4[%dma_start3A_258, %dma_start3A_259] : memref<100000x128xf32, #tpu.memory_space<hbm>> -> memref<100000x128xf32, #tpu.memory_space<hbm>>
        tpu.enqueue_indirect_dma source(%dma_start3A_260 : memref<100000x128xf32, #tpu.memory_space<hbm>>) target(%dma_start3A_254 : memref<20x128xf32, #tpu.memory_space<vmem>>) offsets(%dma_start3A_257 : memref<20xi32, #tpu.memory_space<vmem>>) semaphore(%arg12 : memref<!tpu.dma_semaphore, #tpu.memory_space<semaphore_mem>>)
        %add3A_261 = arith.constant 1 : i32
        %add3A_262 = arith.addi %add3A_38, %add3A_261 : i32
        %dma_start3A_263 = arith.constant 1 : i32
        %dma_start3A_264 = arith.constant 0 : i32
        %dma_start3A_265 = arith.constant 0 : i32
        %dma_start3A_266 = tpu.memref_slice %arg10[%dma_start3A_263, %dma_start3A_264, %dma_start3A_265] : memref<16x20x128xf32, #tpu.memory_space<vmem>> -> memref<1x20x128xf32, #tpu.memory_space<vmem>>
        %dma_start3A_267 = tpu.memref_squeeze %dma_start3A_266 : memref<1x20x128xf32, #tpu.memory_space<vmem>> -> memref<20x128xf32, #tpu.memory_space<vmem>>
        %dma_start3A_268 = arith.constant 0 : i32
        %dma_start3A_269 = tpu.memref_slice %arg7[%add3A_262, %dma_start3A_268] : memref<64x20xi32, #tpu.memory_space<vmem>> -> memref<1x20xi32, #tpu.memory_space<vmem>>
        %dma_start3A_270 = tpu.memref_squeeze %dma_start3A_269 : memref<1x20xi32, #tpu.memory_space<vmem>> -> memref<20xi32, #tpu.memory_space<vmem>>
        %dma_start3A_271 = arith.constant 0 : i32
        %dma_start3A_272 = arith.constant 0 : i32
        %dma_start3A_273 = tpu.memref_slice %arg4[%dma_start3A_271, %dma_start3A_272] : memref<100000x128xf32, #tpu.memory_space<hbm>> -> memref<100000x128xf32, #tpu.memory_space<hbm>>
        tpu.enqueue_indirect_dma source(%dma_start3A_273 : memref<100000x128xf32, #tpu.memory_space<hbm>>) target(%dma_start3A_267 : memref<20x128xf32, #tpu.memory_space<vmem>>) offsets(%dma_start3A_270 : memref<20xi32, #tpu.memory_space<vmem>>) semaphore(%arg12 : memref<!tpu.dma_semaphore, #tpu.memory_space<semaphore_mem>>)
        %add3A_274 = arith.constant 2 : i32
        %add3A_275 = arith.addi %add3A_38, %add3A_274 : i32
        %dma_start3A_276 = arith.constant 2 : i32
        %dma_start3A_277 = arith.constant 0 : i32
        %dma_start3A_278 = arith.constant 0 : i32
        %dma_start3A_279 = tpu.memref_slice %arg10[%dma_start3A_276, %dma_start3A_277, %dma_start3A_278] : memref<16x20x128xf32, #tpu.memory_space<vmem>> -> memref<1x20x128xf32, #tpu.memory_space<vmem>>
        %dma_start3A_280 = tpu.memref_squeeze %dma_start3A_279 : memref<1x20x128xf32, #tpu.memory_space<vmem>> -> memref<20x128xf32, #tpu.memory_space<vmem>>
        %dma_start3A_281 = arith.constant 0 : i32
        %dma_start3A_282 = tpu.memref_slice %arg7[%add3A_275, %dma_start3A_281] : memref<64x20xi32, #tpu.memory_space<vmem>> -> memref<1x20xi32, #tpu.memory_space<vmem>>
        %dma_start3A_283 = tpu.memref_squeeze %dma_start3A_282 : memref<1x20xi32, #tpu.memory_space<vmem>> -> memref<20xi32, #tpu.memory_space<vmem>>
        %dma_start3A_284 = arith.constant 0 : i32
        %dma_start3A_285 = arith.constant 0 : i32
        %dma_start3A_286 = tpu.memref_slice %arg4[%dma_start3A_284, %dma_start3A_285] : memref<100000x128xf32, #tpu.memory_space<hbm>> -> memref<100000x128xf32, #tpu.memory_space<hbm>>
        tpu.enqueue_indirect_dma source(%dma_start3A_286 : memref<100000x128xf32, #tpu.memory_space<hbm>>) target(%dma_start3A_280 : memref<20x128xf32, #tpu.memory_space<vmem>>) offsets(%dma_start3A_283 : memref<20xi32, #tpu.memory_space<vmem>>) semaphore(%arg12 : memref<!tpu.dma_semaphore, #tpu.memory_space<semaphore_mem>>)
        %add3A_287 = arith.constant 3 : i32
        %add3A_288 = arith.addi %add3A_38, %add3A_287 : i32
        %dma_start3A_289 = arith.constant 3 : i32
        %dma_start3A_290 = arith.constant 0 : i32
        %dma_start3A_291 = arith.constant 0 : i32
        %dma_start3A_292 = tpu.memref_slice %arg10[%dma_start3A_289, %dma_start3A_290, %dma_start3A_291] : memref<16x20x128xf32, #tpu.memory_space<vmem>> -> memref<1x20x128xf32, #tpu.memory_space<vmem>>
        %dma_start3A_293 = tpu.memref_squeeze %dma_start3A_292 : memref<1x20x128xf32, #tpu.memory_space<vmem>> -> memref<20x128xf32, #tpu.memory_space<vmem>>
        %dma_start3A_294 = arith.constant 0 : i32
        %dma_start3A_295 = tpu.memref_slice %arg7[%add3A_288, %dma_start3A_294] : memref<64x20xi32, #tpu.memory_space<vmem>> -> memref<1x20xi32, #tpu.memory_space<vmem>>
        %dma_start3A_296 = tpu.memref_squeeze %dma_start3A_295 : memref<1x20xi32, #tpu.memory_space<vmem>> -> memref<20xi32, #tpu.memory_space<vmem>>
        %dma_start3A_297 = arith.constant 0 : i32
        %dma_start3A_298 = arith.constant 0 : i32
        %dma_start3A_299 = tpu.memref_slice %arg4[%dma_start3A_297, %dma_start3A_298] : memref<100000x128xf32, #tpu.memory_space<hbm>> -> memref<100000x128xf32, #tpu.memory_space<hbm>>
        tpu.enqueue_indirect_dma source(%dma_start3A_299 : memref<100000x128xf32, #tpu.memory_space<hbm>>) target(%dma_start3A_293 : memref<20x128xf32, #tpu.memory_space<vmem>>) offsets(%dma_start3A_296 : memref<20xi32, #tpu.memory_space<vmem>>) semaphore(%arg12 : memref<!tpu.dma_semaphore, #tpu.memory_space<semaphore_mem>>)
        %add3A_300 = arith.constant 4 : i32
        %add3A_301 = arith.addi %add3A_38, %add3A_300 : i32
        %dma_start3A_302 = arith.constant 4 : i32
        %dma_start3A_303 = arith.constant 0 : i32
        %dma_start3A_304 = arith.constant 0 : i32
        %dma_start3A_305 = tpu.memref_slice %arg10[%dma_start3A_302, %dma_start3A_303, %dma_start3A_304] : memref<16x20x128xf32, #tpu.memory_space<vmem>> -> memref<1x20x128xf32, #tpu.memory_space<vmem>>
        %dma_start3A_306 = tpu.memref_squeeze %dma_start3A_305 : memref<1x20x128xf32, #tpu.memory_space<vmem>> -> memref<20x128xf32, #tpu.memory_space<vmem>>
        %dma_start3A_307 = arith.constant 0 : i32
        %dma_start3A_308 = tpu.memref_slice %arg7[%add3A_301, %dma_start3A_307] : memref<64x20xi32, #tpu.memory_space<vmem>> -> memref<1x20xi32, #tpu.memory_space<vmem>>
        %dma_start3A_309 = tpu.memref_squeeze %dma_start3A_308 : memref<1x20xi32, #tpu.memory_space<vmem>> -> memref<20xi32, #tpu.memory_space<vmem>>
        %dma_start3A_310 = arith.constant 0 : i32
        %dma_start3A_311 = arith.constant 0 : i32
        %dma_start3A_312 = tpu.memref_slice %arg4[%dma_start3A_310, %dma_start3A_311] : memref<100000x128xf32, #tpu.memory_space<hbm>> -> memref<100000x128xf32, #tpu.memory_space<hbm>>
        tpu.enqueue_indirect_dma source(%dma_start3A_312 : memref<100000x128xf32, #tpu.memory_space<hbm>>) target(%dma_start3A_306 : memref<20x128xf32, #tpu.memory_space<vmem>>) offsets(%dma_start3A_309 : memref<20xi32, #tpu.memory_space<vmem>>) semaphore(%arg12 : memref<!tpu.dma_semaphore, #tpu.memory_space<semaphore_mem>>)
        %add3A_313 = arith.constant 5 : i32
        %add3A_314 = arith.addi %add3A_38, %add3A_313 : i32
        %dma_start3A_315 = arith.constant 5 : i32
        %dma_start3A_316 = arith.constant 0 : i32
        %dma_start3A_317 = arith.constant 0 : i32
        %dma_start3A_318 = tpu.memref_slice %arg10[%dma_start3A_315, %dma_start3A_316, %dma_start3A_317] : memref<16x20x128xf32, #tpu.memory_space<vmem>> -> memref<1x20x128xf32, #tpu.memory_space<vmem>>
        %dma_start3A_319 = tpu.memref_squeeze %dma_start3A_318 : memref<1x20x128xf32, #tpu.memory_space<vmem>> -> memref<20x128xf32, #tpu.memory_space<vmem>>
        %dma_start3A_320 = arith.constant 0 : i32
        %dma_start3A_321 = tpu.memref_slice %arg7[%add3A_314, %dma_start3A_320] : memref<64x20xi32, #tpu.memory_space<vmem>> -> memref<1x20xi32, #tpu.memory_space<vmem>>
        %dma_start3A_322 = tpu.memref_squeeze %dma_start3A_321 : memref<1x20xi32, #tpu.memory_space<vmem>> -> memref<20xi32, #tpu.memory_space<vmem>>
        %dma_start3A_323 = arith.constant 0 : i32
        %dma_start3A_324 = arith.constant 0 : i32
        %dma_start3A_325 = tpu.memref_slice %arg4[%dma_start3A_323, %dma_start3A_324] : memref<100000x128xf32, #tpu.memory_space<hbm>> -> memref<100000x128xf32, #tpu.memory_space<hbm>>
        tpu.enqueue_indirect_dma source(%dma_start3A_325 : memref<100000x128xf32, #tpu.memory_space<hbm>>) target(%dma_start3A_319 : memref<20x128xf32, #tpu.memory_space<vmem>>) offsets(%dma_start3A_322 : memref<20xi32, #tpu.memory_space<vmem>>) semaphore(%arg12 : memref<!tpu.dma_semaphore, #tpu.memory_space<semaphore_mem>>)
        %add3A_326 = arith.constant 6 : i32
        %add3A_327 = arith.addi %add3A_38, %add3A_326 : i32
        %dma_start3A_328 = arith.constant 6 : i32
        %dma_start3A_329 = arith.constant 0 : i32
        %dma_start3A_330 = arith.constant 0 : i32
        %dma_start3A_331 = tpu.memref_slice %arg10[%dma_start3A_328, %dma_start3A_329, %dma_start3A_330] : memref<16x20x128xf32, #tpu.memory_space<vmem>> -> memref<1x20x128xf32, #tpu.memory_space<vmem>>
        %dma_start3A_332 = tpu.memref_squeeze %dma_start3A_331 : memref<1x20x128xf32, #tpu.memory_space<vmem>> -> memref<20x128xf32, #tpu.memory_space<vmem>>
        %dma_start3A_333 = arith.constant 0 : i32
        %dma_start3A_334 = tpu.memref_slice %arg7[%add3A_327, %dma_start3A_333] : memref<64x20xi32, #tpu.memory_space<vmem>> -> memref<1x20xi32, #tpu.memory_space<vmem>>
        %dma_start3A_335 = tpu.memref_squeeze %dma_start3A_334 : memref<1x20xi32, #tpu.memory_space<vmem>> -> memref<20xi32, #tpu.memory_space<vmem>>
        %dma_start3A_336 = arith.constant 0 : i32
        %dma_start3A_337 = arith.constant 0 : i32
        %dma_start3A_338 = tpu.memref_slice %arg4[%dma_start3A_336, %dma_start3A_337] : memref<100000x128xf32, #tpu.memory_space<hbm>> -> memref<100000x128xf32, #tpu.memory_space<hbm>>
        tpu.enqueue_indirect_dma source(%dma_start3A_338 : memref<100000x128xf32, #tpu.memory_space<hbm>>) target(%dma_start3A_332 : memref<20x128xf32, #tpu.memory_space<vmem>>) offsets(%dma_start3A_335 : memref<20xi32, #tpu.memory_space<vmem>>) semaphore(%arg12 : memref<!tpu.dma_semaphore, #tpu.memory_space<semaphore_mem>>)
        %add3A_339 = arith.constant 7 : i32
        %add3A_340 = arith.addi %add3A_38, %add3A_339 : i32
        %dma_start3A_341 = arith.constant 7 : i32
        %dma_start3A_342 = arith.constant 0 : i32
        %dma_start3A_343 = arith.constant 0 : i32
        %dma_start3A_344 = tpu.memref_slice %arg10[%dma_start3A_341, %dma_start3A_342, %dma_start3A_343] : memref<16x20x128xf32, #tpu.memory_space<vmem>> -> memref<1x20x128xf32, #tpu.memory_space<vmem>>
        %dma_start3A_345 = tpu.memref_squeeze %dma_start3A_344 : memref<1x20x128xf32, #tpu.memory_space<vmem>> -> memref<20x128xf32, #tpu.memory_space<vmem>>
        %dma_start3A_346 = arith.constant 0 : i32
        %dma_start3A_347 = tpu.memref_slice %arg7[%add3A_340, %dma_start3A_346] : memref<64x20xi32, #tpu.memory_space<vmem>> -> memref<1x20xi32, #tpu.memory_space<vmem>>
        %dma_start3A_348 = tpu.memref_squeeze %dma_start3A_347 : memref<1x20xi32, #tpu.memory_space<vmem>> -> memref<20xi32, #tpu.memory_space<vmem>>
        %dma_start3A_349 = arith.constant 0 : i32
        %dma_start3A_350 = arith.constant 0 : i32
        %dma_start3A_351 = tpu.memref_slice %arg4[%dma_start3A_349, %dma_start3A_350] : memref<100000x128xf32, #tpu.memory_space<hbm>> -> memref<100000x128xf32, #tpu.memory_space<hbm>>
        tpu.enqueue_indirect_dma source(%dma_start3A_351 : memref<100000x128xf32, #tpu.memory_space<hbm>>) target(%dma_start3A_345 : memref<20x128xf32, #tpu.memory_space<vmem>>) offsets(%dma_start3A_348 : memref<20xi32, #tpu.memory_space<vmem>>) semaphore(%arg12 : memref<!tpu.dma_semaphore, #tpu.memory_space<semaphore_mem>>)
        %add3A_352 = arith.constant 8 : i32
        %add3A_353 = arith.addi %add3A_38, %add3A_352 : i32
        %dma_start3A_354 = arith.constant 8 : i32
        %dma_start3A_355 = arith.constant 0 : i32
        %dma_start3A_356 = arith.constant 0 : i32
        %dma_start3A_357 = tpu.memref_slice %arg10[%dma_start3A_354, %dma_start3A_355, %dma_start3A_356] : memref<16x20x128xf32, #tpu.memory_space<vmem>> -> memref<1x20x128xf32, #tpu.memory_space<vmem>>
        %dma_start3A_358 = tpu.memref_squeeze %dma_start3A_357 : memref<1x20x128xf32, #tpu.memory_space<vmem>> -> memref<20x128xf32, #tpu.memory_space<vmem>>
        %dma_start3A_359 = arith.constant 0 : i32
        %dma_start3A_360 = tpu.memref_slice %arg7[%add3A_353, %dma_start3A_359] : memref<64x20xi32, #tpu.memory_space<vmem>> -> memref<1x20xi32, #tpu.memory_space<vmem>>
        %dma_start3A_361 = tpu.memref_squeeze %dma_start3A_360 : memref<1x20xi32, #tpu.memory_space<vmem>> -> memref<20xi32, #tpu.memory_space<vmem>>
        %dma_start3A_362 = arith.constant 0 : i32
        %dma_start3A_363 = arith.constant 0 : i32
        %dma_start3A_364 = tpu.memref_slice %arg4[%dma_start3A_362, %dma_start3A_363] : memref<100000x128xf32, #tpu.memory_space<hbm>> -> memref<100000x128xf32, #tpu.memory_space<hbm>>
        tpu.enqueue_indirect_dma source(%dma_start3A_364 : memref<100000x128xf32, #tpu.memory_space<hbm>>) target(%dma_start3A_358 : memref<20x128xf32, #tpu.memory_space<vmem>>) offsets(%dma_start3A_361 : memref<20xi32, #tpu.memory_space<vmem>>) semaphore(%arg12 : memref<!tpu.dma_semaphore, #tpu.memory_space<semaphore_mem>>)
        %add3A_365 = arith.constant 9 : i32
        %add3A_366 = arith.addi %add3A_38, %add3A_365 : i32
        %dma_start3A_367 = arith.constant 9 : i32
        %dma_start3A_368 = arith.constant 0 : i32
        %dma_start3A_369 = arith.constant 0 : i32
        %dma_start3A_370 = tpu.memref_slice %arg10[%dma_start3A_367, %dma_start3A_368, %dma_start3A_369] : memref<16x20x128xf32, #tpu.memory_space<vmem>> -> memref<1x20x128xf32, #tpu.memory_space<vmem>>
        %dma_start3A_371 = tpu.memref_squeeze %dma_start3A_370 : memref<1x20x128xf32, #tpu.memory_space<vmem>> -> memref<20x128xf32, #tpu.memory_space<vmem>>
        %dma_start3A_372 = arith.constant 0 : i32
        %dma_start3A_373 = tpu.memref_slice %arg7[%add3A_366, %dma_start3A_372] : memref<64x20xi32, #tpu.memory_space<vmem>> -> memref<1x20xi32, #tpu.memory_space<vmem>>
        %dma_start3A_374 = tpu.memref_squeeze %dma_start3A_373 : memref<1x20xi32, #tpu.memory_space<vmem>> -> memref<20xi32, #tpu.memory_space<vmem>>
        %dma_start3A_375 = arith.constant 0 : i32
        %dma_start3A_376 = arith.constant 0 : i32
        %dma_start3A_377 = tpu.memref_slice %arg4[%dma_start3A_375, %dma_start3A_376] : memref<100000x128xf32, #tpu.memory_space<hbm>> -> memref<100000x128xf32, #tpu.memory_space<hbm>>
        tpu.enqueue_indirect_dma source(%dma_start3A_377 : memref<100000x128xf32, #tpu.memory_space<hbm>>) target(%dma_start3A_371 : memref<20x128xf32, #tpu.memory_space<vmem>>) offsets(%dma_start3A_374 : memref<20xi32, #tpu.memory_space<vmem>>) semaphore(%arg12 : memref<!tpu.dma_semaphore, #tpu.memory_space<semaphore_mem>>)
        %add3A_378 = arith.constant 10 : i32
        %add3A_379 = arith.addi %add3A_38, %add3A_378 : i32
        %dma_start3A_380 = arith.constant 10 : i32
        %dma_start3A_381 = arith.constant 0 : i32
        %dma_start3A_382 = arith.constant 0 : i32
        %dma_start3A_383 = tpu.memref_slice %arg10[%dma_start3A_380, %dma_start3A_381, %dma_start3A_382] : memref<16x20x128xf32, #tpu.memory_space<vmem>> -> memref<1x20x128xf32, #tpu.memory_space<vmem>>
        %dma_start3A_384 = tpu.memref_squeeze %dma_start3A_383 : memref<1x20x128xf32, #tpu.memory_space<vmem>> -> memref<20x128xf32, #tpu.memory_space<vmem>>
        %dma_start3A_385 = arith.constant 0 : i32
        %dma_start3A_386 = tpu.memref_slice %arg7[%add3A_379, %dma_start3A_385] : memref<64x20xi32, #tpu.memory_space<vmem>> -> memref<1x20xi32, #tpu.memory_space<vmem>>
        %dma_start3A_387 = tpu.memref_squeeze %dma_start3A_386 : memref<1x20xi32, #tpu.memory_space<vmem>> -> memref<20xi32, #tpu.memory_space<vmem>>
        %dma_start3A_388 = arith.constant 0 : i32
        %dma_start3A_389 = arith.constant 0 : i32
        %dma_start3A_390 = tpu.memref_slice %arg4[%dma_start3A_388, %dma_start3A_389] : memref<100000x128xf32, #tpu.memory_space<hbm>> -> memref<100000x128xf32, #tpu.memory_space<hbm>>
        tpu.enqueue_indirect_dma source(%dma_start3A_390 : memref<100000x128xf32, #tpu.memory_space<hbm>>) target(%dma_start3A_384 : memref<20x128xf32, #tpu.memory_space<vmem>>) offsets(%dma_start3A_387 : memref<20xi32, #tpu.memory_space<vmem>>) semaphore(%arg12 : memref<!tpu.dma_semaphore, #tpu.memory_space<semaphore_mem>>)
        %add3A_391 = arith.constant 11 : i32
        %add3A_392 = arith.addi %add3A_38, %add3A_391 : i32
        %dma_start3A_393 = arith.constant 11 : i32
        %dma_start3A_394 = arith.constant 0 : i32
        %dma_start3A_395 = arith.constant 0 : i32
        %dma_start3A_396 = tpu.memref_slice %arg10[%dma_start3A_393, %dma_start3A_394, %dma_start3A_395] : memref<16x20x128xf32, #tpu.memory_space<vmem>> -> memref<1x20x128xf32, #tpu.memory_space<vmem>>
        %dma_start3A_397 = tpu.memref_squeeze %dma_start3A_396 : memref<1x20x128xf32, #tpu.memory_space<vmem>> -> memref<20x128xf32, #tpu.memory_space<vmem>>
        %dma_start3A_398 = arith.constant 0 : i32
        %dma_start3A_399 = tpu.memref_slice %arg7[%add3A_392, %dma_start3A_398] : memref<64x20xi32, #tpu.memory_space<vmem>> -> memref<1x20xi32, #tpu.memory_space<vmem>>
        %dma_start3A_400 = tpu.memref_squeeze %dma_start3A_399 : memref<1x20xi32, #tpu.memory_space<vmem>> -> memref<20xi32, #tpu.memory_space<vmem>>
        %dma_start3A_401 = arith.constant 0 : i32
        %dma_start3A_402 = arith.constant 0 : i32
        %dma_start3A_403 = tpu.memref_slice %arg4[%dma_start3A_401, %dma_start3A_402] : memref<100000x128xf32, #tpu.memory_space<hbm>> -> memref<100000x128xf32, #tpu.memory_space<hbm>>
        tpu.enqueue_indirect_dma source(%dma_start3A_403 : memref<100000x128xf32, #tpu.memory_space<hbm>>) target(%dma_start3A_397 : memref<20x128xf32, #tpu.memory_space<vmem>>) offsets(%dma_start3A_400 : memref<20xi32, #tpu.memory_space<vmem>>) semaphore(%arg12 : memref<!tpu.dma_semaphore, #tpu.memory_space<semaphore_mem>>)
        %add3A_404 = arith.constant 12 : i32
        %add3A_405 = arith.addi %add3A_38, %add3A_404 : i32
        %dma_start3A_406 = arith.constant 12 : i32
        %dma_start3A_407 = arith.constant 0 : i32
        %dma_start3A_408 = arith.constant 0 : i32
        %dma_start3A_409 = tpu.memref_slice %arg10[%dma_start3A_406, %dma_start3A_407, %dma_start3A_408] : memref<16x20x128xf32, #tpu.memory_space<vmem>> -> memref<1x20x128xf32, #tpu.memory_space<vmem>>
        %dma_start3A_410 = tpu.memref_squeeze %dma_start3A_409 : memref<1x20x128xf32, #tpu.memory_space<vmem>> -> memref<20x128xf32, #tpu.memory_space<vmem>>
        %dma_start3A_411 = arith.constant 0 : i32
        %dma_start3A_412 = tpu.memref_slice %arg7[%add3A_405, %dma_start3A_411] : memref<64x20xi32, #tpu.memory_space<vmem>> -> memref<1x20xi32, #tpu.memory_space<vmem>>
        %dma_start3A_413 = tpu.memref_squeeze %dma_start3A_412 : memref<1x20xi32, #tpu.memory_space<vmem>> -> memref<20xi32, #tpu.memory_space<vmem>>
        %dma_start3A_414 = arith.constant 0 : i32
        %dma_start3A_415 = arith.constant 0 : i32
        %dma_start3A_416 = tpu.memref_slice %arg4[%dma_start3A_414, %dma_start3A_415] : memref<100000x128xf32, #tpu.memory_space<hbm>> -> memref<100000x128xf32, #tpu.memory_space<hbm>>
        tpu.enqueue_indirect_dma source(%dma_start3A_416 : memref<100000x128xf32, #tpu.memory_space<hbm>>) target(%dma_start3A_410 : memref<20x128xf32, #tpu.memory_space<vmem>>) offsets(%dma_start3A_413 : memref<20xi32, #tpu.memory_space<vmem>>) semaphore(%arg12 : memref<!tpu.dma_semaphore, #tpu.memory_space<semaphore_mem>>)
        %add3A_417 = arith.constant 13 : i32
        %add3A_418 = arith.addi %add3A_38, %add3A_417 : i32
        %dma_start3A_419 = arith.constant 13 : i32
        %dma_start3A_420 = arith.constant 0 : i32
        %dma_start3A_421 = arith.constant 0 : i32
        %dma_start3A_422 = tpu.memref_slice %arg10[%dma_start3A_419, %dma_start3A_420, %dma_start3A_421] : memref<16x20x128xf32, #tpu.memory_space<vmem>> -> memref<1x20x128xf32, #tpu.memory_space<vmem>>
        %dma_start3A_423 = tpu.memref_squeeze %dma_start3A_422 : memref<1x20x128xf32, #tpu.memory_space<vmem>> -> memref<20x128xf32, #tpu.memory_space<vmem>>
        %dma_start3A_424 = arith.constant 0 : i32
        %dma_start3A_425 = tpu.memref_slice %arg7[%add3A_418, %dma_start3A_424] : memref<64x20xi32, #tpu.memory_space<vmem>> -> memref<1x20xi32, #tpu.memory_space<vmem>>
        %dma_start3A_426 = tpu.memref_squeeze %dma_start3A_425 : memref<1x20xi32, #tpu.memory_space<vmem>> -> memref<20xi32, #tpu.memory_space<vmem>>
        %dma_start3A_427 = arith.constant 0 : i32
        %dma_start3A_428 = arith.constant 0 : i32
        %dma_start3A_429 = tpu.memref_slice %arg4[%dma_start3A_427, %dma_start3A_428] : memref<100000x128xf32, #tpu.memory_space<hbm>> -> memref<100000x128xf32, #tpu.memory_space<hbm>>
        tpu.enqueue_indirect_dma source(%dma_start3A_429 : memref<100000x128xf32, #tpu.memory_space<hbm>>) target(%dma_start3A_423 : memref<20x128xf32, #tpu.memory_space<vmem>>) offsets(%dma_start3A_426 : memref<20xi32, #tpu.memory_space<vmem>>) semaphore(%arg12 : memref<!tpu.dma_semaphore, #tpu.memory_space<semaphore_mem>>)
        %add3A_430 = arith.constant 14 : i32
        %add3A_431 = arith.addi %add3A_38, %add3A_430 : i32
        %dma_start3A_432 = arith.constant 14 : i32
        %dma_start3A_433 = arith.constant 0 : i32
        %dma_start3A_434 = arith.constant 0 : i32
        %dma_start3A_435 = tpu.memref_slice %arg10[%dma_start3A_432, %dma_start3A_433, %dma_start3A_434] : memref<16x20x128xf32, #tpu.memory_space<vmem>> -> memref<1x20x128xf32, #tpu.memory_space<vmem>>
        %dma_start3A_436 = tpu.memref_squeeze %dma_start3A_435 : memref<1x20x128xf32, #tpu.memory_space<vmem>> -> memref<20x128xf32, #tpu.memory_space<vmem>>
        %dma_start3A_437 = arith.constant 0 : i32
        %dma_start3A_438 = tpu.memref_slice %arg7[%add3A_431, %dma_start3A_437] : memref<64x20xi32, #tpu.memory_space<vmem>> -> memref<1x20xi32, #tpu.memory_space<vmem>>
        %dma_start3A_439 = tpu.memref_squeeze %dma_start3A_438 : memref<1x20xi32, #tpu.memory_space<vmem>> -> memref<20xi32, #tpu.memory_space<vmem>>
        %dma_start3A_440 = arith.constant 0 : i32
        %dma_start3A_441 = arith.constant 0 : i32
        %dma_start3A_442 = tpu.memref_slice %arg4[%dma_start3A_440, %dma_start3A_441] : memref<100000x128xf32, #tpu.memory_space<hbm>> -> memref<100000x128xf32, #tpu.memory_space<hbm>>
        tpu.enqueue_indirect_dma source(%dma_start3A_442 : memref<100000x128xf32, #tpu.memory_space<hbm>>) target(%dma_start3A_436 : memref<20x128xf32, #tpu.memory_space<vmem>>) offsets(%dma_start3A_439 : memref<20xi32, #tpu.memory_space<vmem>>) semaphore(%arg12 : memref<!tpu.dma_semaphore, #tpu.memory_space<semaphore_mem>>)
        %add3A_443 = arith.constant 15 : i32
        %add3A_444 = arith.addi %add3A_38, %add3A_443 : i32
        %dma_start3A_445 = arith.constant 15 : i32
        %dma_start3A_446 = arith.constant 0 : i32
        %dma_start3A_447 = arith.constant 0 : i32
        %dma_start3A_448 = tpu.memref_slice %arg10[%dma_start3A_445, %dma_start3A_446, %dma_start3A_447] : memref<16x20x128xf32, #tpu.memory_space<vmem>> -> memref<1x20x128xf32, #tpu.memory_space<vmem>>
        %dma_start3A_449 = tpu.memref_squeeze %dma_start3A_448 : memref<1x20x128xf32, #tpu.memory_space<vmem>> -> memref<20x128xf32, #tpu.memory_space<vmem>>
        %dma_start3A_450 = arith.constant 0 : i32
        %dma_start3A_451 = tpu.memref_slice %arg7[%add3A_444, %dma_start3A_450] : memref<64x20xi32, #tpu.memory_space<vmem>> -> memref<1x20xi32, #tpu.memory_space<vmem>>
        %dma_start3A_452 = tpu.memref_squeeze %dma_start3A_451 : memref<1x20xi32, #tpu.memory_space<vmem>> -> memref<20xi32, #tpu.memory_space<vmem>>
        %dma_start3A_453 = arith.constant 0 : i32
        %dma_start3A_454 = arith.constant 0 : i32
        %dma_start3A_455 = tpu.memref_slice %arg4[%dma_start3A_453, %dma_start3A_454] : memref<100000x128xf32, #tpu.memory_space<hbm>> -> memref<100000x128xf32, #tpu.memory_space<hbm>>
        tpu.enqueue_indirect_dma source(%dma_start3A_455 : memref<100000x128xf32, #tpu.memory_space<hbm>>) target(%dma_start3A_449 : memref<20x128xf32, #tpu.memory_space<vmem>>) offsets(%dma_start3A_452 : memref<20xi32, #tpu.memory_space<vmem>>) semaphore(%arg12 : memref<!tpu.dma_semaphore, #tpu.memory_space<semaphore_mem>>)
        %dma_wait3A_456 = arith.constant 0 : i32
        %dma_wait3A_457 = arith.constant 0 : i32
        %dma_wait3A_458 = arith.constant 0 : i32
        %dma_wait3A_459 = tpu.memref_slice %arg9[%dma_wait3A_456, %dma_wait3A_457, %dma_wait3A_458] : memref<16x20x128xf32, #tpu.memory_space<vmem>> -> memref<1x20x128xf32, #tpu.memory_space<vmem>>
        %dma_wait3A_460 = tpu.memref_squeeze %dma_wait3A_459 : memref<1x20x128xf32, #tpu.memory_space<vmem>> -> memref<20x128xf32, #tpu.memory_space<vmem>>
        %dma_wait3A_461 = arith.constant 0 : i32
        %dma_wait3A_462 = tpu.memref_slice %arg7[%add3A_42, %dma_wait3A_461] : memref<64x20xi32, #tpu.memory_space<vmem>> -> memref<1x20xi32, #tpu.memory_space<vmem>>
        %dma_wait3A_463 = tpu.memref_squeeze %dma_wait3A_462 : memref<1x20xi32, #tpu.memory_space<vmem>> -> memref<20xi32, #tpu.memory_space<vmem>>
        %dma_wait3A_464 = arith.constant 0 : i32
        %dma_wait3A_465 = arith.constant 0 : i32
        %dma_wait3A_466 = tpu.memref_slice %arg4[%dma_wait3A_464, %dma_wait3A_465] : memref<100000x128xf32, #tpu.memory_space<hbm>> -> memref<100000x128xf32, #tpu.memory_space<hbm>>
        tpu.wait_indirect_dma semaphore(%arg11 : memref<!tpu.dma_semaphore, #tpu.memory_space<semaphore_mem>>) src(%dma_wait3A_466 : memref<100000x128xf32, #tpu.memory_space<hbm>>) dst(%dma_wait3A_460 : memref<20x128xf32, #tpu.memory_space<vmem>>)
        %dma_wait3A_467 = arith.constant 1 : i32
        %dma_wait3A_468 = arith.constant 0 : i32
        %dma_wait3A_469 = arith.constant 0 : i32
        %dma_wait3A_470 = tpu.memref_slice %arg9[%dma_wait3A_467, %dma_wait3A_468, %dma_wait3A_469] : memref<16x20x128xf32, #tpu.memory_space<vmem>> -> memref<1x20x128xf32, #tpu.memory_space<vmem>>
        %dma_wait3A_471 = tpu.memref_squeeze %dma_wait3A_470 : memref<1x20x128xf32, #tpu.memory_space<vmem>> -> memref<20x128xf32, #tpu.memory_space<vmem>>
        %dma_wait3A_472 = arith.constant 0 : i32
        %dma_wait3A_473 = tpu.memref_slice %arg7[%add3A_54, %dma_wait3A_472] : memref<64x20xi32, #tpu.memory_space<vmem>> -> memref<1x20xi32, #tpu.memory_space<vmem>>
        %dma_wait3A_474 = tpu.memref_squeeze %dma_wait3A_473 : memref<1x20xi32, #tpu.memory_space<vmem>> -> memref<20xi32, #tpu.memory_space<vmem>>
        %dma_wait3A_475 = arith.constant 0 : i32
        %dma_wait3A_476 = arith.constant 0 : i32
        %dma_wait3A_477 = tpu.memref_slice %arg4[%dma_wait3A_475, %dma_wait3A_476] : memref<100000x128xf32, #tpu.memory_space<hbm>> -> memref<100000x128xf32, #tpu.memory_space<hbm>>
        tpu.wait_indirect_dma semaphore(%arg11 : memref<!tpu.dma_semaphore, #tpu.memory_space<semaphore_mem>>) src(%dma_wait3A_477 : memref<100000x128xf32, #tpu.memory_space<hbm>>) dst(%dma_wait3A_471 : memref<20x128xf32, #tpu.memory_space<vmem>>)
        %dma_wait3A_478 = arith.constant 2 : i32
        %dma_wait3A_479 = arith.constant 0 : i32
        %dma_wait3A_480 = arith.constant 0 : i32
        %dma_wait3A_481 = tpu.memref_slice %arg9[%dma_wait3A_478, %dma_wait3A_479, %dma_wait3A_480] : memref<16x20x128xf32, #tpu.memory_space<vmem>> -> memref<1x20x128xf32, #tpu.memory_space<vmem>>
        %dma_wait3A_482 = tpu.memref_squeeze %dma_wait3A_481 : memref<1x20x128xf32, #tpu.memory_space<vmem>> -> memref<20x128xf32, #tpu.memory_space<vmem>>
        %dma_wait3A_483 = arith.constant 0 : i32
        %dma_wait3A_484 = tpu.memref_slice %arg7[%add3A_67, %dma_wait3A_483] : memref<64x20xi32, #tpu.memory_space<vmem>> -> memref<1x20xi32, #tpu.memory_space<vmem>>
        %dma_wait3A_485 = tpu.memref_squeeze %dma_wait3A_484 : memref<1x20xi32, #tpu.memory_space<vmem>> -> memref<20xi32, #tpu.memory_space<vmem>>
        %dma_wait3A_486 = arith.constant 0 : i32
        %dma_wait3A_487 = arith.constant 0 : i32
        %dma_wait3A_488 = tpu.memref_slice %arg4[%dma_wait3A_486, %dma_wait3A_487] : memref<100000x128xf32, #tpu.memory_space<hbm>> -> memref<100000x128xf32, #tpu.memory_space<hbm>>
        tpu.wait_indirect_dma semaphore(%arg11 : memref<!tpu.dma_semaphore, #tpu.memory_space<semaphore_mem>>) src(%dma_wait3A_488 : memref<100000x128xf32, #tpu.memory_space<hbm>>) dst(%dma_wait3A_482 : memref<20x128xf32, #tpu.memory_space<vmem>>)
        %dma_wait3A_489 = arith.constant 3 : i32
        %dma_wait3A_490 = arith.constant 0 : i32
        %dma_wait3A_491 = arith.constant 0 : i32
        %dma_wait3A_492 = tpu.memref_slice %arg9[%dma_wait3A_489, %dma_wait3A_490, %dma_wait3A_491] : memref<16x20x128xf32, #tpu.memory_space<vmem>> -> memref<1x20x128xf32, #tpu.memory_space<vmem>>
        %dma_wait3A_493 = tpu.memref_squeeze %dma_wait3A_492 : memref<1x20x128xf32, #tpu.memory_space<vmem>> -> memref<20x128xf32, #tpu.memory_space<vmem>>
        %dma_wait3A_494 = arith.constant 0 : i32
        %dma_wait3A_495 = tpu.memref_slice %arg7[%add3A_80, %dma_wait3A_494] : memref<64x20xi32, #tpu.memory_space<vmem>> -> memref<1x20xi32, #tpu.memory_space<vmem>>
        %dma_wait3A_496 = tpu.memref_squeeze %dma_wait3A_495 : memref<1x20xi32, #tpu.memory_space<vmem>> -> memref<20xi32, #tpu.memory_space<vmem>>
        %dma_wait3A_497 = arith.constant 0 : i32
        %dma_wait3A_498 = arith.constant 0 : i32
        %dma_wait3A_499 = tpu.memref_slice %arg4[%dma_wait3A_497, %dma_wait3A_498] : memref<100000x128xf32, #tpu.memory_space<hbm>> -> memref<100000x128xf32, #tpu.memory_space<hbm>>
        tpu.wait_indirect_dma semaphore(%arg11 : memref<!tpu.dma_semaphore, #tpu.memory_space<semaphore_mem>>) src(%dma_wait3A_499 : memref<100000x128xf32, #tpu.memory_space<hbm>>) dst(%dma_wait3A_493 : memref<20x128xf32, #tpu.memory_space<vmem>>)
        %dma_wait3A_500 = arith.constant 4 : i32
        %dma_wait3A_501 = arith.constant 0 : i32
        %dma_wait3A_502 = arith.constant 0 : i32
        %dma_wait3A_503 = tpu.memref_slice %arg9[%dma_wait3A_500, %dma_wait3A_501, %dma_wait3A_502] : memref<16x20x128xf32, #tpu.memory_space<vmem>> -> memref<1x20x128xf32, #tpu.memory_space<vmem>>
        %dma_wait3A_504 = tpu.memref_squeeze %dma_wait3A_503 : memref<1x20x128xf32, #tpu.memory_space<vmem>> -> memref<20x128xf32, #tpu.memory_space<vmem>>
        %dma_wait3A_505 = arith.constant 0 : i32
        %dma_wait3A_506 = tpu.memref_slice %arg7[%add3A_93, %dma_wait3A_505] : memref<64x20xi32, #tpu.memory_space<vmem>> -> memref<1x20xi32, #tpu.memory_space<vmem>>
        %dma_wait3A_507 = tpu.memref_squeeze %dma_wait3A_506 : memref<1x20xi32, #tpu.memory_space<vmem>> -> memref<20xi32, #tpu.memory_space<vmem>>
        %dma_wait3A_508 = arith.constant 0 : i32
        %dma_wait3A_509 = arith.constant 0 : i32
        %dma_wait3A_510 = tpu.memref_slice %arg4[%dma_wait3A_508, %dma_wait3A_509] : memref<100000x128xf32, #tpu.memory_space<hbm>> -> memref<100000x128xf32, #tpu.memory_space<hbm>>
        tpu.wait_indirect_dma semaphore(%arg11 : memref<!tpu.dma_semaphore, #tpu.memory_space<semaphore_mem>>) src(%dma_wait3A_510 : memref<100000x128xf32, #tpu.memory_space<hbm>>) dst(%dma_wait3A_504 : memref<20x128xf32, #tpu.memory_space<vmem>>)
        %dma_wait3A_511 = arith.constant 5 : i32
        %dma_wait3A_512 = arith.constant 0 : i32
        %dma_wait3A_513 = arith.constant 0 : i32
        %dma_wait3A_514 = tpu.memref_slice %arg9[%dma_wait3A_511, %dma_wait3A_512, %dma_wait3A_513] : memref<16x20x128xf32, #tpu.memory_space<vmem>> -> memref<1x20x128xf32, #tpu.memory_space<vmem>>
        %dma_wait3A_515 = tpu.memref_squeeze %dma_wait3A_514 : memref<1x20x128xf32, #tpu.memory_space<vmem>> -> memref<20x128xf32, #tpu.memory_space<vmem>>
        %dma_wait3A_516 = arith.constant 0 : i32
        %dma_wait3A_517 = tpu.memref_slice %arg7[%add3A_106, %dma_wait3A_516] : memref<64x20xi32, #tpu.memory_space<vmem>> -> memref<1x20xi32, #tpu.memory_space<vmem>>
        %dma_wait3A_518 = tpu.memref_squeeze %dma_wait3A_517 : memref<1x20xi32, #tpu.memory_space<vmem>> -> memref<20xi32, #tpu.memory_space<vmem>>
        %dma_wait3A_519 = arith.constant 0 : i32
        %dma_wait3A_520 = arith.constant 0 : i32
        %dma_wait3A_521 = tpu.memref_slice %arg4[%dma_wait3A_519, %dma_wait3A_520] : memref<100000x128xf32, #tpu.memory_space<hbm>> -> memref<100000x128xf32, #tpu.memory_space<hbm>>
        tpu.wait_indirect_dma semaphore(%arg11 : memref<!tpu.dma_semaphore, #tpu.memory_space<semaphore_mem>>) src(%dma_wait3A_521 : memref<100000x128xf32, #tpu.memory_space<hbm>>) dst(%dma_wait3A_515 : memref<20x128xf32, #tpu.memory_space<vmem>>)
        %dma_wait3A_522 = arith.constant 6 : i32
        %dma_wait3A_523 = arith.constant 0 : i32
        %dma_wait3A_524 = arith.constant 0 : i32
        %dma_wait3A_525 = tpu.memref_slice %arg9[%dma_wait3A_522, %dma_wait3A_523, %dma_wait3A_524] : memref<16x20x128xf32, #tpu.memory_space<vmem>> -> memref<1x20x128xf32, #tpu.memory_space<vmem>>
        %dma_wait3A_526 = tpu.memref_squeeze %dma_wait3A_525 : memref<1x20x128xf32, #tpu.memory_space<vmem>> -> memref<20x128xf32, #tpu.memory_space<vmem>>
        %dma_wait3A_527 = arith.constant 0 : i32
        %dma_wait3A_528 = tpu.memref_slice %arg7[%add3A_119, %dma_wait3A_527] : memref<64x20xi32, #tpu.memory_space<vmem>> -> memref<1x20xi32, #tpu.memory_space<vmem>>
        %dma_wait3A_529 = tpu.memref_squeeze %dma_wait3A_528 : memref<1x20xi32, #tpu.memory_space<vmem>> -> memref<20xi32, #tpu.memory_space<vmem>>
        %dma_wait3A_530 = arith.constant 0 : i32
        %dma_wait3A_531 = arith.constant 0 : i32
        %dma_wait3A_532 = tpu.memref_slice %arg4[%dma_wait3A_530, %dma_wait3A_531] : memref<100000x128xf32, #tpu.memory_space<hbm>> -> memref<100000x128xf32, #tpu.memory_space<hbm>>
        tpu.wait_indirect_dma semaphore(%arg11 : memref<!tpu.dma_semaphore, #tpu.memory_space<semaphore_mem>>) src(%dma_wait3A_532 : memref<100000x128xf32, #tpu.memory_space<hbm>>) dst(%dma_wait3A_526 : memref<20x128xf32, #tpu.memory_space<vmem>>)
        %dma_wait3A_533 = arith.constant 7 : i32
        %dma_wait3A_534 = arith.constant 0 : i32
        %dma_wait3A_535 = arith.constant 0 : i32
        %dma_wait3A_536 = tpu.memref_slice %arg9[%dma_wait3A_533, %dma_wait3A_534, %dma_wait3A_535] : memref<16x20x128xf32, #tpu.memory_space<vmem>> -> memref<1x20x128xf32, #tpu.memory_space<vmem>>
        %dma_wait3A_537 = tpu.memref_squeeze %dma_wait3A_536 : memref<1x20x128xf32, #tpu.memory_space<vmem>> -> memref<20x128xf32, #tpu.memory_space<vmem>>
        %dma_wait3A_538 = arith.constant 0 : i32
        %dma_wait3A_539 = tpu.memref_slice %arg7[%add3A_132, %dma_wait3A_538] : memref<64x20xi32, #tpu.memory_space<vmem>> -> memref<1x20xi32, #tpu.memory_space<vmem>>
        %dma_wait3A_540 = tpu.memref_squeeze %dma_wait3A_539 : memref<1x20xi32, #tpu.memory_space<vmem>> -> memref<20xi32, #tpu.memory_space<vmem>>
        %dma_wait3A_541 = arith.constant 0 : i32
        %dma_wait3A_542 = arith.constant 0 : i32
        %dma_wait3A_543 = tpu.memref_slice %arg4[%dma_wait3A_541, %dma_wait3A_542] : memref<100000x128xf32, #tpu.memory_space<hbm>> -> memref<100000x128xf32, #tpu.memory_space<hbm>>
        tpu.wait_indirect_dma semaphore(%arg11 : memref<!tpu.dma_semaphore, #tpu.memory_space<semaphore_mem>>) src(%dma_wait3A_543 : memref<100000x128xf32, #tpu.memory_space<hbm>>) dst(%dma_wait3A_537 : memref<20x128xf32, #tpu.memory_space<vmem>>)
        %dma_wait3A_544 = arith.constant 8 : i32
        %dma_wait3A_545 = arith.constant 0 : i32
        %dma_wait3A_546 = arith.constant 0 : i32
        %dma_wait3A_547 = tpu.memref_slice %arg9[%dma_wait3A_544, %dma_wait3A_545, %dma_wait3A_546] : memref<16x20x128xf32, #tpu.memory_space<vmem>> -> memref<1x20x128xf32, #tpu.memory_space<vmem>>
        %dma_wait3A_548 = tpu.memref_squeeze %dma_wait3A_547 : memref<1x20x128xf32, #tpu.memory_space<vmem>> -> memref<20x128xf32, #tpu.memory_space<vmem>>
        %dma_wait3A_549 = arith.constant 0 : i32
        %dma_wait3A_550 = tpu.memref_slice %arg7[%add3A_145, %dma_wait3A_549] : memref<64x20xi32, #tpu.memory_space<vmem>> -> memref<1x20xi32, #tpu.memory_space<vmem>>
        %dma_wait3A_551 = tpu.memref_squeeze %dma_wait3A_550 : memref<1x20xi32, #tpu.memory_space<vmem>> -> memref<20xi32, #tpu.memory_space<vmem>>
        %dma_wait3A_552 = arith.constant 0 : i32
        %dma_wait3A_553 = arith.constant 0 : i32
        %dma_wait3A_554 = tpu.memref_slice %arg4[%dma_wait3A_552, %dma_wait3A_553] : memref<100000x128xf32, #tpu.memory_space<hbm>> -> memref<100000x128xf32, #tpu.memory_space<hbm>>
        tpu.wait_indirect_dma semaphore(%arg11 : memref<!tpu.dma_semaphore, #tpu.memory_space<semaphore_mem>>) src(%dma_wait3A_554 : memref<100000x128xf32, #tpu.memory_space<hbm>>) dst(%dma_wait3A_548 : memref<20x128xf32, #tpu.memory_space<vmem>>)
        %dma_wait3A_555 = arith.constant 9 : i32
        %dma_wait3A_556 = arith.constant 0 : i32
        %dma_wait3A_557 = arith.constant 0 : i32
        %dma_wait3A_558 = tpu.memref_slice %arg9[%dma_wait3A_555, %dma_wait3A_556, %dma_wait3A_557] : memref<16x20x128xf32, #tpu.memory_space<vmem>> -> memref<1x20x128xf32, #tpu.memory_space<vmem>>
        %dma_wait3A_559 = tpu.memref_squeeze %dma_wait3A_558 : memref<1x20x128xf32, #tpu.memory_space<vmem>> -> memref<20x128xf32, #tpu.memory_space<vmem>>
        %dma_wait3A_560 = arith.constant 0 : i32
        %dma_wait3A_561 = tpu.memref_slice %arg7[%add3A_158, %dma_wait3A_560] : memref<64x20xi32, #tpu.memory_space<vmem>> -> memref<1x20xi32, #tpu.memory_space<vmem>>
        %dma_wait3A_562 = tpu.memref_squeeze %dma_wait3A_561 : memref<1x20xi32, #tpu.memory_space<vmem>> -> memref<20xi32, #tpu.memory_space<vmem>>
        %dma_wait3A_563 = arith.constant 0 : i32
        %dma_wait3A_564 = arith.constant 0 : i32
        %dma_wait3A_565 = tpu.memref_slice %arg4[%dma_wait3A_563, %dma_wait3A_564] : memref<100000x128xf32, #tpu.memory_space<hbm>> -> memref<100000x128xf32, #tpu.memory_space<hbm>>
        tpu.wait_indirect_dma semaphore(%arg11 : memref<!tpu.dma_semaphore, #tpu.memory_space<semaphore_mem>>) src(%dma_wait3A_565 : memref<100000x128xf32, #tpu.memory_space<hbm>>) dst(%dma_wait3A_559 : memref<20x128xf32, #tpu.memory_space<vmem>>)
        %dma_wait3A_566 = arith.constant 10 : i32
        %dma_wait3A_567 = arith.constant 0 : i32
        %dma_wait3A_568 = arith.constant 0 : i32
        %dma_wait3A_569 = tpu.memref_slice %arg9[%dma_wait3A_566, %dma_wait3A_567, %dma_wait3A_568] : memref<16x20x128xf32, #tpu.memory_space<vmem>> -> memref<1x20x128xf32, #tpu.memory_space<vmem>>
        %dma_wait3A_570 = tpu.memref_squeeze %dma_wait3A_569 : memref<1x20x128xf32, #tpu.memory_space<vmem>> -> memref<20x128xf32, #tpu.memory_space<vmem>>
        %dma_wait3A_571 = arith.constant 0 : i32
        %dma_wait3A_572 = tpu.memref_slice %arg7[%add3A_171, %dma_wait3A_571] : memref<64x20xi32, #tpu.memory_space<vmem>> -> memref<1x20xi32, #tpu.memory_space<vmem>>
        %dma_wait3A_573 = tpu.memref_squeeze %dma_wait3A_572 : memref<1x20xi32, #tpu.memory_space<vmem>> -> memref<20xi32, #tpu.memory_space<vmem>>
        %dma_wait3A_574 = arith.constant 0 : i32
        %dma_wait3A_575 = arith.constant 0 : i32
        %dma_wait3A_576 = tpu.memref_slice %arg4[%dma_wait3A_574, %dma_wait3A_575] : memref<100000x128xf32, #tpu.memory_space<hbm>> -> memref<100000x128xf32, #tpu.memory_space<hbm>>
        tpu.wait_indirect_dma semaphore(%arg11 : memref<!tpu.dma_semaphore, #tpu.memory_space<semaphore_mem>>) src(%dma_wait3A_576 : memref<100000x128xf32, #tpu.memory_space<hbm>>) dst(%dma_wait3A_570 : memref<20x128xf32, #tpu.memory_space<vmem>>)
        %dma_wait3A_577 = arith.constant 11 : i32
        %dma_wait3A_578 = arith.constant 0 : i32
        %dma_wait3A_579 = arith.constant 0 : i32
        %dma_wait3A_580 = tpu.memref_slice %arg9[%dma_wait3A_577, %dma_wait3A_578, %dma_wait3A_579] : memref<16x20x128xf32, #tpu.memory_space<vmem>> -> memref<1x20x128xf32, #tpu.memory_space<vmem>>
        %dma_wait3A_581 = tpu.memref_squeeze %dma_wait3A_580 : memref<1x20x128xf32, #tpu.memory_space<vmem>> -> memref<20x128xf32, #tpu.memory_space<vmem>>
        %dma_wait3A_582 = arith.constant 0 : i32
        %dma_wait3A_583 = tpu.memref_slice %arg7[%add3A_184, %dma_wait3A_582] : memref<64x20xi32, #tpu.memory_space<vmem>> -> memref<1x20xi32, #tpu.memory_space<vmem>>
        %dma_wait3A_584 = tpu.memref_squeeze %dma_wait3A_583 : memref<1x20xi32, #tpu.memory_space<vmem>> -> memref<20xi32, #tpu.memory_space<vmem>>
        %dma_wait3A_585 = arith.constant 0 : i32
        %dma_wait3A_586 = arith.constant 0 : i32
        %dma_wait3A_587 = tpu.memref_slice %arg4[%dma_wait3A_585, %dma_wait3A_586] : memref<100000x128xf32, #tpu.memory_space<hbm>> -> memref<100000x128xf32, #tpu.memory_space<hbm>>
        tpu.wait_indirect_dma semaphore(%arg11 : memref<!tpu.dma_semaphore, #tpu.memory_space<semaphore_mem>>) src(%dma_wait3A_587 : memref<100000x128xf32, #tpu.memory_space<hbm>>) dst(%dma_wait3A_581 : memref<20x128xf32, #tpu.memory_space<vmem>>)
        %dma_wait3A_588 = arith.constant 12 : i32
        %dma_wait3A_589 = arith.constant 0 : i32
        %dma_wait3A_590 = arith.constant 0 : i32
        %dma_wait3A_591 = tpu.memref_slice %arg9[%dma_wait3A_588, %dma_wait3A_589, %dma_wait3A_590] : memref<16x20x128xf32, #tpu.memory_space<vmem>> -> memref<1x20x128xf32, #tpu.memory_space<vmem>>
        %dma_wait3A_592 = tpu.memref_squeeze %dma_wait3A_591 : memref<1x20x128xf32, #tpu.memory_space<vmem>> -> memref<20x128xf32, #tpu.memory_space<vmem>>
        %dma_wait3A_593 = arith.constant 0 : i32
        %dma_wait3A_594 = tpu.memref_slice %arg7[%add3A_197, %dma_wait3A_593] : memref<64x20xi32, #tpu.memory_space<vmem>> -> memref<1x20xi32, #tpu.memory_space<vmem>>
        %dma_wait3A_595 = tpu.memref_squeeze %dma_wait3A_594 : memref<1x20xi32, #tpu.memory_space<vmem>> -> memref<20xi32, #tpu.memory_space<vmem>>
        %dma_wait3A_596 = arith.constant 0 : i32
        %dma_wait3A_597 = arith.constant 0 : i32
        %dma_wait3A_598 = tpu.memref_slice %arg4[%dma_wait3A_596, %dma_wait3A_597] : memref<100000x128xf32, #tpu.memory_space<hbm>> -> memref<100000x128xf32, #tpu.memory_space<hbm>>
        tpu.wait_indirect_dma semaphore(%arg11 : memref<!tpu.dma_semaphore, #tpu.memory_space<semaphore_mem>>) src(%dma_wait3A_598 : memref<100000x128xf32, #tpu.memory_space<hbm>>) dst(%dma_wait3A_592 : memref<20x128xf32, #tpu.memory_space<vmem>>)
        %dma_wait3A_599 = arith.constant 13 : i32
        %dma_wait3A_600 = arith.constant 0 : i32
        %dma_wait3A_601 = arith.constant 0 : i32
        %dma_wait3A_602 = tpu.memref_slice %arg9[%dma_wait3A_599, %dma_wait3A_600, %dma_wait3A_601] : memref<16x20x128xf32, #tpu.memory_space<vmem>> -> memref<1x20x128xf32, #tpu.memory_space<vmem>>
        %dma_wait3A_603 = tpu.memref_squeeze %dma_wait3A_602 : memref<1x20x128xf32, #tpu.memory_space<vmem>> -> memref<20x128xf32, #tpu.memory_space<vmem>>
        %dma_wait3A_604 = arith.constant 0 : i32
        %dma_wait3A_605 = tpu.memref_slice %arg7[%add3A_210, %dma_wait3A_604] : memref<64x20xi32, #tpu.memory_space<vmem>> -> memref<1x20xi32, #tpu.memory_space<vmem>>
        %dma_wait3A_606 = tpu.memref_squeeze %dma_wait3A_605 : memref<1x20xi32, #tpu.memory_space<vmem>> -> memref<20xi32, #tpu.memory_space<vmem>>
        %dma_wait3A_607 = arith.constant 0 : i32
        %dma_wait3A_608 = arith.constant 0 : i32
        %dma_wait3A_609 = tpu.memref_slice %arg4[%dma_wait3A_607, %dma_wait3A_608] : memref<100000x128xf32, #tpu.memory_space<hbm>> -> memref<100000x128xf32, #tpu.memory_space<hbm>>
        tpu.wait_indirect_dma semaphore(%arg11 : memref<!tpu.dma_semaphore, #tpu.memory_space<semaphore_mem>>) src(%dma_wait3A_609 : memref<100000x128xf32, #tpu.memory_space<hbm>>) dst(%dma_wait3A_603 : memref<20x128xf32, #tpu.memory_space<vmem>>)
        %dma_wait3A_610 = arith.constant 14 : i32
        %dma_wait3A_611 = arith.constant 0 : i32
        %dma_wait3A_612 = arith.constant 0 : i32
        %dma_wait3A_613 = tpu.memref_slice %arg9[%dma_wait3A_610, %dma_wait3A_611, %dma_wait3A_612] : memref<16x20x128xf32, #tpu.memory_space<vmem>> -> memref<1x20x128xf32, #tpu.memory_space<vmem>>
        %dma_wait3A_614 = tpu.memref_squeeze %dma_wait3A_613 : memref<1x20x128xf32, #tpu.memory_space<vmem>> -> memref<20x128xf32, #tpu.memory_space<vmem>>
        %dma_wait3A_615 = arith.constant 0 : i32
        %dma_wait3A_616 = tpu.memref_slice %arg7[%add3A_223, %dma_wait3A_615] : memref<64x20xi32, #tpu.memory_space<vmem>> -> memref<1x20xi32, #tpu.memory_space<vmem>>
        %dma_wait3A_617 = tpu.memref_squeeze %dma_wait3A_616 : memref<1x20xi32, #tpu.memory_space<vmem>> -> memref<20xi32, #tpu.memory_space<vmem>>
        %dma_wait3A_618 = arith.constant 0 : i32
        %dma_wait3A_619 = arith.constant 0 : i32
        %dma_wait3A_620 = tpu.memref_slice %arg4[%dma_wait3A_618, %dma_wait3A_619] : memref<100000x128xf32, #tpu.memory_space<hbm>> -> memref<100000x128xf32, #tpu.memory_space<hbm>>
        tpu.wait_indirect_dma semaphore(%arg11 : memref<!tpu.dma_semaphore, #tpu.memory_space<semaphore_mem>>) src(%dma_wait3A_620 : memref<100000x128xf32, #tpu.memory_space<hbm>>) dst(%dma_wait3A_614 : memref<20x128xf32, #tpu.memory_space<vmem>>)
        %dma_wait3A_621 = arith.constant 15 : i32
        %dma_wait3A_622 = arith.constant 0 : i32
        %dma_wait3A_623 = arith.constant 0 : i32
        %dma_wait3A_624 = tpu.memref_slice %arg9[%dma_wait3A_621, %dma_wait3A_622, %dma_wait3A_623] : memref<16x20x128xf32, #tpu.memory_space<vmem>> -> memref<1x20x128xf32, #tpu.memory_space<vmem>>
        %dma_wait3A_625 = tpu.memref_squeeze %dma_wait3A_624 : memref<1x20x128xf32, #tpu.memory_space<vmem>> -> memref<20x128xf32, #tpu.memory_space<vmem>>
        %dma_wait3A_626 = arith.constant 0 : i32
        %dma_wait3A_627 = tpu.memref_slice %arg7[%add3A_236, %dma_wait3A_626] : memref<64x20xi32, #tpu.memory_space<vmem>> -> memref<1x20xi32, #tpu.memory_space<vmem>>
        %dma_wait3A_628 = tpu.memref_squeeze %dma_wait3A_627 : memref<1x20xi32, #tpu.memory_space<vmem>> -> memref<20xi32, #tpu.memory_space<vmem>>
        %dma_wait3A_629 = arith.constant 0 : i32
        %dma_wait3A_630 = arith.constant 0 : i32
        %dma_wait3A_631 = tpu.memref_slice %arg4[%dma_wait3A_629, %dma_wait3A_630] : memref<100000x128xf32, #tpu.memory_space<hbm>> -> memref<100000x128xf32, #tpu.memory_space<hbm>>
        tpu.wait_indirect_dma semaphore(%arg11 : memref<!tpu.dma_semaphore, #tpu.memory_space<semaphore_mem>>) src(%dma_wait3A_631 : memref<100000x128xf32, #tpu.memory_space<hbm>>) dst(%dma_wait3A_625 : memref<20x128xf32, #tpu.memory_space<vmem>>)
        %add3A_632 = arith.constant 0 : i32
        %add3A_633 = arith.addi %mul3A_36, %add3A_632 : i32
        %dma_start3A_634 = arith.constant 0 : i32
        %dma_start3A_635 = arith.constant 0 : i32
        %dma_start3A_636 = arith.constant 0 : i32
        %dma_start3A_637 = tpu.memref_slice %arg9[%dma_start3A_634, %dma_start3A_635, %dma_start3A_636] : memref<16x20x128xf32, #tpu.memory_space<vmem>> -> memref<1x20x128xf32, #tpu.memory_space<vmem>>
        %dma_start3A_638 = tpu.memref_squeeze %dma_start3A_637 : memref<1x20x128xf32, #tpu.memory_space<vmem>> -> memref<20x128xf32, #tpu.memory_space<vmem>>
        %dma_start3A_639 = arith.constant 0 : i32
        %dma_start3A_640 = tpu.memref_slice %arg8[%add3A_633, %dma_start3A_639] : memref<64x20xi32, #tpu.memory_space<vmem>> -> memref<1x20xi32, #tpu.memory_space<vmem>>
        %dma_start3A_641 = tpu.memref_squeeze %dma_start3A_640 : memref<1x20xi32, #tpu.memory_space<vmem>> -> memref<20xi32, #tpu.memory_space<vmem>>
        %dma_start3A_642 = arith.constant 0 : i32
        %dma_start3A_643 = arith.constant 0 : i32
        %dma_start3A_644 = tpu.memref_slice %arg5[%dma_start3A_642, %dma_start3A_643] : memref<100000x128xf32, #tpu.memory_space<hbm>> -> memref<100000x128xf32, #tpu.memory_space<hbm>>
        tpu.enqueue_indirect_dma source(%dma_start3A_644 : memref<100000x128xf32, #tpu.memory_space<hbm>>) target(%dma_start3A_638 : memref<20x128xf32, #tpu.memory_space<vmem>>) offsets(%dma_start3A_641 : memref<20xi32, #tpu.memory_space<vmem>>) semaphore(%arg11 : memref<!tpu.dma_semaphore, #tpu.memory_space<semaphore_mem>>) {add = true}
        %add3A_645 = arith.constant 1 : i32
        %add3A_646 = arith.addi %mul3A_36, %add3A_645 : i32
        %dma_start3A_647 = arith.constant 1 : i32
        %dma_start3A_648 = arith.constant 0 : i32
        %dma_start3A_649 = arith.constant 0 : i32
        %dma_start3A_650 = tpu.memref_slice %arg9[%dma_start3A_647, %dma_start3A_648, %dma_start3A_649] : memref<16x20x128xf32, #tpu.memory_space<vmem>> -> memref<1x20x128xf32, #tpu.memory_space<vmem>>
        %dma_start3A_651 = tpu.memref_squeeze %dma_start3A_650 : memref<1x20x128xf32, #tpu.memory_space<vmem>> -> memref<20x128xf32, #tpu.memory_space<vmem>>
        %dma_start3A_652 = arith.constant 0 : i32
        %dma_start3A_653 = tpu.memref_slice %arg8[%add3A_646, %dma_start3A_652] : memref<64x20xi32, #tpu.memory_space<vmem>> -> memref<1x20xi32, #tpu.memory_space<vmem>>
        %dma_start3A_654 = tpu.memref_squeeze %dma_start3A_653 : memref<1x20xi32, #tpu.memory_space<vmem>> -> memref<20xi32, #tpu.memory_space<vmem>>
        %dma_start3A_655 = arith.constant 0 : i32
        %dma_start3A_656 = arith.constant 0 : i32
        %dma_start3A_657 = tpu.memref_slice %arg5[%dma_start3A_655, %dma_start3A_656] : memref<100000x128xf32, #tpu.memory_space<hbm>> -> memref<100000x128xf32, #tpu.memory_space<hbm>>
        tpu.enqueue_indirect_dma source(%dma_start3A_657 : memref<100000x128xf32, #tpu.memory_space<hbm>>) target(%dma_start3A_651 : memref<20x128xf32, #tpu.memory_space<vmem>>) offsets(%dma_start3A_654 : memref<20xi32, #tpu.memory_space<vmem>>) semaphore(%arg11 : memref<!tpu.dma_semaphore, #tpu.memory_space<semaphore_mem>>) {add = true}
        %add3A_658 = arith.constant 2 : i32
        %add3A_659 = arith.addi %mul3A_36, %add3A_658 : i32
        %dma_start3A_660 = arith.constant 2 : i32
        %dma_start3A_661 = arith.constant 0 : i32
        %dma_start3A_662 = arith.constant 0 : i32
        %dma_start3A_663 = tpu.memref_slice %arg9[%dma_start3A_660, %dma_start3A_661, %dma_start3A_662] : memref<16x20x128xf32, #tpu.memory_space<vmem>> -> memref<1x20x128xf32, #tpu.memory_space<vmem>>
        %dma_start3A_664 = tpu.memref_squeeze %dma_start3A_663 : memref<1x20x128xf32, #tpu.memory_space<vmem>> -> memref<20x128xf32, #tpu.memory_space<vmem>>
        %dma_start3A_665 = arith.constant 0 : i32
        %dma_start3A_666 = tpu.memref_slice %arg8[%add3A_659, %dma_start3A_665] : memref<64x20xi32, #tpu.memory_space<vmem>> -> memref<1x20xi32, #tpu.memory_space<vmem>>
        %dma_start3A_667 = tpu.memref_squeeze %dma_start3A_666 : memref<1x20xi32, #tpu.memory_space<vmem>> -> memref<20xi32, #tpu.memory_space<vmem>>
        %dma_start3A_668 = arith.constant 0 : i32
        %dma_start3A_669 = arith.constant 0 : i32
        %dma_start3A_670 = tpu.memref_slice %arg5[%dma_start3A_668, %dma_start3A_669] : memref<100000x128xf32, #tpu.memory_space<hbm>> -> memref<100000x128xf32, #tpu.memory_space<hbm>>
        tpu.enqueue_indirect_dma source(%dma_start3A_670 : memref<100000x128xf32, #tpu.memory_space<hbm>>) target(%dma_start3A_664 : memref<20x128xf32, #tpu.memory_space<vmem>>) offsets(%dma_start3A_667 : memref<20xi32, #tpu.memory_space<vmem>>) semaphore(%arg11 : memref<!tpu.dma_semaphore, #tpu.memory_space<semaphore_mem>>) {add = true}
        %add3A_671 = arith.constant 3 : i32
        %add3A_672 = arith.addi %mul3A_36, %add3A_671 : i32
        %dma_start3A_673 = arith.constant 3 : i32
        %dma_start3A_674 = arith.constant 0 : i32
        %dma_start3A_675 = arith.constant 0 : i32
        %dma_start3A_676 = tpu.memref_slice %arg9[%dma_start3A_673, %dma_start3A_674, %dma_start3A_675] : memref<16x20x128xf32, #tpu.memory_space<vmem>> -> memref<1x20x128xf32, #tpu.memory_space<vmem>>
        %dma_start3A_677 = tpu.memref_squeeze %dma_start3A_676 : memref<1x20x128xf32, #tpu.memory_space<vmem>> -> memref<20x128xf32, #tpu.memory_space<vmem>>
        %dma_start3A_678 = arith.constant 0 : i32
        %dma_start3A_679 = tpu.memref_slice %arg8[%add3A_672, %dma_start3A_678] : memref<64x20xi32, #tpu.memory_space<vmem>> -> memref<1x20xi32, #tpu.memory_space<vmem>>
        %dma_start3A_680 = tpu.memref_squeeze %dma_start3A_679 : memref<1x20xi32, #tpu.memory_space<vmem>> -> memref<20xi32, #tpu.memory_space<vmem>>
        %dma_start3A_681 = arith.constant 0 : i32
        %dma_start3A_682 = arith.constant 0 : i32
        %dma_start3A_683 = tpu.memref_slice %arg5[%dma_start3A_681, %dma_start3A_682] : memref<100000x128xf32, #tpu.memory_space<hbm>> -> memref<100000x128xf32, #tpu.memory_space<hbm>>
        tpu.enqueue_indirect_dma source(%dma_start3A_683 : memref<100000x128xf32, #tpu.memory_space<hbm>>) target(%dma_start3A_677 : memref<20x128xf32, #tpu.memory_space<vmem>>) offsets(%dma_start3A_680 : memref<20xi32, #tpu.memory_space<vmem>>) semaphore(%arg11 : memref<!tpu.dma_semaphore, #tpu.memory_space<semaphore_mem>>) {add = true}
        %add3A_684 = arith.constant 4 : i32
        %add3A_685 = arith.addi %mul3A_36, %add3A_684 : i32
        %dma_start3A_686 = arith.constant 4 : i32
        %dma_start3A_687 = arith.constant 0 : i32
        %dma_start3A_688 = arith.constant 0 : i32
        %dma_start3A_689 = tpu.memref_slice %arg9[%dma_start3A_686, %dma_start3A_687, %dma_start3A_688] : memref<16x20x128xf32, #tpu.memory_space<vmem>> -> memref<1x20x128xf32, #tpu.memory_space<vmem>>
        %dma_start3A_690 = tpu.memref_squeeze %dma_start3A_689 : memref<1x20x128xf32, #tpu.memory_space<vmem>> -> memref<20x128xf32, #tpu.memory_space<vmem>>
        %dma_start3A_691 = arith.constant 0 : i32
        %dma_start3A_692 = tpu.memref_slice %arg8[%add3A_685, %dma_start3A_691] : memref<64x20xi32, #tpu.memory_space<vmem>> -> memref<1x20xi32, #tpu.memory_space<vmem>>
        %dma_start3A_693 = tpu.memref_squeeze %dma_start3A_692 : memref<1x20xi32, #tpu.memory_space<vmem>> -> memref<20xi32, #tpu.memory_space<vmem>>
        %dma_start3A_694 = arith.constant 0 : i32
        %dma_start3A_695 = arith.constant 0 : i32
        %dma_start3A_696 = tpu.memref_slice %arg5[%dma_start3A_694, %dma_start3A_695] : memref<100000x128xf32, #tpu.memory_space<hbm>> -> memref<100000x128xf32, #tpu.memory_space<hbm>>
        tpu.enqueue_indirect_dma source(%dma_start3A_696 : memref<100000x128xf32, #tpu.memory_space<hbm>>) target(%dma_start3A_690 : memref<20x128xf32, #tpu.memory_space<vmem>>) offsets(%dma_start3A_693 : memref<20xi32, #tpu.memory_space<vmem>>) semaphore(%arg11 : memref<!tpu.dma_semaphore, #tpu.memory_space<semaphore_mem>>) {add = true}
        %add3A_697 = arith.constant 5 : i32
        %add3A_698 = arith.addi %mul3A_36, %add3A_697 : i32
        %dma_start3A_699 = arith.constant 5 : i32
        %dma_start3A_700 = arith.constant 0 : i32
        %dma_start3A_701 = arith.constant 0 : i32
        %dma_start3A_702 = tpu.memref_slice %arg9[%dma_start3A_699, %dma_start3A_700, %dma_start3A_701] : memref<16x20x128xf32, #tpu.memory_space<vmem>> -> memref<1x20x128xf32, #tpu.memory_space<vmem>>
        %dma_start3A_703 = tpu.memref_squeeze %dma_start3A_702 : memref<1x20x128xf32, #tpu.memory_space<vmem>> -> memref<20x128xf32, #tpu.memory_space<vmem>>
        %dma_start3A_704 = arith.constant 0 : i32
        %dma_start3A_705 = tpu.memref_slice %arg8[%add3A_698, %dma_start3A_704] : memref<64x20xi32, #tpu.memory_space<vmem>> -> memref<1x20xi32, #tpu.memory_space<vmem>>
        %dma_start3A_706 = tpu.memref_squeeze %dma_start3A_705 : memref<1x20xi32, #tpu.memory_space<vmem>> -> memref<20xi32, #tpu.memory_space<vmem>>
        %dma_start3A_707 = arith.constant 0 : i32
        %dma_start3A_708 = arith.constant 0 : i32
        %dma_start3A_709 = tpu.memref_slice %arg5[%dma_start3A_707, %dma_start3A_708] : memref<100000x128xf32, #tpu.memory_space<hbm>> -> memref<100000x128xf32, #tpu.memory_space<hbm>>
        tpu.enqueue_indirect_dma source(%dma_start3A_709 : memref<100000x128xf32, #tpu.memory_space<hbm>>) target(%dma_start3A_703 : memref<20x128xf32, #tpu.memory_space<vmem>>) offsets(%dma_start3A_706 : memref<20xi32, #tpu.memory_space<vmem>>) semaphore(%arg11 : memref<!tpu.dma_semaphore, #tpu.memory_space<semaphore_mem>>) {add = true}
        %add3A_710 = arith.constant 6 : i32
        %add3A_711 = arith.addi %mul3A_36, %add3A_710 : i32
        %dma_start3A_712 = arith.constant 6 : i32
        %dma_start3A_713 = arith.constant 0 : i32
        %dma_start3A_714 = arith.constant 0 : i32
        %dma_start3A_715 = tpu.memref_slice %arg9[%dma_start3A_712, %dma_start3A_713, %dma_start3A_714] : memref<16x20x128xf32, #tpu.memory_space<vmem>> -> memref<1x20x128xf32, #tpu.memory_space<vmem>>
        %dma_start3A_716 = tpu.memref_squeeze %dma_start3A_715 : memref<1x20x128xf32, #tpu.memory_space<vmem>> -> memref<20x128xf32, #tpu.memory_space<vmem>>
        %dma_start3A_717 = arith.constant 0 : i32
        %dma_start3A_718 = tpu.memref_slice %arg8[%add3A_711, %dma_start3A_717] : memref<64x20xi32, #tpu.memory_space<vmem>> -> memref<1x20xi32, #tpu.memory_space<vmem>>
        %dma_start3A_719 = tpu.memref_squeeze %dma_start3A_718 : memref<1x20xi32, #tpu.memory_space<vmem>> -> memref<20xi32, #tpu.memory_space<vmem>>
        %dma_start3A_720 = arith.constant 0 : i32
        %dma_start3A_721 = arith.constant 0 : i32
        %dma_start3A_722 = tpu.memref_slice %arg5[%dma_start3A_720, %dma_start3A_721] : memref<100000x128xf32, #tpu.memory_space<hbm>> -> memref<100000x128xf32, #tpu.memory_space<hbm>>
        tpu.enqueue_indirect_dma source(%dma_start3A_722 : memref<100000x128xf32, #tpu.memory_space<hbm>>) target(%dma_start3A_716 : memref<20x128xf32, #tpu.memory_space<vmem>>) offsets(%dma_start3A_719 : memref<20xi32, #tpu.memory_space<vmem>>) semaphore(%arg11 : memref<!tpu.dma_semaphore, #tpu.memory_space<semaphore_mem>>) {add = true}
        %add3A_723 = arith.constant 7 : i32
        %add3A_724 = arith.addi %mul3A_36, %add3A_723 : i32
        %dma_start3A_725 = arith.constant 7 : i32
        %dma_start3A_726 = arith.constant 0 : i32
        %dma_start3A_727 = arith.constant 0 : i32
        %dma_start3A_728 = tpu.memref_slice %arg9[%dma_start3A_725, %dma_start3A_726, %dma_start3A_727] : memref<16x20x128xf32, #tpu.memory_space<vmem>> -> memref<1x20x128xf32, #tpu.memory_space<vmem>>
        %dma_start3A_729 = tpu.memref_squeeze %dma_start3A_728 : memref<1x20x128xf32, #tpu.memory_space<vmem>> -> memref<20x128xf32, #tpu.memory_space<vmem>>
        %dma_start3A_730 = arith.constant 0 : i32
        %dma_start3A_731 = tpu.memref_slice %arg8[%add3A_724, %dma_start3A_730] : memref<64x20xi32, #tpu.memory_space<vmem>> -> memref<1x20xi32, #tpu.memory_space<vmem>>
        %dma_start3A_732 = tpu.memref_squeeze %dma_start3A_731 : memref<1x20xi32, #tpu.memory_space<vmem>> -> memref<20xi32, #tpu.memory_space<vmem>>
        %dma_start3A_733 = arith.constant 0 : i32
        %dma_start3A_734 = arith.constant 0 : i32
        %dma_start3A_735 = tpu.memref_slice %arg5[%dma_start3A_733, %dma_start3A_734] : memref<100000x128xf32, #tpu.memory_space<hbm>> -> memref<100000x128xf32, #tpu.memory_space<hbm>>
        tpu.enqueue_indirect_dma source(%dma_start3A_735 : memref<100000x128xf32, #tpu.memory_space<hbm>>) target(%dma_start3A_729 : memref<20x128xf32, #tpu.memory_space<vmem>>) offsets(%dma_start3A_732 : memref<20xi32, #tpu.memory_space<vmem>>) semaphore(%arg11 : memref<!tpu.dma_semaphore, #tpu.memory_space<semaphore_mem>>) {add = true}
        %add3A_736 = arith.constant 8 : i32
        %add3A_737 = arith.addi %mul3A_36, %add3A_736 : i32
        %dma_start3A_738 = arith.constant 8 : i32
        %dma_start3A_739 = arith.constant 0 : i32
        %dma_start3A_740 = arith.constant 0 : i32
        %dma_start3A_741 = tpu.memref_slice %arg9[%dma_start3A_738, %dma_start3A_739, %dma_start3A_740] : memref<16x20x128xf32, #tpu.memory_space<vmem>> -> memref<1x20x128xf32, #tpu.memory_space<vmem>>
        %dma_start3A_742 = tpu.memref_squeeze %dma_start3A_741 : memref<1x20x128xf32, #tpu.memory_space<vmem>> -> memref<20x128xf32, #tpu.memory_space<vmem>>
        %dma_start3A_743 = arith.constant 0 : i32
        %dma_start3A_744 = tpu.memref_slice %arg8[%add3A_737, %dma_start3A_743] : memref<64x20xi32, #tpu.memory_space<vmem>> -> memref<1x20xi32, #tpu.memory_space<vmem>>
        %dma_start3A_745 = tpu.memref_squeeze %dma_start3A_744 : memref<1x20xi32, #tpu.memory_space<vmem>> -> memref<20xi32, #tpu.memory_space<vmem>>
        %dma_start3A_746 = arith.constant 0 : i32
        %dma_start3A_747 = arith.constant 0 : i32
        %dma_start3A_748 = tpu.memref_slice %arg5[%dma_start3A_746, %dma_start3A_747] : memref<100000x128xf32, #tpu.memory_space<hbm>> -> memref<100000x128xf32, #tpu.memory_space<hbm>>
        tpu.enqueue_indirect_dma source(%dma_start3A_748 : memref<100000x128xf32, #tpu.memory_space<hbm>>) target(%dma_start3A_742 : memref<20x128xf32, #tpu.memory_space<vmem>>) offsets(%dma_start3A_745 : memref<20xi32, #tpu.memory_space<vmem>>) semaphore(%arg11 : memref<!tpu.dma_semaphore, #tpu.memory_space<semaphore_mem>>) {add = true}
        %add3A_749 = arith.constant 9 : i32
        %add3A_750 = arith.addi %mul3A_36, %add3A_749 : i32
        %dma_start3A_751 = arith.constant 9 : i32
        %dma_start3A_752 = arith.constant 0 : i32
        %dma_start3A_753 = arith.constant 0 : i32
        %dma_start3A_754 = tpu.memref_slice %arg9[%dma_start3A_751, %dma_start3A_752, %dma_start3A_753] : memref<16x20x128xf32, #tpu.memory_space<vmem>> -> memref<1x20x128xf32, #tpu.memory_space<vmem>>
        %dma_start3A_755 = tpu.memref_squeeze %dma_start3A_754 : memref<1x20x128xf32, #tpu.memory_space<vmem>> -> memref<20x128xf32, #tpu.memory_space<vmem>>
        %dma_start3A_756 = arith.constant 0 : i32
        %dma_start3A_757 = tpu.memref_slice %arg8[%add3A_750, %dma_start3A_756] : memref<64x20xi32, #tpu.memory_space<vmem>> -> memref<1x20xi32, #tpu.memory_space<vmem>>
        %dma_start3A_758 = tpu.memref_squeeze %dma_start3A_757 : memref<1x20xi32, #tpu.memory_space<vmem>> -> memref<20xi32, #tpu.memory_space<vmem>>
        %dma_start3A_759 = arith.constant 0 : i32
        %dma_start3A_760 = arith.constant 0 : i32
        %dma_start3A_761 = tpu.memref_slice %arg5[%dma_start3A_759, %dma_start3A_760] : memref<100000x128xf32, #tpu.memory_space<hbm>> -> memref<100000x128xf32, #tpu.memory_space<hbm>>
        tpu.enqueue_indirect_dma source(%dma_start3A_761 : memref<100000x128xf32, #tpu.memory_space<hbm>>) target(%dma_start3A_755 : memref<20x128xf32, #tpu.memory_space<vmem>>) offsets(%dma_start3A_758 : memref<20xi32, #tpu.memory_space<vmem>>) semaphore(%arg11 : memref<!tpu.dma_semaphore, #tpu.memory_space<semaphore_mem>>) {add = true}
        %add3A_762 = arith.constant 10 : i32
        %add3A_763 = arith.addi %mul3A_36, %add3A_762 : i32
        %dma_start3A_764 = arith.constant 10 : i32
        %dma_start3A_765 = arith.constant 0 : i32
        %dma_start3A_766 = arith.constant 0 : i32
        %dma_start3A_767 = tpu.memref_slice %arg9[%dma_start3A_764, %dma_start3A_765, %dma_start3A_766] : memref<16x20x128xf32, #tpu.memory_space<vmem>> -> memref<1x20x128xf32, #tpu.memory_space<vmem>>
        %dma_start3A_768 = tpu.memref_squeeze %dma_start3A_767 : memref<1x20x128xf32, #tpu.memory_space<vmem>> -> memref<20x128xf32, #tpu.memory_space<vmem>>
        %dma_start3A_769 = arith.constant 0 : i32
        %dma_start3A_770 = tpu.memref_slice %arg8[%add3A_763, %dma_start3A_769] : memref<64x20xi32, #tpu.memory_space<vmem>> -> memref<1x20xi32, #tpu.memory_space<vmem>>
        %dma_start3A_771 = tpu.memref_squeeze %dma_start3A_770 : memref<1x20xi32, #tpu.memory_space<vmem>> -> memref<20xi32, #tpu.memory_space<vmem>>
        %dma_start3A_772 = arith.constant 0 : i32
        %dma_start3A_773 = arith.constant 0 : i32
        %dma_start3A_774 = tpu.memref_slice %arg5[%dma_start3A_772, %dma_start3A_773] : memref<100000x128xf32, #tpu.memory_space<hbm>> -> memref<100000x128xf32, #tpu.memory_space<hbm>>
        tpu.enqueue_indirect_dma source(%dma_start3A_774 : memref<100000x128xf32, #tpu.memory_space<hbm>>) target(%dma_start3A_768 : memref<20x128xf32, #tpu.memory_space<vmem>>) offsets(%dma_start3A_771 : memref<20xi32, #tpu.memory_space<vmem>>) semaphore(%arg11 : memref<!tpu.dma_semaphore, #tpu.memory_space<semaphore_mem>>) {add = true}
        %add3A_775 = arith.constant 11 : i32
        %add3A_776 = arith.addi %mul3A_36, %add3A_775 : i32
        %dma_start3A_777 = arith.constant 11 : i32
        %dma_start3A_778 = arith.constant 0 : i32
        %dma_start3A_779 = arith.constant 0 : i32
        %dma_start3A_780 = tpu.memref_slice %arg9[%dma_start3A_777, %dma_start3A_778, %dma_start3A_779] : memref<16x20x128xf32, #tpu.memory_space<vmem>> -> memref<1x20x128xf32, #tpu.memory_space<vmem>>
        %dma_start3A_781 = tpu.memref_squeeze %dma_start3A_780 : memref<1x20x128xf32, #tpu.memory_space<vmem>> -> memref<20x128xf32, #tpu.memory_space<vmem>>
        %dma_start3A_782 = arith.constant 0 : i32
        %dma_start3A_783 = tpu.memref_slice %arg8[%add3A_776, %dma_start3A_782] : memref<64x20xi32, #tpu.memory_space<vmem>> -> memref<1x20xi32, #tpu.memory_space<vmem>>
        %dma_start3A_784 = tpu.memref_squeeze %dma_start3A_783 : memref<1x20xi32, #tpu.memory_space<vmem>> -> memref<20xi32, #tpu.memory_space<vmem>>
        %dma_start3A_785 = arith.constant 0 : i32
        %dma_start3A_786 = arith.constant 0 : i32
        %dma_start3A_787 = tpu.memref_slice %arg5[%dma_start3A_785, %dma_start3A_786] : memref<100000x128xf32, #tpu.memory_space<hbm>> -> memref<100000x128xf32, #tpu.memory_space<hbm>>
        tpu.enqueue_indirect_dma source(%dma_start3A_787 : memref<100000x128xf32, #tpu.memory_space<hbm>>) target(%dma_start3A_781 : memref<20x128xf32, #tpu.memory_space<vmem>>) offsets(%dma_start3A_784 : memref<20xi32, #tpu.memory_space<vmem>>) semaphore(%arg11 : memref<!tpu.dma_semaphore, #tpu.memory_space<semaphore_mem>>) {add = true}
        %add3A_788 = arith.constant 12 : i32
        %add3A_789 = arith.addi %mul3A_36, %add3A_788 : i32
        %dma_start3A_790 = arith.constant 12 : i32
        %dma_start3A_791 = arith.constant 0 : i32
        %dma_start3A_792 = arith.constant 0 : i32
        %dma_start3A_793 = tpu.memref_slice %arg9[%dma_start3A_790, %dma_start3A_791, %dma_start3A_792] : memref<16x20x128xf32, #tpu.memory_space<vmem>> -> memref<1x20x128xf32, #tpu.memory_space<vmem>>
        %dma_start3A_794 = tpu.memref_squeeze %dma_start3A_793 : memref<1x20x128xf32, #tpu.memory_space<vmem>> -> memref<20x128xf32, #tpu.memory_space<vmem>>
        %dma_start3A_795 = arith.constant 0 : i32
        %dma_start3A_796 = tpu.memref_slice %arg8[%add3A_789, %dma_start3A_795] : memref<64x20xi32, #tpu.memory_space<vmem>> -> memref<1x20xi32, #tpu.memory_space<vmem>>
        %dma_start3A_797 = tpu.memref_squeeze %dma_start3A_796 : memref<1x20xi32, #tpu.memory_space<vmem>> -> memref<20xi32, #tpu.memory_space<vmem>>
        %dma_start3A_798 = arith.constant 0 : i32
        %dma_start3A_799 = arith.constant 0 : i32
        %dma_start3A_800 = tpu.memref_slice %arg5[%dma_start3A_798, %dma_start3A_799] : memref<100000x128xf32, #tpu.memory_space<hbm>> -> memref<100000x128xf32, #tpu.memory_space<hbm>>
        tpu.enqueue_indirect_dma source(%dma_start3A_800 : memref<100000x128xf32, #tpu.memory_space<hbm>>) target(%dma_start3A_794 : memref<20x128xf32, #tpu.memory_space<vmem>>) offsets(%dma_start3A_797 : memref<20xi32, #tpu.memory_space<vmem>>) semaphore(%arg11 : memref<!tpu.dma_semaphore, #tpu.memory_space<semaphore_mem>>) {add = true}
        %add3A_801 = arith.constant 13 : i32
        %add3A_802 = arith.addi %mul3A_36, %add3A_801 : i32
        %dma_start3A_803 = arith.constant 13 : i32
        %dma_start3A_804 = arith.constant 0 : i32
        %dma_start3A_805 = arith.constant 0 : i32
        %dma_start3A_806 = tpu.memref_slice %arg9[%dma_start3A_803, %dma_start3A_804, %dma_start3A_805] : memref<16x20x128xf32, #tpu.memory_space<vmem>> -> memref<1x20x128xf32, #tpu.memory_space<vmem>>
        %dma_start3A_807 = tpu.memref_squeeze %dma_start3A_806 : memref<1x20x128xf32, #tpu.memory_space<vmem>> -> memref<20x128xf32, #tpu.memory_space<vmem>>
        %dma_start3A_808 = arith.constant 0 : i32
        %dma_start3A_809 = tpu.memref_slice %arg8[%add3A_802, %dma_start3A_808] : memref<64x20xi32, #tpu.memory_space<vmem>> -> memref<1x20xi32, #tpu.memory_space<vmem>>
        %dma_start3A_810 = tpu.memref_squeeze %dma_start3A_809 : memref<1x20xi32, #tpu.memory_space<vmem>> -> memref<20xi32, #tpu.memory_space<vmem>>
        %dma_start3A_811 = arith.constant 0 : i32
        %dma_start3A_812 = arith.constant 0 : i32
        %dma_start3A_813 = tpu.memref_slice %arg5[%dma_start3A_811, %dma_start3A_812] : memref<100000x128xf32, #tpu.memory_space<hbm>> -> memref<100000x128xf32, #tpu.memory_space<hbm>>
        tpu.enqueue_indirect_dma source(%dma_start3A_813 : memref<100000x128xf32, #tpu.memory_space<hbm>>) target(%dma_start3A_807 : memref<20x128xf32, #tpu.memory_space<vmem>>) offsets(%dma_start3A_810 : memref<20xi32, #tpu.memory_space<vmem>>) semaphore(%arg11 : memref<!tpu.dma_semaphore, #tpu.memory_space<semaphore_mem>>) {add = true}
        %add3A_814 = arith.constant 14 : i32
        %add3A_815 = arith.addi %mul3A_36, %add3A_814 : i32
        %dma_start3A_816 = arith.constant 14 : i32
        %dma_start3A_817 = arith.constant 0 : i32
        %dma_start3A_818 = arith.constant 0 : i32
        %dma_start3A_819 = tpu.memref_slice %arg9[%dma_start3A_816, %dma_start3A_817, %dma_start3A_818] : memref<16x20x128xf32, #tpu.memory_space<vmem>> -> memref<1x20x128xf32, #tpu.memory_space<vmem>>
        %dma_start3A_820 = tpu.memref_squeeze %dma_start3A_819 : memref<1x20x128xf32, #tpu.memory_space<vmem>> -> memref<20x128xf32, #tpu.memory_space<vmem>>
        %dma_start3A_821 = arith.constant 0 : i32
        %dma_start3A_822 = tpu.memref_slice %arg8[%add3A_815, %dma_start3A_821] : memref<64x20xi32, #tpu.memory_space<vmem>> -> memref<1x20xi32, #tpu.memory_space<vmem>>
        %dma_start3A_823 = tpu.memref_squeeze %dma_start3A_822 : memref<1x20xi32, #tpu.memory_space<vmem>> -> memref<20xi32, #tpu.memory_space<vmem>>
        %dma_start3A_824 = arith.constant 0 : i32
        %dma_start3A_825 = arith.constant 0 : i32
        %dma_start3A_826 = tpu.memref_slice %arg5[%dma_start3A_824, %dma_start3A_825] : memref<100000x128xf32, #tpu.memory_space<hbm>> -> memref<100000x128xf32, #tpu.memory_space<hbm>>
        tpu.enqueue_indirect_dma source(%dma_start3A_826 : memref<100000x128xf32, #tpu.memory_space<hbm>>) target(%dma_start3A_820 : memref<20x128xf32, #tpu.memory_space<vmem>>) offsets(%dma_start3A_823 : memref<20xi32, #tpu.memory_space<vmem>>) semaphore(%arg11 : memref<!tpu.dma_semaphore, #tpu.memory_space<semaphore_mem>>) {add = true}
        %add3A_827 = arith.constant 15 : i32
        %add3A_828 = arith.addi %mul3A_36, %add3A_827 : i32
        %dma_start3A_829 = arith.constant 15 : i32
        %dma_start3A_830 = arith.constant 0 : i32
        %dma_start3A_831 = arith.constant 0 : i32
        %dma_start3A_832 = tpu.memref_slice %arg9[%dma_start3A_829, %dma_start3A_830, %dma_start3A_831] : memref<16x20x128xf32, #tpu.memory_space<vmem>> -> memref<1x20x128xf32, #tpu.memory_space<vmem>>
        %dma_start3A_833 = tpu.memref_squeeze %dma_start3A_832 : memref<1x20x128xf32, #tpu.memory_space<vmem>> -> memref<20x128xf32, #tpu.memory_space<vmem>>
        %dma_start3A_834 = arith.constant 0 : i32
        %dma_start3A_835 = tpu.memref_slice %arg8[%add3A_828, %dma_start3A_834] : memref<64x20xi32, #tpu.memory_space<vmem>> -> memref<1x20xi32, #tpu.memory_space<vmem>>
        %dma_start3A_836 = tpu.memref_squeeze %dma_start3A_835 : memref<1x20xi32, #tpu.memory_space<vmem>> -> memref<20xi32, #tpu.memory_space<vmem>>
        %dma_start3A_837 = arith.constant 0 : i32
        %dma_start3A_838 = arith.constant 0 : i32
        %dma_start3A_839 = tpu.memref_slice %arg5[%dma_start3A_837, %dma_start3A_838] : memref<100000x128xf32, #tpu.memory_space<hbm>> -> memref<100000x128xf32, #tpu.memory_space<hbm>>
        tpu.enqueue_indirect_dma source(%dma_start3A_839 : memref<100000x128xf32, #tpu.memory_space<hbm>>) target(%dma_start3A_833 : memref<20x128xf32, #tpu.memory_space<vmem>>) offsets(%dma_start3A_836 : memref<20xi32, #tpu.memory_space<vmem>>) semaphore(%arg11 : memref<!tpu.dma_semaphore, #tpu.memory_space<semaphore_mem>>) {add = true}
        %dma_wait3A_840 = arith.constant 0 : i32
        %dma_wait3A_841 = arith.constant 0 : i32
        %dma_wait3A_842 = arith.constant 0 : i32
        %dma_wait3A_843 = tpu.memref_slice %arg10[%dma_wait3A_840, %dma_wait3A_841, %dma_wait3A_842] : memref<16x20x128xf32, #tpu.memory_space<vmem>> -> memref<1x20x128xf32, #tpu.memory_space<vmem>>
        %dma_wait3A_844 = tpu.memref_squeeze %dma_wait3A_843 : memref<1x20x128xf32, #tpu.memory_space<vmem>> -> memref<20x128xf32, #tpu.memory_space<vmem>>
        %dma_wait3A_845 = arith.constant 0 : i32
        %dma_wait3A_846 = tpu.memref_slice %arg7[%add3A_249, %dma_wait3A_845] : memref<64x20xi32, #tpu.memory_space<vmem>> -> memref<1x20xi32, #tpu.memory_space<vmem>>
        %dma_wait3A_847 = tpu.memref_squeeze %dma_wait3A_846 : memref<1x20xi32, #tpu.memory_space<vmem>> -> memref<20xi32, #tpu.memory_space<vmem>>
        %dma_wait3A_848 = arith.constant 0 : i32
        %dma_wait3A_849 = arith.constant 0 : i32
        %dma_wait3A_850 = tpu.memref_slice %arg4[%dma_wait3A_848, %dma_wait3A_849] : memref<100000x128xf32, #tpu.memory_space<hbm>> -> memref<100000x128xf32, #tpu.memory_space<hbm>>
        tpu.wait_indirect_dma semaphore(%arg12 : memref<!tpu.dma_semaphore, #tpu.memory_space<semaphore_mem>>) src(%dma_wait3A_850 : memref<100000x128xf32, #tpu.memory_space<hbm>>) dst(%dma_wait3A_844 : memref<20x128xf32, #tpu.memory_space<vmem>>)
        %dma_wait3A_851 = arith.constant 1 : i32
        %dma_wait3A_852 = arith.constant 0 : i32
        %dma_wait3A_853 = arith.constant 0 : i32
        %dma_wait3A_854 = tpu.memref_slice %arg10[%dma_wait3A_851, %dma_wait3A_852, %dma_wait3A_853] : memref<16x20x128xf32, #tpu.memory_space<vmem>> -> memref<1x20x128xf32, #tpu.memory_space<vmem>>
        %dma_wait3A_855 = tpu.memref_squeeze %dma_wait3A_854 : memref<1x20x128xf32, #tpu.memory_space<vmem>> -> memref<20x128xf32, #tpu.memory_space<vmem>>
        %dma_wait3A_856 = arith.constant 0 : i32
        %dma_wait3A_857 = tpu.memref_slice %arg7[%add3A_262, %dma_wait3A_856] : memref<64x20xi32, #tpu.memory_space<vmem>> -> memref<1x20xi32, #tpu.memory_space<vmem>>
        %dma_wait3A_858 = tpu.memref_squeeze %dma_wait3A_857 : memref<1x20xi32, #tpu.memory_space<vmem>> -> memref<20xi32, #tpu.memory_space<vmem>>
        %dma_wait3A_859 = arith.constant 0 : i32
        %dma_wait3A_860 = arith.constant 0 : i32
        %dma_wait3A_861 = tpu.memref_slice %arg4[%dma_wait3A_859, %dma_wait3A_860] : memref<100000x128xf32, #tpu.memory_space<hbm>> -> memref<100000x128xf32, #tpu.memory_space<hbm>>
        tpu.wait_indirect_dma semaphore(%arg12 : memref<!tpu.dma_semaphore, #tpu.memory_space<semaphore_mem>>) src(%dma_wait3A_861 : memref<100000x128xf32, #tpu.memory_space<hbm>>) dst(%dma_wait3A_855 : memref<20x128xf32, #tpu.memory_space<vmem>>)
        %dma_wait3A_862 = arith.constant 2 : i32
        %dma_wait3A_863 = arith.constant 0 : i32
        %dma_wait3A_864 = arith.constant 0 : i32
        %dma_wait3A_865 = tpu.memref_slice %arg10[%dma_wait3A_862, %dma_wait3A_863, %dma_wait3A_864] : memref<16x20x128xf32, #tpu.memory_space<vmem>> -> memref<1x20x128xf32, #tpu.memory_space<vmem>>
        %dma_wait3A_866 = tpu.memref_squeeze %dma_wait3A_865 : memref<1x20x128xf32, #tpu.memory_space<vmem>> -> memref<20x128xf32, #tpu.memory_space<vmem>>
        %dma_wait3A_867 = arith.constant 0 : i32
        %dma_wait3A_868 = tpu.memref_slice %arg7[%add3A_275, %dma_wait3A_867] : memref<64x20xi32, #tpu.memory_space<vmem>> -> memref<1x20xi32, #tpu.memory_space<vmem>>
        %dma_wait3A_869 = tpu.memref_squeeze %dma_wait3A_868 : memref<1x20xi32, #tpu.memory_space<vmem>> -> memref<20xi32, #tpu.memory_space<vmem>>
        %dma_wait3A_870 = arith.constant 0 : i32
        %dma_wait3A_871 = arith.constant 0 : i32
        %dma_wait3A_872 = tpu.memref_slice %arg4[%dma_wait3A_870, %dma_wait3A_871] : memref<100000x128xf32, #tpu.memory_space<hbm>> -> memref<100000x128xf32, #tpu.memory_space<hbm>>
        tpu.wait_indirect_dma semaphore(%arg12 : memref<!tpu.dma_semaphore, #tpu.memory_space<semaphore_mem>>) src(%dma_wait3A_872 : memref<100000x128xf32, #tpu.memory_space<hbm>>) dst(%dma_wait3A_866 : memref<20x128xf32, #tpu.memory_space<vmem>>)
        %dma_wait3A_873 = arith.constant 3 : i32
        %dma_wait3A_874 = arith.constant 0 : i32
        %dma_wait3A_875 = arith.constant 0 : i32
        %dma_wait3A_876 = tpu.memref_slice %arg10[%dma_wait3A_873, %dma_wait3A_874, %dma_wait3A_875] : memref<16x20x128xf32, #tpu.memory_space<vmem>> -> memref<1x20x128xf32, #tpu.memory_space<vmem>>
        %dma_wait3A_877 = tpu.memref_squeeze %dma_wait3A_876 : memref<1x20x128xf32, #tpu.memory_space<vmem>> -> memref<20x128xf32, #tpu.memory_space<vmem>>
        %dma_wait3A_878 = arith.constant 0 : i32
        %dma_wait3A_879 = tpu.memref_slice %arg7[%add3A_288, %dma_wait3A_878] : memref<64x20xi32, #tpu.memory_space<vmem>> -> memref<1x20xi32, #tpu.memory_space<vmem>>
        %dma_wait3A_880 = tpu.memref_squeeze %dma_wait3A_879 : memref<1x20xi32, #tpu.memory_space<vmem>> -> memref<20xi32, #tpu.memory_space<vmem>>
        %dma_wait3A_881 = arith.constant 0 : i32
        %dma_wait3A_882 = arith.constant 0 : i32
        %dma_wait3A_883 = tpu.memref_slice %arg4[%dma_wait3A_881, %dma_wait3A_882] : memref<100000x128xf32, #tpu.memory_space<hbm>> -> memref<100000x128xf32, #tpu.memory_space<hbm>>
        tpu.wait_indirect_dma semaphore(%arg12 : memref<!tpu.dma_semaphore, #tpu.memory_space<semaphore_mem>>) src(%dma_wait3A_883 : memref<100000x128xf32, #tpu.memory_space<hbm>>) dst(%dma_wait3A_877 : memref<20x128xf32, #tpu.memory_space<vmem>>)
        %dma_wait3A_884 = arith.constant 4 : i32
        %dma_wait3A_885 = arith.constant 0 : i32
        %dma_wait3A_886 = arith.constant 0 : i32
        %dma_wait3A_887 = tpu.memref_slice %arg10[%dma_wait3A_884, %dma_wait3A_885, %dma_wait3A_886] : memref<16x20x128xf32, #tpu.memory_space<vmem>> -> memref<1x20x128xf32, #tpu.memory_space<vmem>>
        %dma_wait3A_888 = tpu.memref_squeeze %dma_wait3A_887 : memref<1x20x128xf32, #tpu.memory_space<vmem>> -> memref<20x128xf32, #tpu.memory_space<vmem>>
        %dma_wait3A_889 = arith.constant 0 : i32
        %dma_wait3A_890 = tpu.memref_slice %arg7[%add3A_301, %dma_wait3A_889] : memref<64x20xi32, #tpu.memory_space<vmem>> -> memref<1x20xi32, #tpu.memory_space<vmem>>
        %dma_wait3A_891 = tpu.memref_squeeze %dma_wait3A_890 : memref<1x20xi32, #tpu.memory_space<vmem>> -> memref<20xi32, #tpu.memory_space<vmem>>
        %dma_wait3A_892 = arith.constant 0 : i32
        %dma_wait3A_893 = arith.constant 0 : i32
        %dma_wait3A_894 = tpu.memref_slice %arg4[%dma_wait3A_892, %dma_wait3A_893] : memref<100000x128xf32, #tpu.memory_space<hbm>> -> memref<100000x128xf32, #tpu.memory_space<hbm>>
        tpu.wait_indirect_dma semaphore(%arg12 : memref<!tpu.dma_semaphore, #tpu.memory_space<semaphore_mem>>) src(%dma_wait3A_894 : memref<100000x128xf32, #tpu.memory_space<hbm>>) dst(%dma_wait3A_888 : memref<20x128xf32, #tpu.memory_space<vmem>>)
        %dma_wait3A_895 = arith.constant 5 : i32
        %dma_wait3A_896 = arith.constant 0 : i32
        %dma_wait3A_897 = arith.constant 0 : i32
        %dma_wait3A_898 = tpu.memref_slice %arg10[%dma_wait3A_895, %dma_wait3A_896, %dma_wait3A_897] : memref<16x20x128xf32, #tpu.memory_space<vmem>> -> memref<1x20x128xf32, #tpu.memory_space<vmem>>
        %dma_wait3A_899 = tpu.memref_squeeze %dma_wait3A_898 : memref<1x20x128xf32, #tpu.memory_space<vmem>> -> memref<20x128xf32, #tpu.memory_space<vmem>>
        %dma_wait3A_900 = arith.constant 0 : i32
        %dma_wait3A_901 = tpu.memref_slice %arg7[%add3A_314, %dma_wait3A_900] : memref<64x20xi32, #tpu.memory_space<vmem>> -> memref<1x20xi32, #tpu.memory_space<vmem>>
        %dma_wait3A_902 = tpu.memref_squeeze %dma_wait3A_901 : memref<1x20xi32, #tpu.memory_space<vmem>> -> memref<20xi32, #tpu.memory_space<vmem>>
        %dma_wait3A_903 = arith.constant 0 : i32
        %dma_wait3A_904 = arith.constant 0 : i32
        %dma_wait3A_905 = tpu.memref_slice %arg4[%dma_wait3A_903, %dma_wait3A_904] : memref<100000x128xf32, #tpu.memory_space<hbm>> -> memref<100000x128xf32, #tpu.memory_space<hbm>>
        tpu.wait_indirect_dma semaphore(%arg12 : memref<!tpu.dma_semaphore, #tpu.memory_space<semaphore_mem>>) src(%dma_wait3A_905 : memref<100000x128xf32, #tpu.memory_space<hbm>>) dst(%dma_wait3A_899 : memref<20x128xf32, #tpu.memory_space<vmem>>)
        %dma_wait3A_906 = arith.constant 6 : i32
        %dma_wait3A_907 = arith.constant 0 : i32
        %dma_wait3A_908 = arith.constant 0 : i32
        %dma_wait3A_909 = tpu.memref_slice %arg10[%dma_wait3A_906, %dma_wait3A_907, %dma_wait3A_908] : memref<16x20x128xf32, #tpu.memory_space<vmem>> -> memref<1x20x128xf32, #tpu.memory_space<vmem>>
        %dma_wait3A_910 = tpu.memref_squeeze %dma_wait3A_909 : memref<1x20x128xf32, #tpu.memory_space<vmem>> -> memref<20x128xf32, #tpu.memory_space<vmem>>
        %dma_wait3A_911 = arith.constant 0 : i32
        %dma_wait3A_912 = tpu.memref_slice %arg7[%add3A_327, %dma_wait3A_911] : memref<64x20xi32, #tpu.memory_space<vmem>> -> memref<1x20xi32, #tpu.memory_space<vmem>>
        %dma_wait3A_913 = tpu.memref_squeeze %dma_wait3A_912 : memref<1x20xi32, #tpu.memory_space<vmem>> -> memref<20xi32, #tpu.memory_space<vmem>>
        %dma_wait3A_914 = arith.constant 0 : i32
        %dma_wait3A_915 = arith.constant 0 : i32
        %dma_wait3A_916 = tpu.memref_slice %arg4[%dma_wait3A_914, %dma_wait3A_915] : memref<100000x128xf32, #tpu.memory_space<hbm>> -> memref<100000x128xf32, #tpu.memory_space<hbm>>
        tpu.wait_indirect_dma semaphore(%arg12 : memref<!tpu.dma_semaphore, #tpu.memory_space<semaphore_mem>>) src(%dma_wait3A_916 : memref<100000x128xf32, #tpu.memory_space<hbm>>) dst(%dma_wait3A_910 : memref<20x128xf32, #tpu.memory_space<vmem>>)
        %dma_wait3A_917 = arith.constant 7 : i32
        %dma_wait3A_918 = arith.constant 0 : i32
        %dma_wait3A_919 = arith.constant 0 : i32
        %dma_wait3A_920 = tpu.memref_slice %arg10[%dma_wait3A_917, %dma_wait3A_918, %dma_wait3A_919] : memref<16x20x128xf32, #tpu.memory_space<vmem>> -> memref<1x20x128xf32, #tpu.memory_space<vmem>>
        %dma_wait3A_921 = tpu.memref_squeeze %dma_wait3A_920 : memref<1x20x128xf32, #tpu.memory_space<vmem>> -> memref<20x128xf32, #tpu.memory_space<vmem>>
        %dma_wait3A_922 = arith.constant 0 : i32
        %dma_wait3A_923 = tpu.memref_slice %arg7[%add3A_340, %dma_wait3A_922] : memref<64x20xi32, #tpu.memory_space<vmem>> -> memref<1x20xi32, #tpu.memory_space<vmem>>
        %dma_wait3A_924 = tpu.memref_squeeze %dma_wait3A_923 : memref<1x20xi32, #tpu.memory_space<vmem>> -> memref<20xi32, #tpu.memory_space<vmem>>
        %dma_wait3A_925 = arith.constant 0 : i32
        %dma_wait3A_926 = arith.constant 0 : i32
        %dma_wait3A_927 = tpu.memref_slice %arg4[%dma_wait3A_925, %dma_wait3A_926] : memref<100000x128xf32, #tpu.memory_space<hbm>> -> memref<100000x128xf32, #tpu.memory_space<hbm>>
        tpu.wait_indirect_dma semaphore(%arg12 : memref<!tpu.dma_semaphore, #tpu.memory_space<semaphore_mem>>) src(%dma_wait3A_927 : memref<100000x128xf32, #tpu.memory_space<hbm>>) dst(%dma_wait3A_921 : memref<20x128xf32, #tpu.memory_space<vmem>>)
        %dma_wait3A_928 = arith.constant 8 : i32
        %dma_wait3A_929 = arith.constant 0 : i32
        %dma_wait3A_930 = arith.constant 0 : i32
        %dma_wait3A_931 = tpu.memref_slice %arg10[%dma_wait3A_928, %dma_wait3A_929, %dma_wait3A_930] : memref<16x20x128xf32, #tpu.memory_space<vmem>> -> memref<1x20x128xf32, #tpu.memory_space<vmem>>
        %dma_wait3A_932 = tpu.memref_squeeze %dma_wait3A_931 : memref<1x20x128xf32, #tpu.memory_space<vmem>> -> memref<20x128xf32, #tpu.memory_space<vmem>>
        %dma_wait3A_933 = arith.constant 0 : i32
        %dma_wait3A_934 = tpu.memref_slice %arg7[%add3A_353, %dma_wait3A_933] : memref<64x20xi32, #tpu.memory_space<vmem>> -> memref<1x20xi32, #tpu.memory_space<vmem>>
        %dma_wait3A_935 = tpu.memref_squeeze %dma_wait3A_934 : memref<1x20xi32, #tpu.memory_space<vmem>> -> memref<20xi32, #tpu.memory_space<vmem>>
        %dma_wait3A_936 = arith.constant 0 : i32
        %dma_wait3A_937 = arith.constant 0 : i32
        %dma_wait3A_938 = tpu.memref_slice %arg4[%dma_wait3A_936, %dma_wait3A_937] : memref<100000x128xf32, #tpu.memory_space<hbm>> -> memref<100000x128xf32, #tpu.memory_space<hbm>>
        tpu.wait_indirect_dma semaphore(%arg12 : memref<!tpu.dma_semaphore, #tpu.memory_space<semaphore_mem>>) src(%dma_wait3A_938 : memref<100000x128xf32, #tpu.memory_space<hbm>>) dst(%dma_wait3A_932 : memref<20x128xf32, #tpu.memory_space<vmem>>)
        %dma_wait3A_939 = arith.constant 9 : i32
        %dma_wait3A_940 = arith.constant 0 : i32
        %dma_wait3A_941 = arith.constant 0 : i32
        %dma_wait3A_942 = tpu.memref_slice %arg10[%dma_wait3A_939, %dma_wait3A_940, %dma_wait3A_941] : memref<16x20x128xf32, #tpu.memory_space<vmem>> -> memref<1x20x128xf32, #tpu.memory_space<vmem>>
        %dma_wait3A_943 = tpu.memref_squeeze %dma_wait3A_942 : memref<1x20x128xf32, #tpu.memory_space<vmem>> -> memref<20x128xf32, #tpu.memory_space<vmem>>
        %dma_wait3A_944 = arith.constant 0 : i32
        %dma_wait3A_945 = tpu.memref_slice %arg7[%add3A_366, %dma_wait3A_944] : memref<64x20xi32, #tpu.memory_space<vmem>> -> memref<1x20xi32, #tpu.memory_space<vmem>>
        %dma_wait3A_946 = tpu.memref_squeeze %dma_wait3A_945 : memref<1x20xi32, #tpu.memory_space<vmem>> -> memref<20xi32, #tpu.memory_space<vmem>>
        %dma_wait3A_947 = arith.constant 0 : i32
        %dma_wait3A_948 = arith.constant 0 : i32
        %dma_wait3A_949 = tpu.memref_slice %arg4[%dma_wait3A_947, %dma_wait3A_948] : memref<100000x128xf32, #tpu.memory_space<hbm>> -> memref<100000x128xf32, #tpu.memory_space<hbm>>
        tpu.wait_indirect_dma semaphore(%arg12 : memref<!tpu.dma_semaphore, #tpu.memory_space<semaphore_mem>>) src(%dma_wait3A_949 : memref<100000x128xf32, #tpu.memory_space<hbm>>) dst(%dma_wait3A_943 : memref<20x128xf32, #tpu.memory_space<vmem>>)
        %dma_wait3A_950 = arith.constant 10 : i32
        %dma_wait3A_951 = arith.constant 0 : i32
        %dma_wait3A_952 = arith.constant 0 : i32
        %dma_wait3A_953 = tpu.memref_slice %arg10[%dma_wait3A_950, %dma_wait3A_951, %dma_wait3A_952] : memref<16x20x128xf32, #tpu.memory_space<vmem>> -> memref<1x20x128xf32, #tpu.memory_space<vmem>>
        %dma_wait3A_954 = tpu.memref_squeeze %dma_wait3A_953 : memref<1x20x128xf32, #tpu.memory_space<vmem>> -> memref<20x128xf32, #tpu.memory_space<vmem>>
        %dma_wait3A_955 = arith.constant 0 : i32
        %dma_wait3A_956 = tpu.memref_slice %arg7[%add3A_379, %dma_wait3A_955] : memref<64x20xi32, #tpu.memory_space<vmem>> -> memref<1x20xi32, #tpu.memory_space<vmem>>
        %dma_wait3A_957 = tpu.memref_squeeze %dma_wait3A_956 : memref<1x20xi32, #tpu.memory_space<vmem>> -> memref<20xi32, #tpu.memory_space<vmem>>
        %dma_wait3A_958 = arith.constant 0 : i32
        %dma_wait3A_959 = arith.constant 0 : i32
        %dma_wait3A_960 = tpu.memref_slice %arg4[%dma_wait3A_958, %dma_wait3A_959] : memref<100000x128xf32, #tpu.memory_space<hbm>> -> memref<100000x128xf32, #tpu.memory_space<hbm>>
        tpu.wait_indirect_dma semaphore(%arg12 : memref<!tpu.dma_semaphore, #tpu.memory_space<semaphore_mem>>) src(%dma_wait3A_960 : memref<100000x128xf32, #tpu.memory_space<hbm>>) dst(%dma_wait3A_954 : memref<20x128xf32, #tpu.memory_space<vmem>>)
        %dma_wait3A_961 = arith.constant 11 : i32
        %dma_wait3A_962 = arith.constant 0 : i32
        %dma_wait3A_963 = arith.constant 0 : i32
        %dma_wait3A_964 = tpu.memref_slice %arg10[%dma_wait3A_961, %dma_wait3A_962, %dma_wait3A_963] : memref<16x20x128xf32, #tpu.memory_space<vmem>> -> memref<1x20x128xf32, #tpu.memory_space<vmem>>
        %dma_wait3A_965 = tpu.memref_squeeze %dma_wait3A_964 : memref<1x20x128xf32, #tpu.memory_space<vmem>> -> memref<20x128xf32, #tpu.memory_space<vmem>>
        %dma_wait3A_966 = arith.constant 0 : i32
        %dma_wait3A_967 = tpu.memref_slice %arg7[%add3A_392, %dma_wait3A_966] : memref<64x20xi32, #tpu.memory_space<vmem>> -> memref<1x20xi32, #tpu.memory_space<vmem>>
        %dma_wait3A_968 = tpu.memref_squeeze %dma_wait3A_967 : memref<1x20xi32, #tpu.memory_space<vmem>> -> memref<20xi32, #tpu.memory_space<vmem>>
        %dma_wait3A_969 = arith.constant 0 : i32
        %dma_wait3A_970 = arith.constant 0 : i32
        %dma_wait3A_971 = tpu.memref_slice %arg4[%dma_wait3A_969, %dma_wait3A_970] : memref<100000x128xf32, #tpu.memory_space<hbm>> -> memref<100000x128xf32, #tpu.memory_space<hbm>>
        tpu.wait_indirect_dma semaphore(%arg12 : memref<!tpu.dma_semaphore, #tpu.memory_space<semaphore_mem>>) src(%dma_wait3A_971 : memref<100000x128xf32, #tpu.memory_space<hbm>>) dst(%dma_wait3A_965 : memref<20x128xf32, #tpu.memory_space<vmem>>)
        %dma_wait3A_972 = arith.constant 12 : i32
        %dma_wait3A_973 = arith.constant 0 : i32
        %dma_wait3A_974 = arith.constant 0 : i32
        %dma_wait3A_975 = tpu.memref_slice %arg10[%dma_wait3A_972, %dma_wait3A_973, %dma_wait3A_974] : memref<16x20x128xf32, #tpu.memory_space<vmem>> -> memref<1x20x128xf32, #tpu.memory_space<vmem>>
        %dma_wait3A_976 = tpu.memref_squeeze %dma_wait3A_975 : memref<1x20x128xf32, #tpu.memory_space<vmem>> -> memref<20x128xf32, #tpu.memory_space<vmem>>
        %dma_wait3A_977 = arith.constant 0 : i32
        %dma_wait3A_978 = tpu.memref_slice %arg7[%add3A_405, %dma_wait3A_977] : memref<64x20xi32, #tpu.memory_space<vmem>> -> memref<1x20xi32, #tpu.memory_space<vmem>>
        %dma_wait3A_979 = tpu.memref_squeeze %dma_wait3A_978 : memref<1x20xi32, #tpu.memory_space<vmem>> -> memref<20xi32, #tpu.memory_space<vmem>>
        %dma_wait3A_980 = arith.constant 0 : i32
        %dma_wait3A_981 = arith.constant 0 : i32
        %dma_wait3A_982 = tpu.memref_slice %arg4[%dma_wait3A_980, %dma_wait3A_981] : memref<100000x128xf32, #tpu.memory_space<hbm>> -> memref<100000x128xf32, #tpu.memory_space<hbm>>
        tpu.wait_indirect_dma semaphore(%arg12 : memref<!tpu.dma_semaphore, #tpu.memory_space<semaphore_mem>>) src(%dma_wait3A_982 : memref<100000x128xf32, #tpu.memory_space<hbm>>) dst(%dma_wait3A_976 : memref<20x128xf32, #tpu.memory_space<vmem>>)
        %dma_wait3A_983 = arith.constant 13 : i32
        %dma_wait3A_984 = arith.constant 0 : i32
        %dma_wait3A_985 = arith.constant 0 : i32
        %dma_wait3A_986 = tpu.memref_slice %arg10[%dma_wait3A_983, %dma_wait3A_984, %dma_wait3A_985] : memref<16x20x128xf32, #tpu.memory_space<vmem>> -> memref<1x20x128xf32, #tpu.memory_space<vmem>>
        %dma_wait3A_987 = tpu.memref_squeeze %dma_wait3A_986 : memref<1x20x128xf32, #tpu.memory_space<vmem>> -> memref<20x128xf32, #tpu.memory_space<vmem>>
        %dma_wait3A_988 = arith.constant 0 : i32
        %dma_wait3A_989 = tpu.memref_slice %arg7[%add3A_418, %dma_wait3A_988] : memref<64x20xi32, #tpu.memory_space<vmem>> -> memref<1x20xi32, #tpu.memory_space<vmem>>
        %dma_wait3A_990 = tpu.memref_squeeze %dma_wait3A_989 : memref<1x20xi32, #tpu.memory_space<vmem>> -> memref<20xi32, #tpu.memory_space<vmem>>
        %dma_wait3A_991 = arith.constant 0 : i32
        %dma_wait3A_992 = arith.constant 0 : i32
        %dma_wait3A_993 = tpu.memref_slice %arg4[%dma_wait3A_991, %dma_wait3A_992] : memref<100000x128xf32, #tpu.memory_space<hbm>> -> memref<100000x128xf32, #tpu.memory_space<hbm>>
        tpu.wait_indirect_dma semaphore(%arg12 : memref<!tpu.dma_semaphore, #tpu.memory_space<semaphore_mem>>) src(%dma_wait3A_993 : memref<100000x128xf32, #tpu.memory_space<hbm>>) dst(%dma_wait3A_987 : memref<20x128xf32, #tpu.memory_space<vmem>>)
        %dma_wait3A_994 = arith.constant 14 : i32
        %dma_wait3A_995 = arith.constant 0 : i32
        %dma_wait3A_996 = arith.constant 0 : i32
        %dma_wait3A_997 = tpu.memref_slice %arg10[%dma_wait3A_994, %dma_wait3A_995, %dma_wait3A_996] : memref<16x20x128xf32, #tpu.memory_space<vmem>> -> memref<1x20x128xf32, #tpu.memory_space<vmem>>
        %dma_wait3A_998 = tpu.memref_squeeze %dma_wait3A_997 : memref<1x20x128xf32, #tpu.memory_space<vmem>> -> memref<20x128xf32, #tpu.memory_space<vmem>>
        %dma_wait3A_999 = arith.constant 0 : i32
        %dma_wait3A_1000 = tpu.memref_slice %arg7[%add3A_431, %dma_wait3A_999] : memref<64x20xi32, #tpu.memory_space<vmem>> -> memref<1x20xi32, #tpu.memory_space<vmem>>
        %dma_wait3A_1001 = tpu.memref_squeeze %dma_wait3A_1000 : memref<1x20xi32, #tpu.memory_space<vmem>> -> memref<20xi32, #tpu.memory_space<vmem>>
        %dma_wait3A_1002 = arith.constant 0 : i32
        %dma_wait3A_1003 = arith.constant 0 : i32
        %dma_wait3A_1004 = tpu.memref_slice %arg4[%dma_wait3A_1002, %dma_wait3A_1003] : memref<100000x128xf32, #tpu.memory_space<hbm>> -> memref<100000x128xf32, #tpu.memory_space<hbm>>
        tpu.wait_indirect_dma semaphore(%arg12 : memref<!tpu.dma_semaphore, #tpu.memory_space<semaphore_mem>>) src(%dma_wait3A_1004 : memref<100000x128xf32, #tpu.memory_space<hbm>>) dst(%dma_wait3A_998 : memref<20x128xf32, #tpu.memory_space<vmem>>)
        %dma_wait3A_1005 = arith.constant 15 : i32
        %dma_wait3A_1006 = arith.constant 0 : i32
        %dma_wait3A_1007 = arith.constant 0 : i32
        %dma_wait3A_1008 = tpu.memref_slice %arg10[%dma_wait3A_1005, %dma_wait3A_1006, %dma_wait3A_1007] : memref<16x20x128xf32, #tpu.memory_space<vmem>> -> memref<1x20x128xf32, #tpu.memory_space<vmem>>
        %dma_wait3A_1009 = tpu.memref_squeeze %dma_wait3A_1008 : memref<1x20x128xf32, #tpu.memory_space<vmem>> -> memref<20x128xf32, #tpu.memory_space<vmem>>
        %dma_wait3A_1010 = arith.constant 0 : i32
        %dma_wait3A_1011 = tpu.memref_slice %arg7[%add3A_444, %dma_wait3A_1010] : memref<64x20xi32, #tpu.memory_space<vmem>> -> memref<1x20xi32, #tpu.memory_space<vmem>>
        %dma_wait3A_1012 = tpu.memref_squeeze %dma_wait3A_1011 : memref<1x20xi32, #tpu.memory_space<vmem>> -> memref<20xi32, #tpu.memory_space<vmem>>
        %dma_wait3A_1013 = arith.constant 0 : i32
        %dma_wait3A_1014 = arith.constant 0 : i32
        %dma_wait3A_1015 = tpu.memref_slice %arg4[%dma_wait3A_1013, %dma_wait3A_1014] : memref<100000x128xf32, #tpu.memory_space<hbm>> -> memref<100000x128xf32, #tpu.memory_space<hbm>>
        tpu.wait_indirect_dma semaphore(%arg12 : memref<!tpu.dma_semaphore, #tpu.memory_space<semaphore_mem>>) src(%dma_wait3A_1015 : memref<100000x128xf32, #tpu.memory_space<hbm>>) dst(%dma_wait3A_1009 : memref<20x128xf32, #tpu.memory_space<vmem>>)
        %add3A_1016 = arith.constant 0 : i32
        %add3A_1017 = arith.addi %add3A_38, %add3A_1016 : i32
        %dma_start3A_1018 = arith.constant 0 : i32
        %dma_start3A_1019 = arith.constant 0 : i32
        %dma_start3A_1020 = arith.constant 0 : i32
        %dma_start3A_1021 = tpu.memref_slice %arg10[%dma_start3A_1018, %dma_start3A_1019, %dma_start3A_1020] : memref<16x20x128xf32, #tpu.memory_space<vmem>> -> memref<1x20x128xf32, #tpu.memory_space<vmem>>
        %dma_start3A_1022 = tpu.memref_squeeze %dma_start3A_1021 : memref<1x20x128xf32, #tpu.memory_space<vmem>> -> memref<20x128xf32, #tpu.memory_space<vmem>>
        %dma_start3A_1023 = arith.constant 0 : i32
        %dma_start3A_1024 = tpu.memref_slice %arg8[%add3A_1017, %dma_start3A_1023] : memref<64x20xi32, #tpu.memory_space<vmem>> -> memref<1x20xi32, #tpu.memory_space<vmem>>
        %dma_start3A_1025 = tpu.memref_squeeze %dma_start3A_1024 : memref<1x20xi32, #tpu.memory_space<vmem>> -> memref<20xi32, #tpu.memory_space<vmem>>
        %dma_start3A_1026 = arith.constant 0 : i32
        %dma_start3A_1027 = arith.constant 0 : i32
        %dma_start3A_1028 = tpu.memref_slice %arg5[%dma_start3A_1026, %dma_start3A_1027] : memref<100000x128xf32, #tpu.memory_space<hbm>> -> memref<100000x128xf32, #tpu.memory_space<hbm>>
        tpu.enqueue_indirect_dma source(%dma_start3A_1028 : memref<100000x128xf32, #tpu.memory_space<hbm>>) target(%dma_start3A_1022 : memref<20x128xf32, #tpu.memory_space<vmem>>) offsets(%dma_start3A_1025 : memref<20xi32, #tpu.memory_space<vmem>>) semaphore(%arg12 : memref<!tpu.dma_semaphore, #tpu.memory_space<semaphore_mem>>) {add = true}
        %add3A_1029 = arith.constant 1 : i32
        %add3A_1030 = arith.addi %add3A_38, %add3A_1029 : i32
        %dma_start3A_1031 = arith.constant 1 : i32
        %dma_start3A_1032 = arith.constant 0 : i32
        %dma_start3A_1033 = arith.constant 0 : i32
        %dma_start3A_1034 = tpu.memref_slice %arg10[%dma_start3A_1031, %dma_start3A_1032, %dma_start3A_1033] : memref<16x20x128xf32, #tpu.memory_space<vmem>> -> memref<1x20x128xf32, #tpu.memory_space<vmem>>
        %dma_start3A_1035 = tpu.memref_squeeze %dma_start3A_1034 : memref<1x20x128xf32, #tpu.memory_space<vmem>> -> memref<20x128xf32, #tpu.memory_space<vmem>>
        %dma_start3A_1036 = arith.constant 0 : i32
        %dma_start3A_1037 = tpu.memref_slice %arg8[%add3A_1030, %dma_start3A_1036] : memref<64x20xi32, #tpu.memory_space<vmem>> -> memref<1x20xi32, #tpu.memory_space<vmem>>
        %dma_start3A_1038 = tpu.memref_squeeze %dma_start3A_1037 : memref<1x20xi32, #tpu.memory_space<vmem>> -> memref<20xi32, #tpu.memory_space<vmem>>
        %dma_start3A_1039 = arith.constant 0 : i32
        %dma_start3A_1040 = arith.constant 0 : i32
        %dma_start3A_1041 = tpu.memref_slice %arg5[%dma_start3A_1039, %dma_start3A_1040] : memref<100000x128xf32, #tpu.memory_space<hbm>> -> memref<100000x128xf32, #tpu.memory_space<hbm>>
        tpu.enqueue_indirect_dma source(%dma_start3A_1041 : memref<100000x128xf32, #tpu.memory_space<hbm>>) target(%dma_start3A_1035 : memref<20x128xf32, #tpu.memory_space<vmem>>) offsets(%dma_start3A_1038 : memref<20xi32, #tpu.memory_space<vmem>>) semaphore(%arg12 : memref<!tpu.dma_semaphore, #tpu.memory_space<semaphore_mem>>) {add = true}
        %add3A_1042 = arith.constant 2 : i32
        %add3A_1043 = arith.addi %add3A_38, %add3A_1042 : i32
        %dma_start3A_1044 = arith.constant 2 : i32
        %dma_start3A_1045 = arith.constant 0 : i32
        %dma_start3A_1046 = arith.constant 0 : i32
        %dma_start3A_1047 = tpu.memref_slice %arg10[%dma_start3A_1044, %dma_start3A_1045, %dma_start3A_1046] : memref<16x20x128xf32, #tpu.memory_space<vmem>> -> memref<1x20x128xf32, #tpu.memory_space<vmem>>
        %dma_start3A_1048 = tpu.memref_squeeze %dma_start3A_1047 : memref<1x20x128xf32, #tpu.memory_space<vmem>> -> memref<20x128xf32, #tpu.memory_space<vmem>>
        %dma_start3A_1049 = arith.constant 0 : i32
        %dma_start3A_1050 = tpu.memref_slice %arg8[%add3A_1043, %dma_start3A_1049] : memref<64x20xi32, #tpu.memory_space<vmem>> -> memref<1x20xi32, #tpu.memory_space<vmem>>
        %dma_start3A_1051 = tpu.memref_squeeze %dma_start3A_1050 : memref<1x20xi32, #tpu.memory_space<vmem>> -> memref<20xi32, #tpu.memory_space<vmem>>
        %dma_start3A_1052 = arith.constant 0 : i32
        %dma_start3A_1053 = arith.constant 0 : i32
        %dma_start3A_1054 = tpu.memref_slice %arg5[%dma_start3A_1052, %dma_start3A_1053] : memref<100000x128xf32, #tpu.memory_space<hbm>> -> memref<100000x128xf32, #tpu.memory_space<hbm>>
        tpu.enqueue_indirect_dma source(%dma_start3A_1054 : memref<100000x128xf32, #tpu.memory_space<hbm>>) target(%dma_start3A_1048 : memref<20x128xf32, #tpu.memory_space<vmem>>) offsets(%dma_start3A_1051 : memref<20xi32, #tpu.memory_space<vmem>>) semaphore(%arg12 : memref<!tpu.dma_semaphore, #tpu.memory_space<semaphore_mem>>) {add = true}
        %add3A_1055 = arith.constant 3 : i32
        %add3A_1056 = arith.addi %add3A_38, %add3A_1055 : i32
        %dma_start3A_1057 = arith.constant 3 : i32
        %dma_start3A_1058 = arith.constant 0 : i32
        %dma_start3A_1059 = arith.constant 0 : i32
        %dma_start3A_1060 = tpu.memref_slice %arg10[%dma_start3A_1057, %dma_start3A_1058, %dma_start3A_1059] : memref<16x20x128xf32, #tpu.memory_space<vmem>> -> memref<1x20x128xf32, #tpu.memory_space<vmem>>
        %dma_start3A_1061 = tpu.memref_squeeze %dma_start3A_1060 : memref<1x20x128xf32, #tpu.memory_space<vmem>> -> memref<20x128xf32, #tpu.memory_space<vmem>>
        %dma_start3A_1062 = arith.constant 0 : i32
        %dma_start3A_1063 = tpu.memref_slice %arg8[%add3A_1056, %dma_start3A_1062] : memref<64x20xi32, #tpu.memory_space<vmem>> -> memref<1x20xi32, #tpu.memory_space<vmem>>
        %dma_start3A_1064 = tpu.memref_squeeze %dma_start3A_1063 : memref<1x20xi32, #tpu.memory_space<vmem>> -> memref<20xi32, #tpu.memory_space<vmem>>
        %dma_start3A_1065 = arith.constant 0 : i32
        %dma_start3A_1066 = arith.constant 0 : i32
        %dma_start3A_1067 = tpu.memref_slice %arg5[%dma_start3A_1065, %dma_start3A_1066] : memref<100000x128xf32, #tpu.memory_space<hbm>> -> memref<100000x128xf32, #tpu.memory_space<hbm>>
        tpu.enqueue_indirect_dma source(%dma_start3A_1067 : memref<100000x128xf32, #tpu.memory_space<hbm>>) target(%dma_start3A_1061 : memref<20x128xf32, #tpu.memory_space<vmem>>) offsets(%dma_start3A_1064 : memref<20xi32, #tpu.memory_space<vmem>>) semaphore(%arg12 : memref<!tpu.dma_semaphore, #tpu.memory_space<semaphore_mem>>) {add = true}
        %add3A_1068 = arith.constant 4 : i32
        %add3A_1069 = arith.addi %add3A_38, %add3A_1068 : i32
        %dma_start3A_1070 = arith.constant 4 : i32
        %dma_start3A_1071 = arith.constant 0 : i32
        %dma_start3A_1072 = arith.constant 0 : i32
        %dma_start3A_1073 = tpu.memref_slice %arg10[%dma_start3A_1070, %dma_start3A_1071, %dma_start3A_1072] : memref<16x20x128xf32, #tpu.memory_space<vmem>> -> memref<1x20x128xf32, #tpu.memory_space<vmem>>
        %dma_start3A_1074 = tpu.memref_squeeze %dma_start3A_1073 : memref<1x20x128xf32, #tpu.memory_space<vmem>> -> memref<20x128xf32, #tpu.memory_space<vmem>>
        %dma_start3A_1075 = arith.constant 0 : i32
        %dma_start3A_1076 = tpu.memref_slice %arg8[%add3A_1069, %dma_start3A_1075] : memref<64x20xi32, #tpu.memory_space<vmem>> -> memref<1x20xi32, #tpu.memory_space<vmem>>
        %dma_start3A_1077 = tpu.memref_squeeze %dma_start3A_1076 : memref<1x20xi32, #tpu.memory_space<vmem>> -> memref<20xi32, #tpu.memory_space<vmem>>
        %dma_start3A_1078 = arith.constant 0 : i32
        %dma_start3A_1079 = arith.constant 0 : i32
        %dma_start3A_1080 = tpu.memref_slice %arg5[%dma_start3A_1078, %dma_start3A_1079] : memref<100000x128xf32, #tpu.memory_space<hbm>> -> memref<100000x128xf32, #tpu.memory_space<hbm>>
        tpu.enqueue_indirect_dma source(%dma_start3A_1080 : memref<100000x128xf32, #tpu.memory_space<hbm>>) target(%dma_start3A_1074 : memref<20x128xf32, #tpu.memory_space<vmem>>) offsets(%dma_start3A_1077 : memref<20xi32, #tpu.memory_space<vmem>>) semaphore(%arg12 : memref<!tpu.dma_semaphore, #tpu.memory_space<semaphore_mem>>) {add = true}
        %add3A_1081 = arith.constant 5 : i32
        %add3A_1082 = arith.addi %add3A_38, %add3A_1081 : i32
        %dma_start3A_1083 = arith.constant 5 : i32
        %dma_start3A_1084 = arith.constant 0 : i32
        %dma_start3A_1085 = arith.constant 0 : i32
        %dma_start3A_1086 = tpu.memref_slice %arg10[%dma_start3A_1083, %dma_start3A_1084, %dma_start3A_1085] : memref<16x20x128xf32, #tpu.memory_space<vmem>> -> memref<1x20x128xf32, #tpu.memory_space<vmem>>
        %dma_start3A_1087 = tpu.memref_squeeze %dma_start3A_1086 : memref<1x20x128xf32, #tpu.memory_space<vmem>> -> memref<20x128xf32, #tpu.memory_space<vmem>>
        %dma_start3A_1088 = arith.constant 0 : i32
        %dma_start3A_1089 = tpu.memref_slice %arg8[%add3A_1082, %dma_start3A_1088] : memref<64x20xi32, #tpu.memory_space<vmem>> -> memref<1x20xi32, #tpu.memory_space<vmem>>
        %dma_start3A_1090 = tpu.memref_squeeze %dma_start3A_1089 : memref<1x20xi32, #tpu.memory_space<vmem>> -> memref<20xi32, #tpu.memory_space<vmem>>
        %dma_start3A_1091 = arith.constant 0 : i32
        %dma_start3A_1092 = arith.constant 0 : i32
        %dma_start3A_1093 = tpu.memref_slice %arg5[%dma_start3A_1091, %dma_start3A_1092] : memref<100000x128xf32, #tpu.memory_space<hbm>> -> memref<100000x128xf32, #tpu.memory_space<hbm>>
        tpu.enqueue_indirect_dma source(%dma_start3A_1093 : memref<100000x128xf32, #tpu.memory_space<hbm>>) target(%dma_start3A_1087 : memref<20x128xf32, #tpu.memory_space<vmem>>) offsets(%dma_start3A_1090 : memref<20xi32, #tpu.memory_space<vmem>>) semaphore(%arg12 : memref<!tpu.dma_semaphore, #tpu.memory_space<semaphore_mem>>) {add = true}
        %add3A_1094 = arith.constant 6 : i32
        %add3A_1095 = arith.addi %add3A_38, %add3A_1094 : i32
        %dma_start3A_1096 = arith.constant 6 : i32
        %dma_start3A_1097 = arith.constant 0 : i32
        %dma_start3A_1098 = arith.constant 0 : i32
        %dma_start3A_1099 = tpu.memref_slice %arg10[%dma_start3A_1096, %dma_start3A_1097, %dma_start3A_1098] : memref<16x20x128xf32, #tpu.memory_space<vmem>> -> memref<1x20x128xf32, #tpu.memory_space<vmem>>
        %dma_start3A_1100 = tpu.memref_squeeze %dma_start3A_1099 : memref<1x20x128xf32, #tpu.memory_space<vmem>> -> memref<20x128xf32, #tpu.memory_space<vmem>>
        %dma_start3A_1101 = arith.constant 0 : i32
        %dma_start3A_1102 = tpu.memref_slice %arg8[%add3A_1095, %dma_start3A_1101] : memref<64x20xi32, #tpu.memory_space<vmem>> -> memref<1x20xi32, #tpu.memory_space<vmem>>
        %dma_start3A_1103 = tpu.memref_squeeze %dma_start3A_1102 : memref<1x20xi32, #tpu.memory_space<vmem>> -> memref<20xi32, #tpu.memory_space<vmem>>
        %dma_start3A_1104 = arith.constant 0 : i32
        %dma_start3A_1105 = arith.constant 0 : i32
        %dma_start3A_1106 = tpu.memref_slice %arg5[%dma_start3A_1104, %dma_start3A_1105] : memref<100000x128xf32, #tpu.memory_space<hbm>> -> memref<100000x128xf32, #tpu.memory_space<hbm>>
        tpu.enqueue_indirect_dma source(%dma_start3A_1106 : memref<100000x128xf32, #tpu.memory_space<hbm>>) target(%dma_start3A_1100 : memref<20x128xf32, #tpu.memory_space<vmem>>) offsets(%dma_start3A_1103 : memref<20xi32, #tpu.memory_space<vmem>>) semaphore(%arg12 : memref<!tpu.dma_semaphore, #tpu.memory_space<semaphore_mem>>) {add = true}
        %add3A_1107 = arith.constant 7 : i32
        %add3A_1108 = arith.addi %add3A_38, %add3A_1107 : i32
        %dma_start3A_1109 = arith.constant 7 : i32
        %dma_start3A_1110 = arith.constant 0 : i32
        %dma_start3A_1111 = arith.constant 0 : i32
        %dma_start3A_1112 = tpu.memref_slice %arg10[%dma_start3A_1109, %dma_start3A_1110, %dma_start3A_1111] : memref<16x20x128xf32, #tpu.memory_space<vmem>> -> memref<1x20x128xf32, #tpu.memory_space<vmem>>
        %dma_start3A_1113 = tpu.memref_squeeze %dma_start3A_1112 : memref<1x20x128xf32, #tpu.memory_space<vmem>> -> memref<20x128xf32, #tpu.memory_space<vmem>>
        %dma_start3A_1114 = arith.constant 0 : i32
        %dma_start3A_1115 = tpu.memref_slice %arg8[%add3A_1108, %dma_start3A_1114] : memref<64x20xi32, #tpu.memory_space<vmem>> -> memref<1x20xi32, #tpu.memory_space<vmem>>
        %dma_start3A_1116 = tpu.memref_squeeze %dma_start3A_1115 : memref<1x20xi32, #tpu.memory_space<vmem>> -> memref<20xi32, #tpu.memory_space<vmem>>
        %dma_start3A_1117 = arith.constant 0 : i32
        %dma_start3A_1118 = arith.constant 0 : i32
        %dma_start3A_1119 = tpu.memref_slice %arg5[%dma_start3A_1117, %dma_start3A_1118] : memref<100000x128xf32, #tpu.memory_space<hbm>> -> memref<100000x128xf32, #tpu.memory_space<hbm>>
        tpu.enqueue_indirect_dma source(%dma_start3A_1119 : memref<100000x128xf32, #tpu.memory_space<hbm>>) target(%dma_start3A_1113 : memref<20x128xf32, #tpu.memory_space<vmem>>) offsets(%dma_start3A_1116 : memref<20xi32, #tpu.memory_space<vmem>>) semaphore(%arg12 : memref<!tpu.dma_semaphore, #tpu.memory_space<semaphore_mem>>) {add = true}
        %add3A_1120 = arith.constant 8 : i32
        %add3A_1121 = arith.addi %add3A_38, %add3A_1120 : i32
        %dma_start3A_1122 = arith.constant 8 : i32
        %dma_start3A_1123 = arith.constant 0 : i32
        %dma_start3A_1124 = arith.constant 0 : i32
        %dma_start3A_1125 = tpu.memref_slice %arg10[%dma_start3A_1122, %dma_start3A_1123, %dma_start3A_1124] : memref<16x20x128xf32, #tpu.memory_space<vmem>> -> memref<1x20x128xf32, #tpu.memory_space<vmem>>
        %dma_start3A_1126 = tpu.memref_squeeze %dma_start3A_1125 : memref<1x20x128xf32, #tpu.memory_space<vmem>> -> memref<20x128xf32, #tpu.memory_space<vmem>>
        %dma_start3A_1127 = arith.constant 0 : i32
        %dma_start3A_1128 = tpu.memref_slice %arg8[%add3A_1121, %dma_start3A_1127] : memref<64x20xi32, #tpu.memory_space<vmem>> -> memref<1x20xi32, #tpu.memory_space<vmem>>
        %dma_start3A_1129 = tpu.memref_squeeze %dma_start3A_1128 : memref<1x20xi32, #tpu.memory_space<vmem>> -> memref<20xi32, #tpu.memory_space<vmem>>
        %dma_start3A_1130 = arith.constant 0 : i32
        %dma_start3A_1131 = arith.constant 0 : i32
        %dma_start3A_1132 = tpu.memref_slice %arg5[%dma_start3A_1130, %dma_start3A_1131] : memref<100000x128xf32, #tpu.memory_space<hbm>> -> memref<100000x128xf32, #tpu.memory_space<hbm>>
        tpu.enqueue_indirect_dma source(%dma_start3A_1132 : memref<100000x128xf32, #tpu.memory_space<hbm>>) target(%dma_start3A_1126 : memref<20x128xf32, #tpu.memory_space<vmem>>) offsets(%dma_start3A_1129 : memref<20xi32, #tpu.memory_space<vmem>>) semaphore(%arg12 : memref<!tpu.dma_semaphore, #tpu.memory_space<semaphore_mem>>) {add = true}
        %add3A_1133 = arith.constant 9 : i32
        %add3A_1134 = arith.addi %add3A_38, %add3A_1133 : i32
        %dma_start3A_1135 = arith.constant 9 : i32
        %dma_start3A_1136 = arith.constant 0 : i32
        %dma_start3A_1137 = arith.constant 0 : i32
        %dma_start3A_1138 = tpu.memref_slice %arg10[%dma_start3A_1135, %dma_start3A_1136, %dma_start3A_1137] : memref<16x20x128xf32, #tpu.memory_space<vmem>> -> memref<1x20x128xf32, #tpu.memory_space<vmem>>
        %dma_start3A_1139 = tpu.memref_squeeze %dma_start3A_1138 : memref<1x20x128xf32, #tpu.memory_space<vmem>> -> memref<20x128xf32, #tpu.memory_space<vmem>>
        %dma_start3A_1140 = arith.constant 0 : i32
        %dma_start3A_1141 = tpu.memref_slice %arg8[%add3A_1134, %dma_start3A_1140] : memref<64x20xi32, #tpu.memory_space<vmem>> -> memref<1x20xi32, #tpu.memory_space<vmem>>
        %dma_start3A_1142 = tpu.memref_squeeze %dma_start3A_1141 : memref<1x20xi32, #tpu.memory_space<vmem>> -> memref<20xi32, #tpu.memory_space<vmem>>
        %dma_start3A_1143 = arith.constant 0 : i32
        %dma_start3A_1144 = arith.constant 0 : i32
        %dma_start3A_1145 = tpu.memref_slice %arg5[%dma_start3A_1143, %dma_start3A_1144] : memref<100000x128xf32, #tpu.memory_space<hbm>> -> memref<100000x128xf32, #tpu.memory_space<hbm>>
        tpu.enqueue_indirect_dma source(%dma_start3A_1145 : memref<100000x128xf32, #tpu.memory_space<hbm>>) target(%dma_start3A_1139 : memref<20x128xf32, #tpu.memory_space<vmem>>) offsets(%dma_start3A_1142 : memref<20xi32, #tpu.memory_space<vmem>>) semaphore(%arg12 : memref<!tpu.dma_semaphore, #tpu.memory_space<semaphore_mem>>) {add = true}
        %add3A_1146 = arith.constant 10 : i32
        %add3A_1147 = arith.addi %add3A_38, %add3A_1146 : i32
        %dma_start3A_1148 = arith.constant 10 : i32
        %dma_start3A_1149 = arith.constant 0 : i32
        %dma_start3A_1150 = arith.constant 0 : i32
        %dma_start3A_1151 = tpu.memref_slice %arg10[%dma_start3A_1148, %dma_start3A_1149, %dma_start3A_1150] : memref<16x20x128xf32, #tpu.memory_space<vmem>> -> memref<1x20x128xf32, #tpu.memory_space<vmem>>
        %dma_start3A_1152 = tpu.memref_squeeze %dma_start3A_1151 : memref<1x20x128xf32, #tpu.memory_space<vmem>> -> memref<20x128xf32, #tpu.memory_space<vmem>>
        %dma_start3A_1153 = arith.constant 0 : i32
        %dma_start3A_1154 = tpu.memref_slice %arg8[%add3A_1147, %dma_start3A_1153] : memref<64x20xi32, #tpu.memory_space<vmem>> -> memref<1x20xi32, #tpu.memory_space<vmem>>
        %dma_start3A_1155 = tpu.memref_squeeze %dma_start3A_1154 : memref<1x20xi32, #tpu.memory_space<vmem>> -> memref<20xi32, #tpu.memory_space<vmem>>
        %dma_start3A_1156 = arith.constant 0 : i32
        %dma_start3A_1157 = arith.constant 0 : i32
        %dma_start3A_1158 = tpu.memref_slice %arg5[%dma_start3A_1156, %dma_start3A_1157] : memref<100000x128xf32, #tpu.memory_space<hbm>> -> memref<100000x128xf32, #tpu.memory_space<hbm>>
        tpu.enqueue_indirect_dma source(%dma_start3A_1158 : memref<100000x128xf32, #tpu.memory_space<hbm>>) target(%dma_start3A_1152 : memref<20x128xf32, #tpu.memory_space<vmem>>) offsets(%dma_start3A_1155 : memref<20xi32, #tpu.memory_space<vmem>>) semaphore(%arg12 : memref<!tpu.dma_semaphore, #tpu.memory_space<semaphore_mem>>) {add = true}
        %add3A_1159 = arith.constant 11 : i32
        %add3A_1160 = arith.addi %add3A_38, %add3A_1159 : i32
        %dma_start3A_1161 = arith.constant 11 : i32
        %dma_start3A_1162 = arith.constant 0 : i32
        %dma_start3A_1163 = arith.constant 0 : i32
        %dma_start3A_1164 = tpu.memref_slice %arg10[%dma_start3A_1161, %dma_start3A_1162, %dma_start3A_1163] : memref<16x20x128xf32, #tpu.memory_space<vmem>> -> memref<1x20x128xf32, #tpu.memory_space<vmem>>
        %dma_start3A_1165 = tpu.memref_squeeze %dma_start3A_1164 : memref<1x20x128xf32, #tpu.memory_space<vmem>> -> memref<20x128xf32, #tpu.memory_space<vmem>>
        %dma_start3A_1166 = arith.constant 0 : i32
        %dma_start3A_1167 = tpu.memref_slice %arg8[%add3A_1160, %dma_start3A_1166] : memref<64x20xi32, #tpu.memory_space<vmem>> -> memref<1x20xi32, #tpu.memory_space<vmem>>
        %dma_start3A_1168 = tpu.memref_squeeze %dma_start3A_1167 : memref<1x20xi32, #tpu.memory_space<vmem>> -> memref<20xi32, #tpu.memory_space<vmem>>
        %dma_start3A_1169 = arith.constant 0 : i32
        %dma_start3A_1170 = arith.constant 0 : i32
        %dma_start3A_1171 = tpu.memref_slice %arg5[%dma_start3A_1169, %dma_start3A_1170] : memref<100000x128xf32, #tpu.memory_space<hbm>> -> memref<100000x128xf32, #tpu.memory_space<hbm>>
        tpu.enqueue_indirect_dma source(%dma_start3A_1171 : memref<100000x128xf32, #tpu.memory_space<hbm>>) target(%dma_start3A_1165 : memref<20x128xf32, #tpu.memory_space<vmem>>) offsets(%dma_start3A_1168 : memref<20xi32, #tpu.memory_space<vmem>>) semaphore(%arg12 : memref<!tpu.dma_semaphore, #tpu.memory_space<semaphore_mem>>) {add = true}
        %add3A_1172 = arith.constant 12 : i32
        %add3A_1173 = arith.addi %add3A_38, %add3A_1172 : i32
        %dma_start3A_1174 = arith.constant 12 : i32
        %dma_start3A_1175 = arith.constant 0 : i32
        %dma_start3A_1176 = arith.constant 0 : i32
        %dma_start3A_1177 = tpu.memref_slice %arg10[%dma_start3A_1174, %dma_start3A_1175, %dma_start3A_1176] : memref<16x20x128xf32, #tpu.memory_space<vmem>> -> memref<1x20x128xf32, #tpu.memory_space<vmem>>
        %dma_start3A_1178 = tpu.memref_squeeze %dma_start3A_1177 : memref<1x20x128xf32, #tpu.memory_space<vmem>> -> memref<20x128xf32, #tpu.memory_space<vmem>>
        %dma_start3A_1179 = arith.constant 0 : i32
        %dma_start3A_1180 = tpu.memref_slice %arg8[%add3A_1173, %dma_start3A_1179] : memref<64x20xi32, #tpu.memory_space<vmem>> -> memref<1x20xi32, #tpu.memory_space<vmem>>
        %dma_start3A_1181 = tpu.memref_squeeze %dma_start3A_1180 : memref<1x20xi32, #tpu.memory_space<vmem>> -> memref<20xi32, #tpu.memory_space<vmem>>
        %dma_start3A_1182 = arith.constant 0 : i32
        %dma_start3A_1183 = arith.constant 0 : i32
        %dma_start3A_1184 = tpu.memref_slice %arg5[%dma_start3A_1182, %dma_start3A_1183] : memref<100000x128xf32, #tpu.memory_space<hbm>> -> memref<100000x128xf32, #tpu.memory_space<hbm>>
        tpu.enqueue_indirect_dma source(%dma_start3A_1184 : memref<100000x128xf32, #tpu.memory_space<hbm>>) target(%dma_start3A_1178 : memref<20x128xf32, #tpu.memory_space<vmem>>) offsets(%dma_start3A_1181 : memref<20xi32, #tpu.memory_space<vmem>>) semaphore(%arg12 : memref<!tpu.dma_semaphore, #tpu.memory_space<semaphore_mem>>) {add = true}
        %add3A_1185 = arith.constant 13 : i32
        %add3A_1186 = arith.addi %add3A_38, %add3A_1185 : i32
        %dma_start3A_1187 = arith.constant 13 : i32
        %dma_start3A_1188 = arith.constant 0 : i32
        %dma_start3A_1189 = arith.constant 0 : i32
        %dma_start3A_1190 = tpu.memref_slice %arg10[%dma_start3A_1187, %dma_start3A_1188, %dma_start3A_1189] : memref<16x20x128xf32, #tpu.memory_space<vmem>> -> memref<1x20x128xf32, #tpu.memory_space<vmem>>
        %dma_start3A_1191 = tpu.memref_squeeze %dma_start3A_1190 : memref<1x20x128xf32, #tpu.memory_space<vmem>> -> memref<20x128xf32, #tpu.memory_space<vmem>>
        %dma_start3A_1192 = arith.constant 0 : i32
        %dma_start3A_1193 = tpu.memref_slice %arg8[%add3A_1186, %dma_start3A_1192] : memref<64x20xi32, #tpu.memory_space<vmem>> -> memref<1x20xi32, #tpu.memory_space<vmem>>
        %dma_start3A_1194 = tpu.memref_squeeze %dma_start3A_1193 : memref<1x20xi32, #tpu.memory_space<vmem>> -> memref<20xi32, #tpu.memory_space<vmem>>
        %dma_start3A_1195 = arith.constant 0 : i32
        %dma_start3A_1196 = arith.constant 0 : i32
        %dma_start3A_1197 = tpu.memref_slice %arg5[%dma_start3A_1195, %dma_start3A_1196] : memref<100000x128xf32, #tpu.memory_space<hbm>> -> memref<100000x128xf32, #tpu.memory_space<hbm>>
        tpu.enqueue_indirect_dma source(%dma_start3A_1197 : memref<100000x128xf32, #tpu.memory_space<hbm>>) target(%dma_start3A_1191 : memref<20x128xf32, #tpu.memory_space<vmem>>) offsets(%dma_start3A_1194 : memref<20xi32, #tpu.memory_space<vmem>>) semaphore(%arg12 : memref<!tpu.dma_semaphore, #tpu.memory_space<semaphore_mem>>) {add = true}
        %add3A_1198 = arith.constant 14 : i32
        %add3A_1199 = arith.addi %add3A_38, %add3A_1198 : i32
        %dma_start3A_1200 = arith.constant 14 : i32
        %dma_start3A_1201 = arith.constant 0 : i32
        %dma_start3A_1202 = arith.constant 0 : i32
        %dma_start3A_1203 = tpu.memref_slice %arg10[%dma_start3A_1200, %dma_start3A_1201, %dma_start3A_1202] : memref<16x20x128xf32, #tpu.memory_space<vmem>> -> memref<1x20x128xf32, #tpu.memory_space<vmem>>
        %dma_start3A_1204 = tpu.memref_squeeze %dma_start3A_1203 : memref<1x20x128xf32, #tpu.memory_space<vmem>> -> memref<20x128xf32, #tpu.memory_space<vmem>>
        %dma_start3A_1205 = arith.constant 0 : i32
        %dma_start3A_1206 = tpu.memref_slice %arg8[%add3A_1199, %dma_start3A_1205] : memref<64x20xi32, #tpu.memory_space<vmem>> -> memref<1x20xi32, #tpu.memory_space<vmem>>
        %dma_start3A_1207 = tpu.memref_squeeze %dma_start3A_1206 : memref<1x20xi32, #tpu.memory_space<vmem>> -> memref<20xi32, #tpu.memory_space<vmem>>
        %dma_start3A_1208 = arith.constant 0 : i32
        %dma_start3A_1209 = arith.constant 0 : i32
        %dma_start3A_1210 = tpu.memref_slice %arg5[%dma_start3A_1208, %dma_start3A_1209] : memref<100000x128xf32, #tpu.memory_space<hbm>> -> memref<100000x128xf32, #tpu.memory_space<hbm>>
        tpu.enqueue_indirect_dma source(%dma_start3A_1210 : memref<100000x128xf32, #tpu.memory_space<hbm>>) target(%dma_start3A_1204 : memref<20x128xf32, #tpu.memory_space<vmem>>) offsets(%dma_start3A_1207 : memref<20xi32, #tpu.memory_space<vmem>>) semaphore(%arg12 : memref<!tpu.dma_semaphore, #tpu.memory_space<semaphore_mem>>) {add = true}
        %add3A_1211 = arith.constant 15 : i32
        %add3A_1212 = arith.addi %add3A_38, %add3A_1211 : i32
        %dma_start3A_1213 = arith.constant 15 : i32
        %dma_start3A_1214 = arith.constant 0 : i32
        %dma_start3A_1215 = arith.constant 0 : i32
        %dma_start3A_1216 = tpu.memref_slice %arg10[%dma_start3A_1213, %dma_start3A_1214, %dma_start3A_1215] : memref<16x20x128xf32, #tpu.memory_space<vmem>> -> memref<1x20x128xf32, #tpu.memory_space<vmem>>
        %dma_start3A_1217 = tpu.memref_squeeze %dma_start3A_1216 : memref<1x20x128xf32, #tpu.memory_space<vmem>> -> memref<20x128xf32, #tpu.memory_space<vmem>>
        %dma_start3A_1218 = arith.constant 0 : i32
        %dma_start3A_1219 = tpu.memref_slice %arg8[%add3A_1212, %dma_start3A_1218] : memref<64x20xi32, #tpu.memory_space<vmem>> -> memref<1x20xi32, #tpu.memory_space<vmem>>
        %dma_start3A_1220 = tpu.memref_squeeze %dma_start3A_1219 : memref<1x20xi32, #tpu.memory_space<vmem>> -> memref<20xi32, #tpu.memory_space<vmem>>
        %dma_start3A_1221 = arith.constant 0 : i32
        %dma_start3A_1222 = arith.constant 0 : i32
        %dma_start3A_1223 = tpu.memref_slice %arg5[%dma_start3A_1221, %dma_start3A_1222] : memref<100000x128xf32, #tpu.memory_space<hbm>> -> memref<100000x128xf32, #tpu.memory_space<hbm>>
        tpu.enqueue_indirect_dma source(%dma_start3A_1223 : memref<100000x128xf32, #tpu.memory_space<hbm>>) target(%dma_start3A_1217 : memref<20x128xf32, #tpu.memory_space<vmem>>) offsets(%dma_start3A_1220 : memref<20xi32, #tpu.memory_space<vmem>>) semaphore(%arg12 : memref<!tpu.dma_semaphore, #tpu.memory_space<semaphore_mem>>) {add = true}
        %dma_wait3A_1224 = arith.constant 0 : i32
        %dma_wait3A_1225 = arith.constant 0 : i32
        %dma_wait3A_1226 = arith.constant 0 : i32
        %dma_wait3A_1227 = tpu.memref_slice %arg9[%dma_wait3A_1224, %dma_wait3A_1225, %dma_wait3A_1226] : memref<16x20x128xf32, #tpu.memory_space<vmem>> -> memref<1x20x128xf32, #tpu.memory_space<vmem>>
        %dma_wait3A_1228 = tpu.memref_squeeze %dma_wait3A_1227 : memref<1x20x128xf32, #tpu.memory_space<vmem>> -> memref<20x128xf32, #tpu.memory_space<vmem>>
        %dma_wait3A_1229 = arith.constant 0 : i32
        %dma_wait3A_1230 = tpu.memref_slice %arg8[%add3A_633, %dma_wait3A_1229] : memref<64x20xi32, #tpu.memory_space<vmem>> -> memref<1x20xi32, #tpu.memory_space<vmem>>
        %dma_wait3A_1231 = tpu.memref_squeeze %dma_wait3A_1230 : memref<1x20xi32, #tpu.memory_space<vmem>> -> memref<20xi32, #tpu.memory_space<vmem>>
        %dma_wait3A_1232 = arith.constant 0 : i32
        %dma_wait3A_1233 = arith.constant 0 : i32
        %dma_wait3A_1234 = tpu.memref_slice %arg5[%dma_wait3A_1232, %dma_wait3A_1233] : memref<100000x128xf32, #tpu.memory_space<hbm>> -> memref<100000x128xf32, #tpu.memory_space<hbm>>
        tpu.wait_indirect_dma semaphore(%arg11 : memref<!tpu.dma_semaphore, #tpu.memory_space<semaphore_mem>>) src(%dma_wait3A_1234 : memref<100000x128xf32, #tpu.memory_space<hbm>>) dst(%dma_wait3A_1228 : memref<20x128xf32, #tpu.memory_space<vmem>>)
        %dma_wait3A_1235 = arith.constant 1 : i32
        %dma_wait3A_1236 = arith.constant 0 : i32
        %dma_wait3A_1237 = arith.constant 0 : i32
        %dma_wait3A_1238 = tpu.memref_slice %arg9[%dma_wait3A_1235, %dma_wait3A_1236, %dma_wait3A_1237] : memref<16x20x128xf32, #tpu.memory_space<vmem>> -> memref<1x20x128xf32, #tpu.memory_space<vmem>>
        %dma_wait3A_1239 = tpu.memref_squeeze %dma_wait3A_1238 : memref<1x20x128xf32, #tpu.memory_space<vmem>> -> memref<20x128xf32, #tpu.memory_space<vmem>>
        %dma_wait3A_1240 = arith.constant 0 : i32
        %dma_wait3A_1241 = tpu.memref_slice %arg8[%add3A_646, %dma_wait3A_1240] : memref<64x20xi32, #tpu.memory_space<vmem>> -> memref<1x20xi32, #tpu.memory_space<vmem>>
        %dma_wait3A_1242 = tpu.memref_squeeze %dma_wait3A_1241 : memref<1x20xi32, #tpu.memory_space<vmem>> -> memref<20xi32, #tpu.memory_space<vmem>>
        %dma_wait3A_1243 = arith.constant 0 : i32
        %dma_wait3A_1244 = arith.constant 0 : i32
        %dma_wait3A_1245 = tpu.memref_slice %arg5[%dma_wait3A_1243, %dma_wait3A_1244] : memref<100000x128xf32, #tpu.memory_space<hbm>> -> memref<100000x128xf32, #tpu.memory_space<hbm>>
        tpu.wait_indirect_dma semaphore(%arg11 : memref<!tpu.dma_semaphore, #tpu.memory_space<semaphore_mem>>) src(%dma_wait3A_1245 : memref<100000x128xf32, #tpu.memory_space<hbm>>) dst(%dma_wait3A_1239 : memref<20x128xf32, #tpu.memory_space<vmem>>)
        %dma_wait3A_1246 = arith.constant 2 : i32
        %dma_wait3A_1247 = arith.constant 0 : i32
        %dma_wait3A_1248 = arith.constant 0 : i32
        %dma_wait3A_1249 = tpu.memref_slice %arg9[%dma_wait3A_1246, %dma_wait3A_1247, %dma_wait3A_1248] : memref<16x20x128xf32, #tpu.memory_space<vmem>> -> memref<1x20x128xf32, #tpu.memory_space<vmem>>
        %dma_wait3A_1250 = tpu.memref_squeeze %dma_wait3A_1249 : memref<1x20x128xf32, #tpu.memory_space<vmem>> -> memref<20x128xf32, #tpu.memory_space<vmem>>
        %dma_wait3A_1251 = arith.constant 0 : i32
        %dma_wait3A_1252 = tpu.memref_slice %arg8[%add3A_659, %dma_wait3A_1251] : memref<64x20xi32, #tpu.memory_space<vmem>> -> memref<1x20xi32, #tpu.memory_space<vmem>>
        %dma_wait3A_1253 = tpu.memref_squeeze %dma_wait3A_1252 : memref<1x20xi32, #tpu.memory_space<vmem>> -> memref<20xi32, #tpu.memory_space<vmem>>
        %dma_wait3A_1254 = arith.constant 0 : i32
        %dma_wait3A_1255 = arith.constant 0 : i32
        %dma_wait3A_1256 = tpu.memref_slice %arg5[%dma_wait3A_1254, %dma_wait3A_1255] : memref<100000x128xf32, #tpu.memory_space<hbm>> -> memref<100000x128xf32, #tpu.memory_space<hbm>>
        tpu.wait_indirect_dma semaphore(%arg11 : memref<!tpu.dma_semaphore, #tpu.memory_space<semaphore_mem>>) src(%dma_wait3A_1256 : memref<100000x128xf32, #tpu.memory_space<hbm>>) dst(%dma_wait3A_1250 : memref<20x128xf32, #tpu.memory_space<vmem>>)
        %dma_wait3A_1257 = arith.constant 3 : i32
        %dma_wait3A_1258 = arith.constant 0 : i32
        %dma_wait3A_1259 = arith.constant 0 : i32
        %dma_wait3A_1260 = tpu.memref_slice %arg9[%dma_wait3A_1257, %dma_wait3A_1258, %dma_wait3A_1259] : memref<16x20x128xf32, #tpu.memory_space<vmem>> -> memref<1x20x128xf32, #tpu.memory_space<vmem>>
        %dma_wait3A_1261 = tpu.memref_squeeze %dma_wait3A_1260 : memref<1x20x128xf32, #tpu.memory_space<vmem>> -> memref<20x128xf32, #tpu.memory_space<vmem>>
        %dma_wait3A_1262 = arith.constant 0 : i32
        %dma_wait3A_1263 = tpu.memref_slice %arg8[%add3A_672, %dma_wait3A_1262] : memref<64x20xi32, #tpu.memory_space<vmem>> -> memref<1x20xi32, #tpu.memory_space<vmem>>
        %dma_wait3A_1264 = tpu.memref_squeeze %dma_wait3A_1263 : memref<1x20xi32, #tpu.memory_space<vmem>> -> memref<20xi32, #tpu.memory_space<vmem>>
        %dma_wait3A_1265 = arith.constant 0 : i32
        %dma_wait3A_1266 = arith.constant 0 : i32
        %dma_wait3A_1267 = tpu.memref_slice %arg5[%dma_wait3A_1265, %dma_wait3A_1266] : memref<100000x128xf32, #tpu.memory_space<hbm>> -> memref<100000x128xf32, #tpu.memory_space<hbm>>
        tpu.wait_indirect_dma semaphore(%arg11 : memref<!tpu.dma_semaphore, #tpu.memory_space<semaphore_mem>>) src(%dma_wait3A_1267 : memref<100000x128xf32, #tpu.memory_space<hbm>>) dst(%dma_wait3A_1261 : memref<20x128xf32, #tpu.memory_space<vmem>>)
        %dma_wait3A_1268 = arith.constant 4 : i32
        %dma_wait3A_1269 = arith.constant 0 : i32
        %dma_wait3A_1270 = arith.constant 0 : i32
        %dma_wait3A_1271 = tpu.memref_slice %arg9[%dma_wait3A_1268, %dma_wait3A_1269, %dma_wait3A_1270] : memref<16x20x128xf32, #tpu.memory_space<vmem>> -> memref<1x20x128xf32, #tpu.memory_space<vmem>>
        %dma_wait3A_1272 = tpu.memref_squeeze %dma_wait3A_1271 : memref<1x20x128xf32, #tpu.memory_space<vmem>> -> memref<20x128xf32, #tpu.memory_space<vmem>>
        %dma_wait3A_1273 = arith.constant 0 : i32
        %dma_wait3A_1274 = tpu.memref_slice %arg8[%add3A_685, %dma_wait3A_1273] : memref<64x20xi32, #tpu.memory_space<vmem>> -> memref<1x20xi32, #tpu.memory_space<vmem>>
        %dma_wait3A_1275 = tpu.memref_squeeze %dma_wait3A_1274 : memref<1x20xi32, #tpu.memory_space<vmem>> -> memref<20xi32, #tpu.memory_space<vmem>>
        %dma_wait3A_1276 = arith.constant 0 : i32
        %dma_wait3A_1277 = arith.constant 0 : i32
        %dma_wait3A_1278 = tpu.memref_slice %arg5[%dma_wait3A_1276, %dma_wait3A_1277] : memref<100000x128xf32, #tpu.memory_space<hbm>> -> memref<100000x128xf32, #tpu.memory_space<hbm>>
        tpu.wait_indirect_dma semaphore(%arg11 : memref<!tpu.dma_semaphore, #tpu.memory_space<semaphore_mem>>) src(%dma_wait3A_1278 : memref<100000x128xf32, #tpu.memory_space<hbm>>) dst(%dma_wait3A_1272 : memref<20x128xf32, #tpu.memory_space<vmem>>)
        %dma_wait3A_1279 = arith.constant 5 : i32
        %dma_wait3A_1280 = arith.constant 0 : i32
        %dma_wait3A_1281 = arith.constant 0 : i32
        %dma_wait3A_1282 = tpu.memref_slice %arg9[%dma_wait3A_1279, %dma_wait3A_1280, %dma_wait3A_1281] : memref<16x20x128xf32, #tpu.memory_space<vmem>> -> memref<1x20x128xf32, #tpu.memory_space<vmem>>
        %dma_wait3A_1283 = tpu.memref_squeeze %dma_wait3A_1282 : memref<1x20x128xf32, #tpu.memory_space<vmem>> -> memref<20x128xf32, #tpu.memory_space<vmem>>
        %dma_wait3A_1284 = arith.constant 0 : i32
        %dma_wait3A_1285 = tpu.memref_slice %arg8[%add3A_698, %dma_wait3A_1284] : memref<64x20xi32, #tpu.memory_space<vmem>> -> memref<1x20xi32, #tpu.memory_space<vmem>>
        %dma_wait3A_1286 = tpu.memref_squeeze %dma_wait3A_1285 : memref<1x20xi32, #tpu.memory_space<vmem>> -> memref<20xi32, #tpu.memory_space<vmem>>
        %dma_wait3A_1287 = arith.constant 0 : i32
        %dma_wait3A_1288 = arith.constant 0 : i32
        %dma_wait3A_1289 = tpu.memref_slice %arg5[%dma_wait3A_1287, %dma_wait3A_1288] : memref<100000x128xf32, #tpu.memory_space<hbm>> -> memref<100000x128xf32, #tpu.memory_space<hbm>>
        tpu.wait_indirect_dma semaphore(%arg11 : memref<!tpu.dma_semaphore, #tpu.memory_space<semaphore_mem>>) src(%dma_wait3A_1289 : memref<100000x128xf32, #tpu.memory_space<hbm>>) dst(%dma_wait3A_1283 : memref<20x128xf32, #tpu.memory_space<vmem>>)
        %dma_wait3A_1290 = arith.constant 6 : i32
        %dma_wait3A_1291 = arith.constant 0 : i32
        %dma_wait3A_1292 = arith.constant 0 : i32
        %dma_wait3A_1293 = tpu.memref_slice %arg9[%dma_wait3A_1290, %dma_wait3A_1291, %dma_wait3A_1292] : memref<16x20x128xf32, #tpu.memory_space<vmem>> -> memref<1x20x128xf32, #tpu.memory_space<vmem>>
        %dma_wait3A_1294 = tpu.memref_squeeze %dma_wait3A_1293 : memref<1x20x128xf32, #tpu.memory_space<vmem>> -> memref<20x128xf32, #tpu.memory_space<vmem>>
        %dma_wait3A_1295 = arith.constant 0 : i32
        %dma_wait3A_1296 = tpu.memref_slice %arg8[%add3A_711, %dma_wait3A_1295] : memref<64x20xi32, #tpu.memory_space<vmem>> -> memref<1x20xi32, #tpu.memory_space<vmem>>
        %dma_wait3A_1297 = tpu.memref_squeeze %dma_wait3A_1296 : memref<1x20xi32, #tpu.memory_space<vmem>> -> memref<20xi32, #tpu.memory_space<vmem>>
        %dma_wait3A_1298 = arith.constant 0 : i32
        %dma_wait3A_1299 = arith.constant 0 : i32
        %dma_wait3A_1300 = tpu.memref_slice %arg5[%dma_wait3A_1298, %dma_wait3A_1299] : memref<100000x128xf32, #tpu.memory_space<hbm>> -> memref<100000x128xf32, #tpu.memory_space<hbm>>
        tpu.wait_indirect_dma semaphore(%arg11 : memref<!tpu.dma_semaphore, #tpu.memory_space<semaphore_mem>>) src(%dma_wait3A_1300 : memref<100000x128xf32, #tpu.memory_space<hbm>>) dst(%dma_wait3A_1294 : memref<20x128xf32, #tpu.memory_space<vmem>>)
        %dma_wait3A_1301 = arith.constant 7 : i32
        %dma_wait3A_1302 = arith.constant 0 : i32
        %dma_wait3A_1303 = arith.constant 0 : i32
        %dma_wait3A_1304 = tpu.memref_slice %arg9[%dma_wait3A_1301, %dma_wait3A_1302, %dma_wait3A_1303] : memref<16x20x128xf32, #tpu.memory_space<vmem>> -> memref<1x20x128xf32, #tpu.memory_space<vmem>>
        %dma_wait3A_1305 = tpu.memref_squeeze %dma_wait3A_1304 : memref<1x20x128xf32, #tpu.memory_space<vmem>> -> memref<20x128xf32, #tpu.memory_space<vmem>>
        %dma_wait3A_1306 = arith.constant 0 : i32
        %dma_wait3A_1307 = tpu.memref_slice %arg8[%add3A_724, %dma_wait3A_1306] : memref<64x20xi32, #tpu.memory_space<vmem>> -> memref<1x20xi32, #tpu.memory_space<vmem>>
        %dma_wait3A_1308 = tpu.memref_squeeze %dma_wait3A_1307 : memref<1x20xi32, #tpu.memory_space<vmem>> -> memref<20xi32, #tpu.memory_space<vmem>>
        %dma_wait3A_1309 = arith.constant 0 : i32
        %dma_wait3A_1310 = arith.constant 0 : i32
        %dma_wait3A_1311 = tpu.memref_slice %arg5[%dma_wait3A_1309, %dma_wait3A_1310] : memref<100000x128xf32, #tpu.memory_space<hbm>> -> memref<100000x128xf32, #tpu.memory_space<hbm>>
        tpu.wait_indirect_dma semaphore(%arg11 : memref<!tpu.dma_semaphore, #tpu.memory_space<semaphore_mem>>) src(%dma_wait3A_1311 : memref<100000x128xf32, #tpu.memory_space<hbm>>) dst(%dma_wait3A_1305 : memref<20x128xf32, #tpu.memory_space<vmem>>)
        %dma_wait3A_1312 = arith.constant 8 : i32
        %dma_wait3A_1313 = arith.constant 0 : i32
        %dma_wait3A_1314 = arith.constant 0 : i32
        %dma_wait3A_1315 = tpu.memref_slice %arg9[%dma_wait3A_1312, %dma_wait3A_1313, %dma_wait3A_1314] : memref<16x20x128xf32, #tpu.memory_space<vmem>> -> memref<1x20x128xf32, #tpu.memory_space<vmem>>
        %dma_wait3A_1316 = tpu.memref_squeeze %dma_wait3A_1315 : memref<1x20x128xf32, #tpu.memory_space<vmem>> -> memref<20x128xf32, #tpu.memory_space<vmem>>
        %dma_wait3A_1317 = arith.constant 0 : i32
        %dma_wait3A_1318 = tpu.memref_slice %arg8[%add3A_737, %dma_wait3A_1317] : memref<64x20xi32, #tpu.memory_space<vmem>> -> memref<1x20xi32, #tpu.memory_space<vmem>>
        %dma_wait3A_1319 = tpu.memref_squeeze %dma_wait3A_1318 : memref<1x20xi32, #tpu.memory_space<vmem>> -> memref<20xi32, #tpu.memory_space<vmem>>
        %dma_wait3A_1320 = arith.constant 0 : i32
        %dma_wait3A_1321 = arith.constant 0 : i32
        %dma_wait3A_1322 = tpu.memref_slice %arg5[%dma_wait3A_1320, %dma_wait3A_1321] : memref<100000x128xf32, #tpu.memory_space<hbm>> -> memref<100000x128xf32, #tpu.memory_space<hbm>>
        tpu.wait_indirect_dma semaphore(%arg11 : memref<!tpu.dma_semaphore, #tpu.memory_space<semaphore_mem>>) src(%dma_wait3A_1322 : memref<100000x128xf32, #tpu.memory_space<hbm>>) dst(%dma_wait3A_1316 : memref<20x128xf32, #tpu.memory_space<vmem>>)
        %dma_wait3A_1323 = arith.constant 9 : i32
        %dma_wait3A_1324 = arith.constant 0 : i32
        %dma_wait3A_1325 = arith.constant 0 : i32
        %dma_wait3A_1326 = tpu.memref_slice %arg9[%dma_wait3A_1323, %dma_wait3A_1324, %dma_wait3A_1325] : memref<16x20x128xf32, #tpu.memory_space<vmem>> -> memref<1x20x128xf32, #tpu.memory_space<vmem>>
        %dma_wait3A_1327 = tpu.memref_squeeze %dma_wait3A_1326 : memref<1x20x128xf32, #tpu.memory_space<vmem>> -> memref<20x128xf32, #tpu.memory_space<vmem>>
        %dma_wait3A_1328 = arith.constant 0 : i32
        %dma_wait3A_1329 = tpu.memref_slice %arg8[%add3A_750, %dma_wait3A_1328] : memref<64x20xi32, #tpu.memory_space<vmem>> -> memref<1x20xi32, #tpu.memory_space<vmem>>
        %dma_wait3A_1330 = tpu.memref_squeeze %dma_wait3A_1329 : memref<1x20xi32, #tpu.memory_space<vmem>> -> memref<20xi32, #tpu.memory_space<vmem>>
        %dma_wait3A_1331 = arith.constant 0 : i32
        %dma_wait3A_1332 = arith.constant 0 : i32
        %dma_wait3A_1333 = tpu.memref_slice %arg5[%dma_wait3A_1331, %dma_wait3A_1332] : memref<100000x128xf32, #tpu.memory_space<hbm>> -> memref<100000x128xf32, #tpu.memory_space<hbm>>
        tpu.wait_indirect_dma semaphore(%arg11 : memref<!tpu.dma_semaphore, #tpu.memory_space<semaphore_mem>>) src(%dma_wait3A_1333 : memref<100000x128xf32, #tpu.memory_space<hbm>>) dst(%dma_wait3A_1327 : memref<20x128xf32, #tpu.memory_space<vmem>>)
        %dma_wait3A_1334 = arith.constant 10 : i32
        %dma_wait3A_1335 = arith.constant 0 : i32
        %dma_wait3A_1336 = arith.constant 0 : i32
        %dma_wait3A_1337 = tpu.memref_slice %arg9[%dma_wait3A_1334, %dma_wait3A_1335, %dma_wait3A_1336] : memref<16x20x128xf32, #tpu.memory_space<vmem>> -> memref<1x20x128xf32, #tpu.memory_space<vmem>>
        %dma_wait3A_1338 = tpu.memref_squeeze %dma_wait3A_1337 : memref<1x20x128xf32, #tpu.memory_space<vmem>> -> memref<20x128xf32, #tpu.memory_space<vmem>>
        %dma_wait3A_1339 = arith.constant 0 : i32
        %dma_wait3A_1340 = tpu.memref_slice %arg8[%add3A_763, %dma_wait3A_1339] : memref<64x20xi32, #tpu.memory_space<vmem>> -> memref<1x20xi32, #tpu.memory_space<vmem>>
        %dma_wait3A_1341 = tpu.memref_squeeze %dma_wait3A_1340 : memref<1x20xi32, #tpu.memory_space<vmem>> -> memref<20xi32, #tpu.memory_space<vmem>>
        %dma_wait3A_1342 = arith.constant 0 : i32
        %dma_wait3A_1343 = arith.constant 0 : i32
        %dma_wait3A_1344 = tpu.memref_slice %arg5[%dma_wait3A_1342, %dma_wait3A_1343] : memref<100000x128xf32, #tpu.memory_space<hbm>> -> memref<100000x128xf32, #tpu.memory_space<hbm>>
        tpu.wait_indirect_dma semaphore(%arg11 : memref<!tpu.dma_semaphore, #tpu.memory_space<semaphore_mem>>) src(%dma_wait3A_1344 : memref<100000x128xf32, #tpu.memory_space<hbm>>) dst(%dma_wait3A_1338 : memref<20x128xf32, #tpu.memory_space<vmem>>)
        %dma_wait3A_1345 = arith.constant 11 : i32
        %dma_wait3A_1346 = arith.constant 0 : i32
        %dma_wait3A_1347 = arith.constant 0 : i32
        %dma_wait3A_1348 = tpu.memref_slice %arg9[%dma_wait3A_1345, %dma_wait3A_1346, %dma_wait3A_1347] : memref<16x20x128xf32, #tpu.memory_space<vmem>> -> memref<1x20x128xf32, #tpu.memory_space<vmem>>
        %dma_wait3A_1349 = tpu.memref_squeeze %dma_wait3A_1348 : memref<1x20x128xf32, #tpu.memory_space<vmem>> -> memref<20x128xf32, #tpu.memory_space<vmem>>
        %dma_wait3A_1350 = arith.constant 0 : i32
        %dma_wait3A_1351 = tpu.memref_slice %arg8[%add3A_776, %dma_wait3A_1350] : memref<64x20xi32, #tpu.memory_space<vmem>> -> memref<1x20xi32, #tpu.memory_space<vmem>>
        %dma_wait3A_1352 = tpu.memref_squeeze %dma_wait3A_1351 : memref<1x20xi32, #tpu.memory_space<vmem>> -> memref<20xi32, #tpu.memory_space<vmem>>
        %dma_wait3A_1353 = arith.constant 0 : i32
        %dma_wait3A_1354 = arith.constant 0 : i32
        %dma_wait3A_1355 = tpu.memref_slice %arg5[%dma_wait3A_1353, %dma_wait3A_1354] : memref<100000x128xf32, #tpu.memory_space<hbm>> -> memref<100000x128xf32, #tpu.memory_space<hbm>>
        tpu.wait_indirect_dma semaphore(%arg11 : memref<!tpu.dma_semaphore, #tpu.memory_space<semaphore_mem>>) src(%dma_wait3A_1355 : memref<100000x128xf32, #tpu.memory_space<hbm>>) dst(%dma_wait3A_1349 : memref<20x128xf32, #tpu.memory_space<vmem>>)
        %dma_wait3A_1356 = arith.constant 12 : i32
        %dma_wait3A_1357 = arith.constant 0 : i32
        %dma_wait3A_1358 = arith.constant 0 : i32
        %dma_wait3A_1359 = tpu.memref_slice %arg9[%dma_wait3A_1356, %dma_wait3A_1357, %dma_wait3A_1358] : memref<16x20x128xf32, #tpu.memory_space<vmem>> -> memref<1x20x128xf32, #tpu.memory_space<vmem>>
        %dma_wait3A_1360 = tpu.memref_squeeze %dma_wait3A_1359 : memref<1x20x128xf32, #tpu.memory_space<vmem>> -> memref<20x128xf32, #tpu.memory_space<vmem>>
        %dma_wait3A_1361 = arith.constant 0 : i32
        %dma_wait3A_1362 = tpu.memref_slice %arg8[%add3A_789, %dma_wait3A_1361] : memref<64x20xi32, #tpu.memory_space<vmem>> -> memref<1x20xi32, #tpu.memory_space<vmem>>
        %dma_wait3A_1363 = tpu.memref_squeeze %dma_wait3A_1362 : memref<1x20xi32, #tpu.memory_space<vmem>> -> memref<20xi32, #tpu.memory_space<vmem>>
        %dma_wait3A_1364 = arith.constant 0 : i32
        %dma_wait3A_1365 = arith.constant 0 : i32
        %dma_wait3A_1366 = tpu.memref_slice %arg5[%dma_wait3A_1364, %dma_wait3A_1365] : memref<100000x128xf32, #tpu.memory_space<hbm>> -> memref<100000x128xf32, #tpu.memory_space<hbm>>
        tpu.wait_indirect_dma semaphore(%arg11 : memref<!tpu.dma_semaphore, #tpu.memory_space<semaphore_mem>>) src(%dma_wait3A_1366 : memref<100000x128xf32, #tpu.memory_space<hbm>>) dst(%dma_wait3A_1360 : memref<20x128xf32, #tpu.memory_space<vmem>>)
        %dma_wait3A_1367 = arith.constant 13 : i32
        %dma_wait3A_1368 = arith.constant 0 : i32
        %dma_wait3A_1369 = arith.constant 0 : i32
        %dma_wait3A_1370 = tpu.memref_slice %arg9[%dma_wait3A_1367, %dma_wait3A_1368, %dma_wait3A_1369] : memref<16x20x128xf32, #tpu.memory_space<vmem>> -> memref<1x20x128xf32, #tpu.memory_space<vmem>>
        %dma_wait3A_1371 = tpu.memref_squeeze %dma_wait3A_1370 : memref<1x20x128xf32, #tpu.memory_space<vmem>> -> memref<20x128xf32, #tpu.memory_space<vmem>>
        %dma_wait3A_1372 = arith.constant 0 : i32
        %dma_wait3A_1373 = tpu.memref_slice %arg8[%add3A_802, %dma_wait3A_1372] : memref<64x20xi32, #tpu.memory_space<vmem>> -> memref<1x20xi32, #tpu.memory_space<vmem>>
        %dma_wait3A_1374 = tpu.memref_squeeze %dma_wait3A_1373 : memref<1x20xi32, #tpu.memory_space<vmem>> -> memref<20xi32, #tpu.memory_space<vmem>>
        %dma_wait3A_1375 = arith.constant 0 : i32
        %dma_wait3A_1376 = arith.constant 0 : i32
        %dma_wait3A_1377 = tpu.memref_slice %arg5[%dma_wait3A_1375, %dma_wait3A_1376] : memref<100000x128xf32, #tpu.memory_space<hbm>> -> memref<100000x128xf32, #tpu.memory_space<hbm>>
        tpu.wait_indirect_dma semaphore(%arg11 : memref<!tpu.dma_semaphore, #tpu.memory_space<semaphore_mem>>) src(%dma_wait3A_1377 : memref<100000x128xf32, #tpu.memory_space<hbm>>) dst(%dma_wait3A_1371 : memref<20x128xf32, #tpu.memory_space<vmem>>)
        %dma_wait3A_1378 = arith.constant 14 : i32
        %dma_wait3A_1379 = arith.constant 0 : i32
        %dma_wait3A_1380 = arith.constant 0 : i32
        %dma_wait3A_1381 = tpu.memref_slice %arg9[%dma_wait3A_1378, %dma_wait3A_1379, %dma_wait3A_1380] : memref<16x20x128xf32, #tpu.memory_space<vmem>> -> memref<1x20x128xf32, #tpu.memory_space<vmem>>
        %dma_wait3A_1382 = tpu.memref_squeeze %dma_wait3A_1381 : memref<1x20x128xf32, #tpu.memory_space<vmem>> -> memref<20x128xf32, #tpu.memory_space<vmem>>
        %dma_wait3A_1383 = arith.constant 0 : i32
        %dma_wait3A_1384 = tpu.memref_slice %arg8[%add3A_815, %dma_wait3A_1383] : memref<64x20xi32, #tpu.memory_space<vmem>> -> memref<1x20xi32, #tpu.memory_space<vmem>>
        %dma_wait3A_1385 = tpu.memref_squeeze %dma_wait3A_1384 : memref<1x20xi32, #tpu.memory_space<vmem>> -> memref<20xi32, #tpu.memory_space<vmem>>
        %dma_wait3A_1386 = arith.constant 0 : i32
        %dma_wait3A_1387 = arith.constant 0 : i32
        %dma_wait3A_1388 = tpu.memref_slice %arg5[%dma_wait3A_1386, %dma_wait3A_1387] : memref<100000x128xf32, #tpu.memory_space<hbm>> -> memref<100000x128xf32, #tpu.memory_space<hbm>>
        tpu.wait_indirect_dma semaphore(%arg11 : memref<!tpu.dma_semaphore, #tpu.memory_space<semaphore_mem>>) src(%dma_wait3A_1388 : memref<100000x128xf32, #tpu.memory_space<hbm>>) dst(%dma_wait3A_1382 : memref<20x128xf32, #tpu.memory_space<vmem>>)
        %dma_wait3A_1389 = arith.constant 15 : i32
        %dma_wait3A_1390 = arith.constant 0 : i32
        %dma_wait3A_1391 = arith.constant 0 : i32
        %dma_wait3A_1392 = tpu.memref_slice %arg9[%dma_wait3A_1389, %dma_wait3A_1390, %dma_wait3A_1391] : memref<16x20x128xf32, #tpu.memory_space<vmem>> -> memref<1x20x128xf32, #tpu.memory_space<vmem>>
        %dma_wait3A_1393 = tpu.memref_squeeze %dma_wait3A_1392 : memref<1x20x128xf32, #tpu.memory_space<vmem>> -> memref<20x128xf32, #tpu.memory_space<vmem>>
        %dma_wait3A_1394 = arith.constant 0 : i32
        %dma_wait3A_1395 = tpu.memref_slice %arg8[%add3A_828, %dma_wait3A_1394] : memref<64x20xi32, #tpu.memory_space<vmem>> -> memref<1x20xi32, #tpu.memory_space<vmem>>
        %dma_wait3A_1396 = tpu.memref_squeeze %dma_wait3A_1395 : memref<1x20xi32, #tpu.memory_space<vmem>> -> memref<20xi32, #tpu.memory_space<vmem>>
        %dma_wait3A_1397 = arith.constant 0 : i32
        %dma_wait3A_1398 = arith.constant 0 : i32
        %dma_wait3A_1399 = tpu.memref_slice %arg5[%dma_wait3A_1397, %dma_wait3A_1398] : memref<100000x128xf32, #tpu.memory_space<hbm>> -> memref<100000x128xf32, #tpu.memory_space<hbm>>
        tpu.wait_indirect_dma semaphore(%arg11 : memref<!tpu.dma_semaphore, #tpu.memory_space<semaphore_mem>>) src(%dma_wait3A_1399 : memref<100000x128xf32, #tpu.memory_space<hbm>>) dst(%dma_wait3A_1393 : memref<20x128xf32, #tpu.memory_space<vmem>>)
        %add3A_1400 = arith.addi %add3A_22, %mul3A_36 : i32
        %dma_start3A_1401 = arith.constant 0 : i32
        %dma_start3A_1402 = arith.constant 0 : i32
        %dma_start3A_1403 = tpu.memref_slice %arg6[%add3A_1400, %dma_start3A_1401, %dma_start3A_1402] : memref<16384x20x128xf32, #tpu.memory_space<hbm>> -> memref<16x20x128xf32, #tpu.memory_space<hbm>>
        %dma_start3A_1404 = arith.constant 0 : i32
        %dma_start3A_1405 = arith.constant 0 : i32
        %dma_start3A_1406 = tpu.memref_slice %arg6[%add3A_1400, %dma_start3A_1404, %dma_start3A_1405] : memref<16384x20x128xf32, #tpu.memory_space<hbm>> -> memref<16x20x128xf32, #tpu.memory_space<hbm>>
        tpu.enqueue_dma source(%arg9 : memref<16x20x128xf32, #tpu.memory_space<vmem>>) target(%dma_start3A_1406 : memref<16x20x128xf32, #tpu.memory_space<hbm>>) target_semaphore(%arg13 : memref<!tpu.dma_semaphore, #tpu.memory_space<semaphore_mem>>)
        %dma_wait3A_1407 = arith.constant 0 : i32
        %dma_wait3A_1408 = arith.constant 0 : i32
        %dma_wait3A_1409 = arith.constant 0 : i32
        %dma_wait3A_1410 = tpu.memref_slice %arg10[%dma_wait3A_1407, %dma_wait3A_1408, %dma_wait3A_1409] : memref<16x20x128xf32, #tpu.memory_space<vmem>> -> memref<1x20x128xf32, #tpu.memory_space<vmem>>
        %dma_wait3A_1411 = tpu.memref_squeeze %dma_wait3A_1410 : memref<1x20x128xf32, #tpu.memory_space<vmem>> -> memref<20x128xf32, #tpu.memory_space<vmem>>
        %dma_wait3A_1412 = arith.constant 0 : i32
        %dma_wait3A_1413 = tpu.memref_slice %arg8[%add3A_1017, %dma_wait3A_1412] : memref<64x20xi32, #tpu.memory_space<vmem>> -> memref<1x20xi32, #tpu.memory_space<vmem>>
        %dma_wait3A_1414 = tpu.memref_squeeze %dma_wait3A_1413 : memref<1x20xi32, #tpu.memory_space<vmem>> -> memref<20xi32, #tpu.memory_space<vmem>>
        %dma_wait3A_1415 = arith.constant 0 : i32
        %dma_wait3A_1416 = arith.constant 0 : i32
        %dma_wait3A_1417 = tpu.memref_slice %arg5[%dma_wait3A_1415, %dma_wait3A_1416] : memref<100000x128xf32, #tpu.memory_space<hbm>> -> memref<100000x128xf32, #tpu.memory_space<hbm>>
        tpu.wait_indirect_dma semaphore(%arg12 : memref<!tpu.dma_semaphore, #tpu.memory_space<semaphore_mem>>) src(%dma_wait3A_1417 : memref<100000x128xf32, #tpu.memory_space<hbm>>) dst(%dma_wait3A_1411 : memref<20x128xf32, #tpu.memory_space<vmem>>)
        %dma_wait3A_1418 = arith.constant 1 : i32
        %dma_wait3A_1419 = arith.constant 0 : i32
        %dma_wait3A_1420 = arith.constant 0 : i32
        %dma_wait3A_1421 = tpu.memref_slice %arg10[%dma_wait3A_1418, %dma_wait3A_1419, %dma_wait3A_1420] : memref<16x20x128xf32, #tpu.memory_space<vmem>> -> memref<1x20x128xf32, #tpu.memory_space<vmem>>
        %dma_wait3A_1422 = tpu.memref_squeeze %dma_wait3A_1421 : memref<1x20x128xf32, #tpu.memory_space<vmem>> -> memref<20x128xf32, #tpu.memory_space<vmem>>
        %dma_wait3A_1423 = arith.constant 0 : i32
        %dma_wait3A_1424 = tpu.memref_slice %arg8[%add3A_1030, %dma_wait3A_1423] : memref<64x20xi32, #tpu.memory_space<vmem>> -> memref<1x20xi32, #tpu.memory_space<vmem>>
        %dma_wait3A_1425 = tpu.memref_squeeze %dma_wait3A_1424 : memref<1x20xi32, #tpu.memory_space<vmem>> -> memref<20xi32, #tpu.memory_space<vmem>>
        %dma_wait3A_1426 = arith.constant 0 : i32
        %dma_wait3A_1427 = arith.constant 0 : i32
        %dma_wait3A_1428 = tpu.memref_slice %arg5[%dma_wait3A_1426, %dma_wait3A_1427] : memref<100000x128xf32, #tpu.memory_space<hbm>> -> memref<100000x128xf32, #tpu.memory_space<hbm>>
        tpu.wait_indirect_dma semaphore(%arg12 : memref<!tpu.dma_semaphore, #tpu.memory_space<semaphore_mem>>) src(%dma_wait3A_1428 : memref<100000x128xf32, #tpu.memory_space<hbm>>) dst(%dma_wait3A_1422 : memref<20x128xf32, #tpu.memory_space<vmem>>)
        %dma_wait3A_1429 = arith.constant 2 : i32
        %dma_wait3A_1430 = arith.constant 0 : i32
        %dma_wait3A_1431 = arith.constant 0 : i32
        %dma_wait3A_1432 = tpu.memref_slice %arg10[%dma_wait3A_1429, %dma_wait3A_1430, %dma_wait3A_1431] : memref<16x20x128xf32, #tpu.memory_space<vmem>> -> memref<1x20x128xf32, #tpu.memory_space<vmem>>
        %dma_wait3A_1433 = tpu.memref_squeeze %dma_wait3A_1432 : memref<1x20x128xf32, #tpu.memory_space<vmem>> -> memref<20x128xf32, #tpu.memory_space<vmem>>
        %dma_wait3A_1434 = arith.constant 0 : i32
        %dma_wait3A_1435 = tpu.memref_slice %arg8[%add3A_1043, %dma_wait3A_1434] : memref<64x20xi32, #tpu.memory_space<vmem>> -> memref<1x20xi32, #tpu.memory_space<vmem>>
        %dma_wait3A_1436 = tpu.memref_squeeze %dma_wait3A_1435 : memref<1x20xi32, #tpu.memory_space<vmem>> -> memref<20xi32, #tpu.memory_space<vmem>>
        %dma_wait3A_1437 = arith.constant 0 : i32
        %dma_wait3A_1438 = arith.constant 0 : i32
        %dma_wait3A_1439 = tpu.memref_slice %arg5[%dma_wait3A_1437, %dma_wait3A_1438] : memref<100000x128xf32, #tpu.memory_space<hbm>> -> memref<100000x128xf32, #tpu.memory_space<hbm>>
        tpu.wait_indirect_dma semaphore(%arg12 : memref<!tpu.dma_semaphore, #tpu.memory_space<semaphore_mem>>) src(%dma_wait3A_1439 : memref<100000x128xf32, #tpu.memory_space<hbm>>) dst(%dma_wait3A_1433 : memref<20x128xf32, #tpu.memory_space<vmem>>)
        %dma_wait3A_1440 = arith.constant 3 : i32
        %dma_wait3A_1441 = arith.constant 0 : i32
        %dma_wait3A_1442 = arith.constant 0 : i32
        %dma_wait3A_1443 = tpu.memref_slice %arg10[%dma_wait3A_1440, %dma_wait3A_1441, %dma_wait3A_1442] : memref<16x20x128xf32, #tpu.memory_space<vmem>> -> memref<1x20x128xf32, #tpu.memory_space<vmem>>
        %dma_wait3A_1444 = tpu.memref_squeeze %dma_wait3A_1443 : memref<1x20x128xf32, #tpu.memory_space<vmem>> -> memref<20x128xf32, #tpu.memory_space<vmem>>
        %dma_wait3A_1445 = arith.constant 0 : i32
        %dma_wait3A_1446 = tpu.memref_slice %arg8[%add3A_1056, %dma_wait3A_1445] : memref<64x20xi32, #tpu.memory_space<vmem>> -> memref<1x20xi32, #tpu.memory_space<vmem>>
        %dma_wait3A_1447 = tpu.memref_squeeze %dma_wait3A_1446 : memref<1x20xi32, #tpu.memory_space<vmem>> -> memref<20xi32, #tpu.memory_space<vmem>>
        %dma_wait3A_1448 = arith.constant 0 : i32
        %dma_wait3A_1449 = arith.constant 0 : i32
        %dma_wait3A_1450 = tpu.memref_slice %arg5[%dma_wait3A_1448, %dma_wait3A_1449] : memref<100000x128xf32, #tpu.memory_space<hbm>> -> memref<100000x128xf32, #tpu.memory_space<hbm>>
        tpu.wait_indirect_dma semaphore(%arg12 : memref<!tpu.dma_semaphore, #tpu.memory_space<semaphore_mem>>) src(%dma_wait3A_1450 : memref<100000x128xf32, #tpu.memory_space<hbm>>) dst(%dma_wait3A_1444 : memref<20x128xf32, #tpu.memory_space<vmem>>)
        %dma_wait3A_1451 = arith.constant 4 : i32
        %dma_wait3A_1452 = arith.constant 0 : i32
        %dma_wait3A_1453 = arith.constant 0 : i32
        %dma_wait3A_1454 = tpu.memref_slice %arg10[%dma_wait3A_1451, %dma_wait3A_1452, %dma_wait3A_1453] : memref<16x20x128xf32, #tpu.memory_space<vmem>> -> memref<1x20x128xf32, #tpu.memory_space<vmem>>
        %dma_wait3A_1455 = tpu.memref_squeeze %dma_wait3A_1454 : memref<1x20x128xf32, #tpu.memory_space<vmem>> -> memref<20x128xf32, #tpu.memory_space<vmem>>
        %dma_wait3A_1456 = arith.constant 0 : i32
        %dma_wait3A_1457 = tpu.memref_slice %arg8[%add3A_1069, %dma_wait3A_1456] : memref<64x20xi32, #tpu.memory_space<vmem>> -> memref<1x20xi32, #tpu.memory_space<vmem>>
        %dma_wait3A_1458 = tpu.memref_squeeze %dma_wait3A_1457 : memref<1x20xi32, #tpu.memory_space<vmem>> -> memref<20xi32, #tpu.memory_space<vmem>>
        %dma_wait3A_1459 = arith.constant 0 : i32
        %dma_wait3A_1460 = arith.constant 0 : i32
        %dma_wait3A_1461 = tpu.memref_slice %arg5[%dma_wait3A_1459, %dma_wait3A_1460] : memref<100000x128xf32, #tpu.memory_space<hbm>> -> memref<100000x128xf32, #tpu.memory_space<hbm>>
        tpu.wait_indirect_dma semaphore(%arg12 : memref<!tpu.dma_semaphore, #tpu.memory_space<semaphore_mem>>) src(%dma_wait3A_1461 : memref<100000x128xf32, #tpu.memory_space<hbm>>) dst(%dma_wait3A_1455 : memref<20x128xf32, #tpu.memory_space<vmem>>)
        %dma_wait3A_1462 = arith.constant 5 : i32
        %dma_wait3A_1463 = arith.constant 0 : i32
        %dma_wait3A_1464 = arith.constant 0 : i32
        %dma_wait3A_1465 = tpu.memref_slice %arg10[%dma_wait3A_1462, %dma_wait3A_1463, %dma_wait3A_1464] : memref<16x20x128xf32, #tpu.memory_space<vmem>> -> memref<1x20x128xf32, #tpu.memory_space<vmem>>
        %dma_wait3A_1466 = tpu.memref_squeeze %dma_wait3A_1465 : memref<1x20x128xf32, #tpu.memory_space<vmem>> -> memref<20x128xf32, #tpu.memory_space<vmem>>
        %dma_wait3A_1467 = arith.constant 0 : i32
        %dma_wait3A_1468 = tpu.memref_slice %arg8[%add3A_1082, %dma_wait3A_1467] : memref<64x20xi32, #tpu.memory_space<vmem>> -> memref<1x20xi32, #tpu.memory_space<vmem>>
        %dma_wait3A_1469 = tpu.memref_squeeze %dma_wait3A_1468 : memref<1x20xi32, #tpu.memory_space<vmem>> -> memref<20xi32, #tpu.memory_space<vmem>>
        %dma_wait3A_1470 = arith.constant 0 : i32
        %dma_wait3A_1471 = arith.constant 0 : i32
        %dma_wait3A_1472 = tpu.memref_slice %arg5[%dma_wait3A_1470, %dma_wait3A_1471] : memref<100000x128xf32, #tpu.memory_space<hbm>> -> memref<100000x128xf32, #tpu.memory_space<hbm>>
        tpu.wait_indirect_dma semaphore(%arg12 : memref<!tpu.dma_semaphore, #tpu.memory_space<semaphore_mem>>) src(%dma_wait3A_1472 : memref<100000x128xf32, #tpu.memory_space<hbm>>) dst(%dma_wait3A_1466 : memref<20x128xf32, #tpu.memory_space<vmem>>)
        %dma_wait3A_1473 = arith.constant 6 : i32
        %dma_wait3A_1474 = arith.constant 0 : i32
        %dma_wait3A_1475 = arith.constant 0 : i32
        %dma_wait3A_1476 = tpu.memref_slice %arg10[%dma_wait3A_1473, %dma_wait3A_1474, %dma_wait3A_1475] : memref<16x20x128xf32, #tpu.memory_space<vmem>> -> memref<1x20x128xf32, #tpu.memory_space<vmem>>
        %dma_wait3A_1477 = tpu.memref_squeeze %dma_wait3A_1476 : memref<1x20x128xf32, #tpu.memory_space<vmem>> -> memref<20x128xf32, #tpu.memory_space<vmem>>
        %dma_wait3A_1478 = arith.constant 0 : i32
        %dma_wait3A_1479 = tpu.memref_slice %arg8[%add3A_1095, %dma_wait3A_1478] : memref<64x20xi32, #tpu.memory_space<vmem>> -> memref<1x20xi32, #tpu.memory_space<vmem>>
        %dma_wait3A_1480 = tpu.memref_squeeze %dma_wait3A_1479 : memref<1x20xi32, #tpu.memory_space<vmem>> -> memref<20xi32, #tpu.memory_space<vmem>>
        %dma_wait3A_1481 = arith.constant 0 : i32
        %dma_wait3A_1482 = arith.constant 0 : i32
        %dma_wait3A_1483 = tpu.memref_slice %arg5[%dma_wait3A_1481, %dma_wait3A_1482] : memref<100000x128xf32, #tpu.memory_space<hbm>> -> memref<100000x128xf32, #tpu.memory_space<hbm>>
        tpu.wait_indirect_dma semaphore(%arg12 : memref<!tpu.dma_semaphore, #tpu.memory_space<semaphore_mem>>) src(%dma_wait3A_1483 : memref<100000x128xf32, #tpu.memory_space<hbm>>) dst(%dma_wait3A_1477 : memref<20x128xf32, #tpu.memory_space<vmem>>)
        %dma_wait3A_1484 = arith.constant 7 : i32
        %dma_wait3A_1485 = arith.constant 0 : i32
        %dma_wait3A_1486 = arith.constant 0 : i32
        %dma_wait3A_1487 = tpu.memref_slice %arg10[%dma_wait3A_1484, %dma_wait3A_1485, %dma_wait3A_1486] : memref<16x20x128xf32, #tpu.memory_space<vmem>> -> memref<1x20x128xf32, #tpu.memory_space<vmem>>
        %dma_wait3A_1488 = tpu.memref_squeeze %dma_wait3A_1487 : memref<1x20x128xf32, #tpu.memory_space<vmem>> -> memref<20x128xf32, #tpu.memory_space<vmem>>
        %dma_wait3A_1489 = arith.constant 0 : i32
        %dma_wait3A_1490 = tpu.memref_slice %arg8[%add3A_1108, %dma_wait3A_1489] : memref<64x20xi32, #tpu.memory_space<vmem>> -> memref<1x20xi32, #tpu.memory_space<vmem>>
        %dma_wait3A_1491 = tpu.memref_squeeze %dma_wait3A_1490 : memref<1x20xi32, #tpu.memory_space<vmem>> -> memref<20xi32, #tpu.memory_space<vmem>>
        %dma_wait3A_1492 = arith.constant 0 : i32
        %dma_wait3A_1493 = arith.constant 0 : i32
        %dma_wait3A_1494 = tpu.memref_slice %arg5[%dma_wait3A_1492, %dma_wait3A_1493] : memref<100000x128xf32, #tpu.memory_space<hbm>> -> memref<100000x128xf32, #tpu.memory_space<hbm>>
        tpu.wait_indirect_dma semaphore(%arg12 : memref<!tpu.dma_semaphore, #tpu.memory_space<semaphore_mem>>) src(%dma_wait3A_1494 : memref<100000x128xf32, #tpu.memory_space<hbm>>) dst(%dma_wait3A_1488 : memref<20x128xf32, #tpu.memory_space<vmem>>)
        %dma_wait3A_1495 = arith.constant 8 : i32
        %dma_wait3A_1496 = arith.constant 0 : i32
        %dma_wait3A_1497 = arith.constant 0 : i32
        %dma_wait3A_1498 = tpu.memref_slice %arg10[%dma_wait3A_1495, %dma_wait3A_1496, %dma_wait3A_1497] : memref<16x20x128xf32, #tpu.memory_space<vmem>> -> memref<1x20x128xf32, #tpu.memory_space<vmem>>
        %dma_wait3A_1499 = tpu.memref_squeeze %dma_wait3A_1498 : memref<1x20x128xf32, #tpu.memory_space<vmem>> -> memref<20x128xf32, #tpu.memory_space<vmem>>
        %dma_wait3A_1500 = arith.constant 0 : i32
        %dma_wait3A_1501 = tpu.memref_slice %arg8[%add3A_1121, %dma_wait3A_1500] : memref<64x20xi32, #tpu.memory_space<vmem>> -> memref<1x20xi32, #tpu.memory_space<vmem>>
        %dma_wait3A_1502 = tpu.memref_squeeze %dma_wait3A_1501 : memref<1x20xi32, #tpu.memory_space<vmem>> -> memref<20xi32, #tpu.memory_space<vmem>>
        %dma_wait3A_1503 = arith.constant 0 : i32
        %dma_wait3A_1504 = arith.constant 0 : i32
        %dma_wait3A_1505 = tpu.memref_slice %arg5[%dma_wait3A_1503, %dma_wait3A_1504] : memref<100000x128xf32, #tpu.memory_space<hbm>> -> memref<100000x128xf32, #tpu.memory_space<hbm>>
        tpu.wait_indirect_dma semaphore(%arg12 : memref<!tpu.dma_semaphore, #tpu.memory_space<semaphore_mem>>) src(%dma_wait3A_1505 : memref<100000x128xf32, #tpu.memory_space<hbm>>) dst(%dma_wait3A_1499 : memref<20x128xf32, #tpu.memory_space<vmem>>)
        %dma_wait3A_1506 = arith.constant 9 : i32
        %dma_wait3A_1507 = arith.constant 0 : i32
        %dma_wait3A_1508 = arith.constant 0 : i32
        %dma_wait3A_1509 = tpu.memref_slice %arg10[%dma_wait3A_1506, %dma_wait3A_1507, %dma_wait3A_1508] : memref<16x20x128xf32, #tpu.memory_space<vmem>> -> memref<1x20x128xf32, #tpu.memory_space<vmem>>
        %dma_wait3A_1510 = tpu.memref_squeeze %dma_wait3A_1509 : memref<1x20x128xf32, #tpu.memory_space<vmem>> -> memref<20x128xf32, #tpu.memory_space<vmem>>
        %dma_wait3A_1511 = arith.constant 0 : i32
        %dma_wait3A_1512 = tpu.memref_slice %arg8[%add3A_1134, %dma_wait3A_1511] : memref<64x20xi32, #tpu.memory_space<vmem>> -> memref<1x20xi32, #tpu.memory_space<vmem>>
        %dma_wait3A_1513 = tpu.memref_squeeze %dma_wait3A_1512 : memref<1x20xi32, #tpu.memory_space<vmem>> -> memref<20xi32, #tpu.memory_space<vmem>>
        %dma_wait3A_1514 = arith.constant 0 : i32
        %dma_wait3A_1515 = arith.constant 0 : i32
        %dma_wait3A_1516 = tpu.memref_slice %arg5[%dma_wait3A_1514, %dma_wait3A_1515] : memref<100000x128xf32, #tpu.memory_space<hbm>> -> memref<100000x128xf32, #tpu.memory_space<hbm>>
        tpu.wait_indirect_dma semaphore(%arg12 : memref<!tpu.dma_semaphore, #tpu.memory_space<semaphore_mem>>) src(%dma_wait3A_1516 : memref<100000x128xf32, #tpu.memory_space<hbm>>) dst(%dma_wait3A_1510 : memref<20x128xf32, #tpu.memory_space<vmem>>)
        %dma_wait3A_1517 = arith.constant 10 : i32
        %dma_wait3A_1518 = arith.constant 0 : i32
        %dma_wait3A_1519 = arith.constant 0 : i32
        %dma_wait3A_1520 = tpu.memref_slice %arg10[%dma_wait3A_1517, %dma_wait3A_1518, %dma_wait3A_1519] : memref<16x20x128xf32, #tpu.memory_space<vmem>> -> memref<1x20x128xf32, #tpu.memory_space<vmem>>
        %dma_wait3A_1521 = tpu.memref_squeeze %dma_wait3A_1520 : memref<1x20x128xf32, #tpu.memory_space<vmem>> -> memref<20x128xf32, #tpu.memory_space<vmem>>
        %dma_wait3A_1522 = arith.constant 0 : i32
        %dma_wait3A_1523 = tpu.memref_slice %arg8[%add3A_1147, %dma_wait3A_1522] : memref<64x20xi32, #tpu.memory_space<vmem>> -> memref<1x20xi32, #tpu.memory_space<vmem>>
        %dma_wait3A_1524 = tpu.memref_squeeze %dma_wait3A_1523 : memref<1x20xi32, #tpu.memory_space<vmem>> -> memref<20xi32, #tpu.memory_space<vmem>>
        %dma_wait3A_1525 = arith.constant 0 : i32
        %dma_wait3A_1526 = arith.constant 0 : i32
        %dma_wait3A_1527 = tpu.memref_slice %arg5[%dma_wait3A_1525, %dma_wait3A_1526] : memref<100000x128xf32, #tpu.memory_space<hbm>> -> memref<100000x128xf32, #tpu.memory_space<hbm>>
        tpu.wait_indirect_dma semaphore(%arg12 : memref<!tpu.dma_semaphore, #tpu.memory_space<semaphore_mem>>) src(%dma_wait3A_1527 : memref<100000x128xf32, #tpu.memory_space<hbm>>) dst(%dma_wait3A_1521 : memref<20x128xf32, #tpu.memory_space<vmem>>)
        %dma_wait3A_1528 = arith.constant 11 : i32
        %dma_wait3A_1529 = arith.constant 0 : i32
        %dma_wait3A_1530 = arith.constant 0 : i32
        %dma_wait3A_1531 = tpu.memref_slice %arg10[%dma_wait3A_1528, %dma_wait3A_1529, %dma_wait3A_1530] : memref<16x20x128xf32, #tpu.memory_space<vmem>> -> memref<1x20x128xf32, #tpu.memory_space<vmem>>
        %dma_wait3A_1532 = tpu.memref_squeeze %dma_wait3A_1531 : memref<1x20x128xf32, #tpu.memory_space<vmem>> -> memref<20x128xf32, #tpu.memory_space<vmem>>
        %dma_wait3A_1533 = arith.constant 0 : i32
        %dma_wait3A_1534 = tpu.memref_slice %arg8[%add3A_1160, %dma_wait3A_1533] : memref<64x20xi32, #tpu.memory_space<vmem>> -> memref<1x20xi32, #tpu.memory_space<vmem>>
        %dma_wait3A_1535 = tpu.memref_squeeze %dma_wait3A_1534 : memref<1x20xi32, #tpu.memory_space<vmem>> -> memref<20xi32, #tpu.memory_space<vmem>>
        %dma_wait3A_1536 = arith.constant 0 : i32
        %dma_wait3A_1537 = arith.constant 0 : i32
        %dma_wait3A_1538 = tpu.memref_slice %arg5[%dma_wait3A_1536, %dma_wait3A_1537] : memref<100000x128xf32, #tpu.memory_space<hbm>> -> memref<100000x128xf32, #tpu.memory_space<hbm>>
        tpu.wait_indirect_dma semaphore(%arg12 : memref<!tpu.dma_semaphore, #tpu.memory_space<semaphore_mem>>) src(%dma_wait3A_1538 : memref<100000x128xf32, #tpu.memory_space<hbm>>) dst(%dma_wait3A_1532 : memref<20x128xf32, #tpu.memory_space<vmem>>)
        %dma_wait3A_1539 = arith.constant 12 : i32
        %dma_wait3A_1540 = arith.constant 0 : i32
        %dma_wait3A_1541 = arith.constant 0 : i32
        %dma_wait3A_1542 = tpu.memref_slice %arg10[%dma_wait3A_1539, %dma_wait3A_1540, %dma_wait3A_1541] : memref<16x20x128xf32, #tpu.memory_space<vmem>> -> memref<1x20x128xf32, #tpu.memory_space<vmem>>
        %dma_wait3A_1543 = tpu.memref_squeeze %dma_wait3A_1542 : memref<1x20x128xf32, #tpu.memory_space<vmem>> -> memref<20x128xf32, #tpu.memory_space<vmem>>
        %dma_wait3A_1544 = arith.constant 0 : i32
        %dma_wait3A_1545 = tpu.memref_slice %arg8[%add3A_1173, %dma_wait3A_1544] : memref<64x20xi32, #tpu.memory_space<vmem>> -> memref<1x20xi32, #tpu.memory_space<vmem>>
        %dma_wait3A_1546 = tpu.memref_squeeze %dma_wait3A_1545 : memref<1x20xi32, #tpu.memory_space<vmem>> -> memref<20xi32, #tpu.memory_space<vmem>>
        %dma_wait3A_1547 = arith.constant 0 : i32
        %dma_wait3A_1548 = arith.constant 0 : i32
        %dma_wait3A_1549 = tpu.memref_slice %arg5[%dma_wait3A_1547, %dma_wait3A_1548] : memref<100000x128xf32, #tpu.memory_space<hbm>> -> memref<100000x128xf32, #tpu.memory_space<hbm>>
        tpu.wait_indirect_dma semaphore(%arg12 : memref<!tpu.dma_semaphore, #tpu.memory_space<semaphore_mem>>) src(%dma_wait3A_1549 : memref<100000x128xf32, #tpu.memory_space<hbm>>) dst(%dma_wait3A_1543 : memref<20x128xf32, #tpu.memory_space<vmem>>)
        %dma_wait3A_1550 = arith.constant 13 : i32
        %dma_wait3A_1551 = arith.constant 0 : i32
        %dma_wait3A_1552 = arith.constant 0 : i32
        %dma_wait3A_1553 = tpu.memref_slice %arg10[%dma_wait3A_1550, %dma_wait3A_1551, %dma_wait3A_1552] : memref<16x20x128xf32, #tpu.memory_space<vmem>> -> memref<1x20x128xf32, #tpu.memory_space<vmem>>
        %dma_wait3A_1554 = tpu.memref_squeeze %dma_wait3A_1553 : memref<1x20x128xf32, #tpu.memory_space<vmem>> -> memref<20x128xf32, #tpu.memory_space<vmem>>
        %dma_wait3A_1555 = arith.constant 0 : i32
        %dma_wait3A_1556 = tpu.memref_slice %arg8[%add3A_1186, %dma_wait3A_1555] : memref<64x20xi32, #tpu.memory_space<vmem>> -> memref<1x20xi32, #tpu.memory_space<vmem>>
        %dma_wait3A_1557 = tpu.memref_squeeze %dma_wait3A_1556 : memref<1x20xi32, #tpu.memory_space<vmem>> -> memref<20xi32, #tpu.memory_space<vmem>>
        %dma_wait3A_1558 = arith.constant 0 : i32
        %dma_wait3A_1559 = arith.constant 0 : i32
        %dma_wait3A_1560 = tpu.memref_slice %arg5[%dma_wait3A_1558, %dma_wait3A_1559] : memref<100000x128xf32, #tpu.memory_space<hbm>> -> memref<100000x128xf32, #tpu.memory_space<hbm>>
        tpu.wait_indirect_dma semaphore(%arg12 : memref<!tpu.dma_semaphore, #tpu.memory_space<semaphore_mem>>) src(%dma_wait3A_1560 : memref<100000x128xf32, #tpu.memory_space<hbm>>) dst(%dma_wait3A_1554 : memref<20x128xf32, #tpu.memory_space<vmem>>)
        %dma_wait3A_1561 = arith.constant 14 : i32
        %dma_wait3A_1562 = arith.constant 0 : i32
        %dma_wait3A_1563 = arith.constant 0 : i32
        %dma_wait3A_1564 = tpu.memref_slice %arg10[%dma_wait3A_1561, %dma_wait3A_1562, %dma_wait3A_1563] : memref<16x20x128xf32, #tpu.memory_space<vmem>> -> memref<1x20x128xf32, #tpu.memory_space<vmem>>
        %dma_wait3A_1565 = tpu.memref_squeeze %dma_wait3A_1564 : memref<1x20x128xf32, #tpu.memory_space<vmem>> -> memref<20x128xf32, #tpu.memory_space<vmem>>
        %dma_wait3A_1566 = arith.constant 0 : i32
        %dma_wait3A_1567 = tpu.memref_slice %arg8[%add3A_1199, %dma_wait3A_1566] : memref<64x20xi32, #tpu.memory_space<vmem>> -> memref<1x20xi32, #tpu.memory_space<vmem>>
        %dma_wait3A_1568 = tpu.memref_squeeze %dma_wait3A_1567 : memref<1x20xi32, #tpu.memory_space<vmem>> -> memref<20xi32, #tpu.memory_space<vmem>>
        %dma_wait3A_1569 = arith.constant 0 : i32
        %dma_wait3A_1570 = arith.constant 0 : i32
        %dma_wait3A_1571 = tpu.memref_slice %arg5[%dma_wait3A_1569, %dma_wait3A_1570] : memref<100000x128xf32, #tpu.memory_space<hbm>> -> memref<100000x128xf32, #tpu.memory_space<hbm>>
        tpu.wait_indirect_dma semaphore(%arg12 : memref<!tpu.dma_semaphore, #tpu.memory_space<semaphore_mem>>) src(%dma_wait3A_1571 : memref<100000x128xf32, #tpu.memory_space<hbm>>) dst(%dma_wait3A_1565 : memref<20x128xf32, #tpu.memory_space<vmem>>)
        %dma_wait3A_1572 = arith.constant 15 : i32
        %dma_wait3A_1573 = arith.constant 0 : i32
        %dma_wait3A_1574 = arith.constant 0 : i32
        %dma_wait3A_1575 = tpu.memref_slice %arg10[%dma_wait3A_1572, %dma_wait3A_1573, %dma_wait3A_1574] : memref<16x20x128xf32, #tpu.memory_space<vmem>> -> memref<1x20x128xf32, #tpu.memory_space<vmem>>
        %dma_wait3A_1576 = tpu.memref_squeeze %dma_wait3A_1575 : memref<1x20x128xf32, #tpu.memory_space<vmem>> -> memref<20x128xf32, #tpu.memory_space<vmem>>
        %dma_wait3A_1577 = arith.constant 0 : i32
        %dma_wait3A_1578 = tpu.memref_slice %arg8[%add3A_1212, %dma_wait3A_1577] : memref<64x20xi32, #tpu.memory_space<vmem>> -> memref<1x20xi32, #tpu.memory_space<vmem>>
        %dma_wait3A_1579 = tpu.memref_squeeze %dma_wait3A_1578 : memref<1x20xi32, #tpu.memory_space<vmem>> -> memref<20xi32, #tpu.memory_space<vmem>>
        %dma_wait3A_1580 = arith.constant 0 : i32
        %dma_wait3A_1581 = arith.constant 0 : i32
        %dma_wait3A_1582 = tpu.memref_slice %arg5[%dma_wait3A_1580, %dma_wait3A_1581] : memref<100000x128xf32, #tpu.memory_space<hbm>> -> memref<100000x128xf32, #tpu.memory_space<hbm>>
        tpu.wait_indirect_dma semaphore(%arg12 : memref<!tpu.dma_semaphore, #tpu.memory_space<semaphore_mem>>) src(%dma_wait3A_1582 : memref<100000x128xf32, #tpu.memory_space<hbm>>) dst(%dma_wait3A_1576 : memref<20x128xf32, #tpu.memory_space<vmem>>)
        %add3A_1583 = arith.addi %add3A_22, %add3A_38 : i32
        %dma_start3A_1584 = arith.constant 0 : i32
        %dma_start3A_1585 = arith.constant 0 : i32
        %dma_start3A_1586 = tpu.memref_slice %arg6[%add3A_1583, %dma_start3A_1584, %dma_start3A_1585] : memref<16384x20x128xf32, #tpu.memory_space<hbm>> -> memref<16x20x128xf32, #tpu.memory_space<hbm>>
        %dma_start3A_1587 = arith.constant 0 : i32
        %dma_start3A_1588 = arith.constant 0 : i32
        %dma_start3A_1589 = tpu.memref_slice %arg6[%add3A_1583, %dma_start3A_1587, %dma_start3A_1588] : memref<16384x20x128xf32, #tpu.memory_space<hbm>> -> memref<16x20x128xf32, #tpu.memory_space<hbm>>
        tpu.enqueue_dma source(%arg10 : memref<16x20x128xf32, #tpu.memory_space<vmem>>) target(%dma_start3A_1589 : memref<16x20x128xf32, #tpu.memory_space<hbm>>) target_semaphore(%arg14 : memref<!tpu.dma_semaphore, #tpu.memory_space<semaphore_mem>>)
      }
      %scan3A_28 = arith.constant 2 : i32
    }
    %scan3A_7 = arith.constant 8 : i32
    %dma_wait3A = arith.constant 0 : i32
    %dma_wait3A_8 = arith.constant 0 : i32
    %dma_wait3A_9 = tpu.memref_slice %arg6[%mul3A_2, %dma_wait3A, %dma_wait3A_8] : memref<16384x20x128xf32, #tpu.memory_space<hbm>> -> memref<16x20x128xf32, #tpu.memory_space<hbm>>
    %dma_wait3A_10 = arith.constant 0 : i32
    %dma_wait3A_11 = arith.constant 0 : i32
    %dma_wait3A_12 = tpu.memref_slice %arg6[%mul3A_2, %dma_wait3A_10, %dma_wait3A_11] : memref<16384x20x128xf32, #tpu.memory_space<hbm>> -> memref<16x20x128xf32, #tpu.memory_space<hbm>>
    tpu.wait_dma2 semaphore(%arg13 : memref<!tpu.dma_semaphore, #tpu.memory_space<semaphore_mem>>) src(%arg9 : memref<16x20x128xf32, #tpu.memory_space<vmem>>) dst(%dma_wait3A_12 : memref<16x20x128xf32, #tpu.memory_space<hbm>>)
    %dma_wait3A_13 = arith.constant 0 : i32
    %dma_wait3A_14 = arith.constant 0 : i32
    %dma_wait3A_15 = tpu.memref_slice %arg6[%mul3A_2, %dma_wait3A_13, %dma_wait3A_14] : memref<16384x20x128xf32, #tpu.memory_space<hbm>> -> memref<16x20x128xf32, #tpu.memory_space<hbm>>
    %dma_wait3A_16 = arith.constant 0 : i32
    %dma_wait3A_17 = arith.constant 0 : i32
    %dma_wait3A_18 = tpu.memref_slice %arg6[%mul3A_2, %dma_wait3A_16, %dma_wait3A_17] : memref<16384x20x128xf32, #tpu.memory_space<hbm>> -> memref<16x20x128xf32, #tpu.memory_space<hbm>>
    tpu.wait_dma2 semaphore(%arg14 : memref<!tpu.dma_semaphore, #tpu.memory_space<semaphore_mem>>) src(%arg10 : memref<16x20x128xf32, #tpu.memory_space<vmem>>) dst(%dma_wait3A_18 : memref<16x20x128xf32, #tpu.memory_space<hbm>>)
    return
  }
}

</mosaic_0001>

<sc_bundles>
// kernel: kernel.3.cloned.1.call-start
scs
__scs_entry_jumppad:
0x0: {  	(pc) =	sbr.rel $0x88, $3  }
0x1: {  	(tag) =	ssettag $0x0;
	lr =	simm.s32 $0x1  }
0x2: {  	[smem:$0x3F9E] =	sst lr;
	_ =	strace $0xD0000000  }
0x3: {  	_ = 	snop  }
0x4: {  	_ = 	snop  }
0x5: {  	_ = 	snop  }
0x6: {  	_ = 	snop  }
0x7: {  	_ = 	snop  }
__scs_overlays_trampoline_lowered:
0x8: {  	[smem:$0x3FAD] =	sst s0  }
0x9: {  	[smem:$0x3FAE] =	sst s1  }
0xa: {  	[smem:$0x3FAF] =	sst s2  }
0xb: {  	[smem:$0x3FB0] =	sst s3  }
0xc: {  	[smem:$0x3FB1] =	sst s4  }
0xd: {  	[smem:$0x3FB2] =	sst s5  }
0xe: {  	[smem:$0x3FB3] =	sst s6  }
0xf: {  	[smem:$0x3FB4] =	sst s7  }
0x10: {  	[smem:$0x3FB5] =	sst s8  }
0x11: {  	[smem:$0x3FB6] =	sst s9;
	s0 =	simm.s32 @!p0 $0x0  }
0x12: {  	s1 =	sld [smem:$0x3F9C];
	s0 =	simm.s32 @p0 $0x1  }
0x13: {  	[smem:$0x3FB7] =	sst s0;
	s0 =	simm.s32 @!p1 $0x0  }
0x14: {  	s2 =	sld [smem:$0x3F9B];
	s0 =	simm.s32 @p1 $0x1  }
0x15: {  	[smem:$0x3FB8] =	sst s0;
	s0 =	simm.s32 @!p2 $0x0  }
0x16: {  	s3 =	sld [smem:$0x3FDB];
	s0 =	simm.s32 @p2 $0x1  }
0x17: {  	s4 =	simm.s32 $0x1BF5;
	[smem:$0x3FBA] =	sst s0  }
0x18: {  	s0 =	sld [smem:$0x3F9D];
	_ =	swait.ge [sflag:s4], $0x0  }
0x19: {  	s7 =	sld [smem:$0x3F9E]  }
0x1a: {  	s8 =	sadd.s32 $0xFFFFE003, lr  }
0x1b: {  	s9 =	sadd.s32 $0xFFFFFEF7, lr;
	s5 =	simm.s32 $0xFFFFFFFF;
	p2 =	slt.u32 s8, $0xFFFFF086  }
0x1c: {  	p1 =	slt.u32 s9, $0xF7A;
	s5 =	simm.s32 @!p2 $0x0  }
0x1d: {  	s5 =	simm.s32 @p1 $0x1;
	p0 =	seq.s32 s7, s2  }
0x1e: {  	s7 =	smul.u32 @!p0 $0xF7A, s2;
	p2 =	seq.s32 @!p0 s5, $0x0  }
0x1f: {  	s9 =	smul.u32 $0xF7A, s1;
	s8 =	simm.s32 @!p0 $0x1BF5;
	p2 =	por !p2, p0  }
0x20: {  	[sflag:s8] =	ssyncset.s32 @!p0 $0xFFFFF086;
	s6 =	sadd.s32 @!p0 s3, s7;
	s7 =	simm.s32 @!p0 $0x108  }
0x21: {  	s3 =	sadd.s32 s3, s9;
	s6 =	sadd.s32 @!p0 $0x88, s6;
	s7 =	simm.s32 @p2 $0x1082  }
0x22: {  	[simem:s7], [sflag:s8] =	dma.local @!p0 [hbm:s6], $0xF7A  }
0x23: {  	s9 =	sor.u32 $0xD0000000, s2;
	s6 =	simm.s32 $0x108;
	_ =	swait.ge @!p0 [sflag:s8], $0x0  }
0x24: {  	s3 =	sadd.s32 $0x88, s3;
	s6 =	simm.s32 @!p1 $0x1082;
	[sflag:s4] =	ssyncset.s32 $0xFFFFF086  }
0x25: {  	[simem:s6], [sflag:s4] =	dma.local [hbm:s3], $0xF7A  }
0x26: {  	[smem:$0x3F9E] =	sst s1;
	(tag) =	ssettag s2;
	_ =	strace s9  }
0x27: {  	s1 =	sld [smem:$0x3FAE]  }
0x28: {  	s2 =	sld [smem:$0x3FAF]  }
0x29: {  	s4 =	sld [smem:$0x3FB1]  }
0x2a: {  	p0 =	seq.s32 s5, $0x0;
	s5 =	sld [smem:$0x3FB2]  }
0x2b: {  	s6 =	sld [smem:$0x3FB3]  }
0x2c: {  	s7 =	sld [smem:$0x3FB4]  }
0x2d: {  	s3 =	simm.s32 $0x108;
	s8 =	sld [smem:$0x3FB5]  }
0x2e: {  	s3 =	simm.s32 @!p0 $0x1082;
	s9 =	sld [smem:$0x3FB6]  }
0x2f: {  	lr =	sadd.s32 s0, s3;
	s0 =	sld [smem:$0x3FAD]  }
0x30: {  	s3 =	sld [smem:$0x3FB0]  }
0x31: {  	[smem:$0x3FB9] =	sst s10  }
0x32: {  	s10 =	sld [smem:$0x3FB7];
	_ =	sdelay $0x3  }
0x33: {  	p0 =	seq.s32 s10, $0x1;
	s10 =	sld [smem:$0x3FB9];
	_ =	sdelay $0x3  }
0x34: {  	[smem:$0x3FB9] =	sst s10  }
0x35: {  	s10 =	sld [smem:$0x3FB8];
	_ =	sdelay $0x3  }
0x36: {  	p1 =	seq.s32 s10, $0x1;
	s10 =	sld [smem:$0x3FB9];
	_ =	sdelay $0x3  }
0x37: {  	[smem:$0x3FB9] =	sst s10  }
0x38: {  	s10 =	sld [smem:$0x3FBA]  }
0x39: {  	_ = 	snop;
	(pc) =	sbr.ind lr, $3  }
0x3a: {  	_ = 	snop  }
0x3b: {  	_ = 	snop  }
0x3c: {  	p2 =	seq.s32 s10, $0x1;
	s10 =	sld [smem:$0x3FB9]  }
0x3d: {  	_ =	shalt  }
0x3e: {  	_ =	shalt  }
0x3f: {  	_ =	shalt  }
0x40: {  	_ =	shalt  }
0x41: {  	_ =	shalt  }
0x42: {  	_ =	shalt  }
0x43: {  	_ =	shalt  }
0x44: {  	_ =	shalt  }
0x45: {  	_ =	shalt  }
0x46: {  	_ =	shalt  }
0x47: {  	_ =	shalt  }
0x48: {  	_ =	shalt  }
0x49: {  	_ =	shalt  }
0x4a: {  	_ =	shalt  }
0x4b: {  	_ =	shalt  }
0x4c: {  	_ =	shalt  }
0x4d: {  	_ =	shalt  }
0x4e: {  	_ =	shalt  }
0x4f: {  	_ =	shalt  }
0x50: {  	_ =	shalt  }
0x51: {  	_ =	shalt  }
0x52: {  	_ =	shalt  }
0x53: {  	_ =	shalt  }
0x54: {  	_ =	shalt  }
0x55: {  	_ =	shalt  }
0x56: {  	_ =	shalt  }
0x57: {  	_ =	shalt  }
0x58: {  	_ =	shalt  }
0x59: {  	_ =	shalt  }
0x5a: {  	_ =	shalt  }
0x5b: {  	_ =	shalt  }
0x5c: {  	_ =	shalt  }
0x5d: {  	_ =	shalt  }
0x5e: {  	_ =	shalt  }
0x5f: {  	_ =	shalt  }
0x60: {  	_ =	shalt  }
0x61: {  	_ =	shalt  }
0x62: {  	_ =	shalt  }
0x63: {  	_ =	shalt  }
0x64: {  	_ =	shalt  }
0x65: {  	_ =	shalt  }
0x66: {  	_ =	shalt  }
0x67: {  	_ =	shalt  }
0x68: {  	_ =	shalt  }
0x69: {  	_ =	shalt  }
0x6a: {  	_ =	shalt  }
0x6b: {  	_ =	shalt  }
0x6c: {  	_ =	shalt  }
0x6d: {  	_ =	shalt  }
0x6e: {  	_ =	shalt  }
0x6f: {  	_ =	shalt  }
0x70: {  	_ =	shalt  }
0x71: {  	_ =	shalt  }
0x72: {  	_ =	shalt  }
0x73: {  	_ =	shalt  }
0x74: {  	_ =	shalt  }
0x75: {  	_ =	shalt  }
0x76: {  	_ =	shalt  }
0x77: {  	_ =	shalt  }
0x78: {  	_ =	shalt  }
0x79: {  	_ =	shalt  }
0x7a: {  	_ =	shalt  }
0x7b: {  	_ =	shalt  }
0x7c: {  	_ =	shalt  }
0x7d: {  	_ =	shalt  }
0x7e: {  	_ =	shalt  }
0x7f: {  	_ =	shalt  }
0x80: {  	_ =	shalt  }
0x81: {  	_ =	shalt  }
0x82: {  	_ =	shalt  }
0x83: {  	_ =	shalt  }
0x84: {  	_ =	shalt  }
0x85: {  	_ =	shalt  }
0x86: {  	_ =	shalt  }
0x87: {  	_ =	shalt  }
.Lfunc_end0:
.L_simem_size_0:
called_computation_lowered:
.L_overlay_start_0:
0x88: {  	s2 =	sld [smem:$0x3FD9]  }
0x89: {  	s3 =	sld [smem:$0x3FFE];
	_ =	sdelay $0x1  }
0x8a: {  	s1 =	srdreg.scid  }
0x8b: {  	s0 =	sand.u32 $0x1, s1  }
0x8c: {  	s16 =	sshll.u32 s0, $0xA;
	s2 =	sadd.s32 s3, s2  }
0x8d: {  	s2 =	sadd.s32 s2, s16  }
0x8e: {  	[smem:$0x3FC5] =	sst s2  }
0x8f: {  	_ = 	snop  }
0x90: {  	(tm) =	ssettm $0x1  }
0x91: {  	s17 =	sld [smem:$0x3FFB];
	_ =	sdelay $0x3  }
0x92: {  	_ =	strace s17  }
0x93: {  	s2 =	sld [smem:$0x3FFC];
	_ =	sdelay $0x3  }
0x94: {  	_ =	strace s2  }
0x95: {  	s2 =	sld [smem:$0x3FFD];
	_ =	sdelay $0x3  }
0x96: {  	_ =	strace s2  }
0x97: {  	_ =	strace $0x8FFFFFFF  }
0x98: {  	s18 =	sld [smem:$0x3FDB];
	_ =	sdelay $0x1  }
0x99: {  	s19 =	simm.s32 $_scs_section_size  }
0x9a: {  	s4 =	simm.s32 $_size__tile_overlayer_lowered;
	s5 =	simm.s32 $_tile_overlayer_lowered  }
0x9b: {  	s22 =	simm.s32 $0x1BFF;
	s21 =	sshll.u32 s5, $0x1;
	s2 =	sadd.s32 s19, s18  }
0x9c: {  	s6 =	simm.s32 $0x0;
	s20 =	sshll.u32 s4, $0x1;
	s4 =	sadd.s32 s21, s2  }
0x9d: {  	[timem:s6], [sflag:s22] =	dma.local [hbm:s4], s20  }
0x9e: {  	_ =	swait.ge [sflag:s22], s20  }
0x9f: {  	s3 =	ssub.s32 $0x0, s20;
	[sflag:s22] =	ssyncset.done $0x0  }
0xa0: {  	[sflag:s22] =	ssyncadd.s32 s3;
	_ =	sdelay $0x1  }
0xa1: {  	s23 =	simm.s32 $0x1B8B  }
0xa2: {  	_ =	swait.ge [sflag:s23], $0x1  }
0xa3: {  	[sflag:s23] =	ssyncset.done $0x0  }
0xa4: {  	s25 =	simm.s32 $0x1B8E;
	s24 =	sld [smem:$0x3FFE];
	[sflag:s23] =	ssyncadd.s32 $0xFFFFFFFF  }
0xa5: {  	s26 =	simm.s32 $execute0_lowered;
	[smem:$0x3FD2] =	sst s25  }
0xa6: {  	s4 =	sshll.u32 s26, $0x1;
	_ =	strace $0x80000046;
	[dreg:$0x1] =	wrdreg $0xFFFFFFFF  }
0xa7: {  	s28 =	simm.s32 $_size_execute0_lowered;
	s2 =	sadd.s32 s2, s4;
	[dreg:$0x0] =	wrdreg $0x0  }
0xa8: {  	s4 =	sshll.u32 s28, $0x1;
	[dreg:$0x2] =	wrdreg s2  }
0xa9: {  	[dreg:$0x3] =	wrdreg s4  }
0xaa: {  	[dreg:$0x4] =	wrdreg $0xC0  }
0xab: {  	_ =	task [dreg:s6], $0x5FFFF  }
0xac: {  	[dreg:$0x1] =	wrdreg $0xFFFFFFFF  }
0xad: {  	[dreg:$0x0] =	wrdreg $0x60  }
0xae: {  	[dreg:$0x2] =	wrdreg s24  }
0xaf: {  	[dreg:$0x3] =	wrdreg $0x9  }
0xb0: {  	_ =	task.clear_ibuf [dreg:s6], $0x4FFFF;
	_ =	strace $0x90000046  }
0xb1: {  	s29 =	simm.s32 $0x9;
	_ =	strace $0x80000048  }
0xb2: {  	_ =	swait.ge [sflag:s29], $0x1  }
0xb3: {  	[sflag:s29] =	ssyncadd.s32 $0xFFFFFFFF  }
0xb4: {  	_ =	strace $0x90000048  }
0xb5: {  	_ =	sfence  }
0xb6: {  	s30 =	sld [smem:$0x0];
	_ =	sdelay $0x2  }
0xb7: {  	s31 =	sshll.u32 s1, $0xD;
	s1 =	sshrl.u32 s1, $0x2  }
0xb8: {  	s3 =	sand.u32 $0x4000, s31;
	s1 =	sadd.s32 s1, s30  }
0xb9: {  	s0 =	sor.u32 s3, s0;
	s1 =	sshll.u32 s1, $0x11  }
0xba: {  	s0 =	sor.u32 s1, s0  }
0xbb: {  	s0 =	sadd.s32 $0x8F2B, s0  }
0xbc: {  	[sflag:s0] =	ssyncadd.remote.s32 $0x1  }
0xbd: {  	_ =	sfence.sel $0xFFFF  }
0xbe: {  	[dreg:$0x0] =	wrdreg $0xFFFFFFFF;
	(pc) =	sbr.abs _section_cstart, $3  }
0xbf: {  	[dreg:$0x1] =	wrdreg $0xFFFFFFFF  }
0xc0: {  	_ =	task.clear_ibuf [dreg:s6], $0x2FFFF;
	_ =	strace $0x9FFFFFFF  }
0xc1: {  	(tm) =	ssettm $0x7FFFFFFF  }
tec
execute0_lowered:
.L_overlay_start_1:
0x0: {  	(tag) =	ssettag $0x1  }
0x1: {  	s0 =	rddreg [dreg:$0x0];
	s1 =	simm.s32 $0x0  }
0x2: {  	s2 =	srdreg.scid;
	s7 =	stileid.u32;
	s12 =	simm.s32 $0x14  }
0x3: {  	s28 =	simm.s32 $0x5800;
	s29 =	simm.s32 $0x6400;
	s19 =	simm.s32 $0x2  }
0x4: {  	s15 =	simm.s32 $0x7000;
	s16 =	simm.s32 $0x7C00;
	s17 =	simm.s32 $0x8800  }
0x5: {  	s18 =	simm.s32 $0x9400;
	s30 =	simm.s32 $0xA000;
	s31 =	simm.s32 $0xAC00  }
0x6: {  	s11 =	simm.s32 $0xDC00;
	s8 =	simm.s32 $0x10000;
	s10 =	simm.s32 $0x10C00  }
0x7: {  	s13 =	simm.s32 $0x11800;
	s14 =	simm.s32 $0x12400;
	[smem:$0x7FF] =	sst s1  }
0x8: {  	s3 =	sadd.s32 $0x600, s0;
	s2 =	sand.u32 $0x1, s2;
	s22 =	sadd.s32 $0x40600, s0  }
0x9: {  	s5 =	sadd.s32 $0x207000, s0;
	s6 =	sadd.s32 $0x80600, s0;
	s9 =	sadd.s32 $0x38DA00, s0  }
0xa: {  	s24 =	sshll.u32 s7, $0xA;
	s7 =	simm.s32 $0xB800;
	_ =	strace $0x80000047  }
0xb: {  	[dreg:$0x2] =	wrdreg s3;
	s23 =	ssub.s32 $0x2, s2;
	s2 =	sshll.u32 s2, $0x9  }
0xc: {  	[dreg:$0x3] =	wrdreg s22;
	s4 =	sshrl.u32 s23, $0x1;
	s25 =	sor.u32 s2, s24  }
0xd: {  	s2 =	simm.s32 $0x0;
	s3 =	ssub.s32 s23, s4;
	[dreg:$0x4] =	wrdreg s25  }
0xe: {  	s25 =	simm.s32 $0x4000;
	s4 =	simm.s32 $0xF400;
	s26 =	smax.u32 s3, $0x1  }
0xf: {  	s3 =	simm.s32 $0xC400;
	[dreg:$0x5] =	wrdreg s26;
	s26 =	simm.s32 $0x4C00  }
.LBB2_1:
0x10: {  	[dreg:$0x6] =	wrdreg s2;
	s0 =	simm.s32 $0x0  }
0x11: {  	[dreg:$0x7] =	wrdreg s0  }
.LBB2_2:
0x12: {  	s0 =	rddreg [dreg:$0x7]  }
0x13: {  	s21 =	rddreg [dreg:$0x4];
	s20 =	sshll.u32 s0, $0x6  }
0x14: {  	s0 =	sadd.s32 s21, s20  }
0x15: {  	[dreg:$0x8] =	wrdreg s0  }
0x16: {  	s22 =	sshll.u32 s0, $0x4;
	s0 =	rddreg [dreg:$0x2]  }
0x17: {  	s24 =	simm.s32 $0x5;
	s21 =	simm.s32 $0x0;
	s23 =	sadd.s32 s0, s22  }
0x18: {  	[tilespmem:s21], [sflag:$0x5] =	stream.linear.gather [hbm4b:s23+s21], $0x2000, $0x38;
	[tilespmem:$0x1C000] =	vst v63  }
0x19: {  	_ =	swait.ge [sflag:s24], $0x2000  }
0x1a: {  	[sflag:s24] =	ssyncset.done $0x0;
	s2 =	rddreg [dreg:$0x3]  }
0x1b: {  	s20 =	simm.s32 $0x2000;
	[sflag:s24] =	ssyncadd.s32 $0xFFFFE000;
	s22 =	sadd.s32 s2, s22  }
0x1c: {  	[tilespmem:s20], [sflag:$0x5] =	stream.linear.gather [hbm4b:s22+s21], $0x2000, $0x38;
	[tilespmem:$0x1C000] =	vst v63  }
0x1d: {  	_ =	swait.ge [sflag:s24], $0x2000  }
0x1e: {  	[sflag:s24] =	ssyncset.done $0x0  }
0x1f: {  	p0 =	por $0x1, $0x1;
	[sflag:s24] =	ssyncadd.s32 $0xFFFFE000  }
.LBB2_3:
0x20: {  	s22 =	rddreg [dreg:$0x7]  }
0x21: {  	s22 =	sor.u32 s22, s21  }
0x22: {  	p1 =	seq.s32 s22, $0x0  }
0x23: {  	s22 =	simm.s32 @!p1 $0x3  }
0x24: {  	_ =	swait.ge @!p1 [sflag:s22], $0xA000  }
0x25: {  	[sflag:s22] =	ssyncset.done @!p1 $0x0  }
0x26: {  	[sflag:s22] =	ssyncadd.s32 @!p1 $0xFFFF6000;
	s22 =	simm.s32 @!p1 $0x4  }
0x27: {  	_ =	swait.ge @!p1 [sflag:s22], $0xA000  }
0x28: {  	[sflag:s22] =	ssyncset.done @!p1 $0x0  }
0x29: {  	s24 =	sshll.u32 s21, $0xC;
	[sflag:s22] =	ssyncadd.s32 @!p1 $0xFFFF6000  }
0x2a: {  	[tilespmem:s25], [sflag:$0x1] =	stream.indirect.gather [hbm4b:s5+s12], $0x80, s24, s12, $0xb8;
	[tilespmem:$0x1C000] =	vst v63  }
0x2b: {  	s20 =	sor.u32 $0x80, s24  }
0x2c: {  	[tilespmem:s26], [sflag:$0x1] =	stream.indirect.gather [hbm4b:s5+s12], $0x80, s20, s12, $0xb8;
	[tilespmem:$0x1C000] =	vst v63  }
0x2d: {  	s23 =	sor.u32 $0x100, s24  }
0x2e: {  	[tilespmem:s28], [sflag:$0x1] =	stream.indirect.gather [hbm4b:s5+s12], $0x80, s23, s12, $0xb8;
	[tilespmem:$0x1C000] =	vst v63  }
0x2f: {  	s25 =	sor.u32 $0x180, s24  }
0x30: {  	[tilespmem:s29], [sflag:$0x1] =	stream.indirect.gather [hbm4b:s5+s12], $0x80, s25, s12, $0xb8;
	[tilespmem:$0x1C000] =	vst v63  }
0x31: {  	s26 =	sor.u32 $0x200, s24  }
0x32: {  	[tilespmem:s15], [sflag:$0x1] =	stream.indirect.gather [hbm4b:s5+s12], $0x80, s26, s12, $0xb8;
	[tilespmem:$0x1C000] =	vst v63  }
0x33: {  	s0 =	sor.u32 $0x280, s24  }
0x34: {  	[tilespmem:s16], [sflag:$0x1] =	stream.indirect.gather [hbm4b:s5+s12], $0x80, s0, s12, $0xb8;
	[tilespmem:$0x1C000] =	vst v63  }
0x35: {  	s2 =	sor.u32 $0x300, s24  }
0x36: {  	[tilespmem:s17], [sflag:$0x1] =	stream.indirect.gather [hbm4b:s5+s12], $0x80, s2, s12, $0xb8;
	[tilespmem:$0x1C000] =	vst v63  }
0x37: {  	s20 =	sor.u32 $0x380, s24  }
0x38: {  	[tilespmem:s18], [sflag:$0x1] =	stream.indirect.gather [hbm4b:s5+s12], $0x80, s20, s12, $0xb8;
	[tilespmem:$0x1C000] =	vst v63  }
0x39: {  	s23 =	sor.u32 $0x400, s24  }
0x3a: {  	[tilespmem:s30], [sflag:$0x1] =	stream.indirect.gather [hbm4b:s5+s12], $0x80, s23, s12, $0xb8;
	[tilespmem:$0x1C000] =	vst v63  }
0x3b: {  	s25 =	sor.u32 $0x480, s24  }
0x3c: {  	[tilespmem:s31], [sflag:$0x1] =	stream.indirect.gather [hbm4b:s5+s12], $0x80, s25, s12, $0xb8;
	[tilespmem:$0x1C000] =	vst v63  }
0x3d: {  	s26 =	sor.u32 $0x500, s24  }
0x3e: {  	[tilespmem:s7], [sflag:$0x1] =	stream.indirect.gather [hbm4b:s5+s12], $0x80, s26, s12, $0xb8;
	[tilespmem:$0x1C000] =	vst v63  }
0x3f: {  	s0 =	sor.u32 $0x580, s24  }
0x40: {  	[tilespmem:s3], [sflag:$0x1] =	stream.indirect.gather [hbm4b:s5+s12], $0x80, s0, s12, $0xb8;
	[tilespmem:$0x1C000] =	vst v63  }
0x41: {  	s2 =	sor.u32 $0x600, s24;
	s20 =	smov.u32 s9;
	s9 =	simm.s32 $0xD000  }
0x42: {  	[tilespmem:s9], [sflag:$0x1] =	stream.indirect.gather [hbm4b:s5+s12], $0x80, s2, s12, $0xb8;
	[tilespmem:$0x1C000] =	vst v63  }
0x43: {  	s23 =	sor.u32 $0x680, s24  }
0x44: {  	[tilespmem:s11], [sflag:$0x1] =	stream.indirect.gather [hbm4b:s5+s12], $0x80, s23, s12, $0xb8;
	[tilespmem:$0x1C000] =	vst v63  }
0x45: {  	s25 =	sor.u32 $0x700, s24;
	s2 =	simm.s32 $0xE800;
	s23 =	sshll.u32 s21, $0x5  }
0x46: {  	[tilespmem:s2], [sflag:$0x1] =	stream.indirect.gather [hbm4b:s5+s12], $0x80, s25, s12, $0xb8;
	[tilespmem:$0x1C000] =	vst v63  }
0x47: {  	s26 =	sor.u32 $0x780, s24;
	s22 =	sor.u32 $0x10, s23  }
0x48: {  	[tilespmem:s4], [sflag:$0x1] =	stream.indirect.gather [hbm4b:s5+s12], $0x80, s26, s12, $0xb8;
	[tilespmem:$0x1C000] =	vst v63  }
0x49: {  	s25 =	sshll.u32 s22, $0x7  }
0x4a: {  	[tilespmem:s8], [sflag:$0x2] =	stream.indirect.gather [hbm4b:s5+s12], $0x80, s25, s12, $0xb8;
	[tilespmem:$0x1C000] =	vst v63  }
0x4b: {  	s0 =	sor.u32 $0x880, s24  }
0x4c: {  	[tilespmem:s10], [sflag:$0x2] =	stream.indirect.gather [hbm4b:s5+s12], $0x80, s0, s12, $0xb8;
	[tilespmem:$0x1C000] =	vst v63  }
0x4d: {  	s26 =	sor.u32 $0x900, s24  }
0x4e: {  	[tilespmem:s13], [sflag:$0x2] =	stream.indirect.gather [hbm4b:s5+s12], $0x80, s26, s12, $0xb8;
	[tilespmem:$0x1C000] =	vst v63  }
0x4f: {  	s0 =	sor.u32 $0x980, s24  }
0x50: {  	[tilespmem:s14], [sflag:$0x2] =	stream.indirect.gather [hbm4b:s5+s12], $0x80, s0, s12, $0xb8;
	[tilespmem:$0x1C000] =	vst v63  }
0x51: {  	s26 =	sor.u32 $0xA00, s24;
	s0 =	simm.s32 $0x13000  }
0x52: {  	[tilespmem:s0], [sflag:$0x2] =	stream.indirect.gather [hbm4b:s5+s12], $0x80, s26, s12, $0xb8;
	[tilespmem:$0x1C000] =	vst v63  }
0x53: {  	s0 =	sor.u32 $0xA80, s24;
	s26 =	simm.s32 $0x13C00  }
0x54: {  	[tilespmem:s26], [sflag:$0x2] =	stream.indirect.gather [hbm4b:s5+s12], $0x80, s0, s12, $0xb8;
	[tilespmem:$0x1C000] =	vst v63  }
0x55: {  	s0 =	sor.u32 $0xB00, s24;
	s26 =	simm.s32 $0x14800  }
0x56: {  	[tilespmem:s26], [sflag:$0x2] =	stream.indirect.gather [hbm4b:s5+s12], $0x80, s0, s12, $0xb8;
	[tilespmem:$0x1C000] =	vst v63  }
0x57: {  	s0 =	sor.u32 $0xB80, s24;
	s26 =	simm.s32 $0x15400  }
0x58: {  	[tilespmem:s26], [sflag:$0x2] =	stream.indirect.gather [hbm4b:s5+s12], $0x80, s0, s12, $0xb8;
	[tilespmem:$0x1C000] =	vst v63  }
0x59: {  	s0 =	sor.u32 $0xC00, s24;
	s26 =	simm.s32 $0x16000  }
0x5a: {  	[tilespmem:s26], [sflag:$0x2] =	stream.indirect.gather [hbm4b:s5+s12], $0x80, s0, s12, $0xb8;
	[tilespmem:$0x1C000] =	vst v63  }
0x5b: {  	s0 =	sor.u32 $0xC80, s24;
	s26 =	simm.s32 $0x16C00  }
0x5c: {  	[tilespmem:s26], [sflag:$0x2] =	stream.indirect.gather [hbm4b:s5+s12], $0x80, s0, s12, $0xb8;
	[tilespmem:$0x1C000] =	vst v63  }
0x5d: {  	s0 =	sor.u32 $0xD00, s24;
	s26 =	simm.s32 $0x17800  }
0x5e: {  	[tilespmem:s26], [sflag:$0x2] =	stream.indirect.gather [hbm4b:s5+s12], $0x80, s0, s12, $0xb8;
	[tilespmem:$0x1C000] =	vst v63  }
0x5f: {  	s0 =	sor.u32 $0xD80, s24;
	s26 =	simm.s32 $0x18400  }
0x60: {  	[tilespmem:s26], [sflag:$0x2] =	stream.indirect.gather [hbm4b:s5+s12], $0x80, s0, s12, $0xb8;
	[tilespmem:$0x1C000] =	vst v63  }
0x61: {  	s0 =	sor.u32 $0xE00, s24;
	s26 =	simm.s32 $0x19000  }
0x62: {  	[tilespmem:s26], [sflag:$0x2] =	stream.indirect.gather [hbm4b:s5+s12], $0x80, s0, s12, $0xb8;
	[tilespmem:$0x1C000] =	vst v63  }
0x63: {  	s0 =	sor.u32 $0xE80, s24;
	s26 =	simm.s32 $0x19C00  }
0x64: {  	[tilespmem:s26], [sflag:$0x2] =	stream.indirect.gather [hbm4b:s5+s12], $0x80, s0, s12, $0xb8;
	[tilespmem:$0x1C000] =	vst v63  }
0x65: {  	s0 =	sor.u32 $0xF00, s24;
	s26 =	simm.s32 $0x1A800  }
0x66: {  	[tilespmem:s26], [sflag:$0x2] =	stream.indirect.gather [hbm4b:s5+s12], $0x80, s0, s12, $0xb8;
	[tilespmem:$0x1C000] =	vst v63  }
0x67: {  	s21 =	simm.s32 $0x1;
	s0 =	sor.u32 $0xF80, s24;
	s26 =	simm.s32 $0x1B400  }
0x68: {  	[tilespmem:s26], [sflag:$0x2] =	stream.indirect.gather [hbm4b:s5+s12], $0x80, s0, s12, $0xb8;
	[tilespmem:$0x1C000] =	vst v63  }
0x69: {  	_ =	swait.ge [sflag:s21], $0xA00  }
0x6a: {  	[sflag:s21] =	ssyncset.done $0x0  }
0x6b: {  	[sflag:s21] =	ssyncadd.s32 $0xFFFFF600  }
0x6c: {  	_ =	swait.ge [sflag:s21], $0xA00  }
0x6d: {  	[sflag:s21] =	ssyncset.done $0x0  }
0x6e: {  	[sflag:s21] =	ssyncadd.s32 $0xFFFFF600  }
0x6f: {  	_ =	swait.ge [sflag:s21], $0xA00  }
0x70: {  	[sflag:s21] =	ssyncset.done $0x0  }
0x71: {  	[sflag:s21] =	ssyncadd.s32 $0xFFFFF600  }
0x72: {  	_ =	swait.ge [sflag:s21], $0xA00  }
0x73: {  	[sflag:s21] =	ssyncset.done $0x0  }
0x74: {  	[sflag:s21] =	ssyncadd.s32 $0xFFFFF600  }
0x75: {  	_ =	swait.ge [sflag:s21], $0xA00  }
0x76: {  	[sflag:s21] =	ssyncset.done $0x0  }
0x77: {  	[sflag:s21] =	ssyncadd.s32 $0xFFFFF600  }
0x78: {  	_ =	swait.ge [sflag:s21], $0xA00  }
0x79: {  	[sflag:s21] =	ssyncset.done $0x0  }
0x7a: {  	[sflag:s21] =	ssyncadd.s32 $0xFFFFF600  }
0x7b: {  	_ =	swait.ge [sflag:s21], $0xA00  }
0x7c: {  	[sflag:s21] =	ssyncset.done $0x0  }
0x7d: {  	[sflag:s21] =	ssyncadd.s32 $0xFFFFF600  }
0x7e: {  	_ =	swait.ge [sflag:s21], $0xA00  }
0x7f: {  	[sflag:s21] =	ssyncset.done $0x0  }
0x80: {  	[sflag:s21] =	ssyncadd.s32 $0xFFFFF600  }
0x81: {  	_ =	swait.ge [sflag:s21], $0xA00  }
0x82: {  	[sflag:s21] =	ssyncset.done $0x0  }
0x83: {  	[sflag:s21] =	ssyncadd.s32 $0xFFFFF600  }
0x84: {  	_ =	swait.ge [sflag:s21], $0xA00  }
0x85: {  	[sflag:s21] =	ssyncset.done $0x0  }
0x86: {  	[sflag:s21] =	ssyncadd.s32 $0xFFFFF600  }
0x87: {  	_ =	swait.ge [sflag:s21], $0xA00  }
0x88: {  	[sflag:s21] =	ssyncset.done $0x0  }
0x89: {  	[sflag:s21] =	ssyncadd.s32 $0xFFFFF600  }
0x8a: {  	_ =	swait.ge [sflag:s21], $0xA00  }
0x8b: {  	[sflag:s21] =	ssyncset.done $0x0  }
0x8c: {  	[sflag:s21] =	ssyncadd.s32 $0xFFFFF600  }
0x8d: {  	_ =	swait.ge [sflag:s21], $0xA00  }
0x8e: {  	[sflag:s21] =	ssyncset.done $0x0  }
0x8f: {  	[sflag:s21] =	ssyncadd.s32 $0xFFFFF600  }
0x90: {  	_ =	swait.ge [sflag:s21], $0xA00  }
0x91: {  	[sflag:s21] =	ssyncset.done $0x0  }
0x92: {  	[sflag:s21] =	ssyncadd.s32 $0xFFFFF600  }
0x93: {  	_ =	swait.ge [sflag:s21], $0xA00  }
0x94: {  	[sflag:s21] =	ssyncset.done $0x0  }
0x95: {  	[sflag:s21] =	ssyncadd.s32 $0xFFFFF600  }
0x96: {  	_ =	swait.ge [sflag:s21], $0xA00  }
0x97: {  	[sflag:s21] =	ssyncset.done $0x0  }
0x98: {  	s28 =	simm.s32 $0x4000;
	s0 =	sadd.s32 $0x2000, s24;
	[sflag:s21] =	ssyncadd.s32 $0xFFFFF600  }
0x99: {  	[tilespmem:s28], [sflag:$0x1] =	stream.indirect.gather.add.f32 [hbm:s6], $0x80, s0, s12, $0xb8;
	[tilespmem:$0x1C000] =	vst v63  }
0x9a: {  	s29 =	simm.s32 $0x4C00;
	s0 =	sadd.s32 $0x2080, s24  }
0x9b: {  	[tilespmem:s29], [sflag:$0x1] =	stream.indirect.gather.add.f32 [hbm:s6], $0x80, s0, s12, $0xb8;
	[tilespmem:$0x1C000] =	vst v63  }
0x9c: {  	s28 =	simm.s32 $0x5800;
	s0 =	sadd.s32 $0x2100, s24  }
0x9d: {  	[tilespmem:s28], [sflag:$0x1] =	stream.indirect.gather.add.f32 [hbm:s6], $0x80, s0, s12, $0xb8;
	[tilespmem:$0x1C000] =	vst v63  }
0x9e: {  	s29 =	simm.s32 $0x6400;
	s0 =	sadd.s32 $0x2180, s24  }
0x9f: {  	[tilespmem:s29], [sflag:$0x1] =	stream.indirect.gather.add.f32 [hbm:s6], $0x80, s0, s12, $0xb8;
	[tilespmem:$0x1C000] =	vst v63  }
0xa0: {  	s0 =	sadd.s32 $0x2200, s24  }
0xa1: {  	[tilespmem:s15], [sflag:$0x1] =	stream.indirect.gather.add.f32 [hbm:s6], $0x80, s0, s12, $0xb8;
	[tilespmem:$0x1C000] =	vst v63  }
0xa2: {  	s0 =	sadd.s32 $0x2280, s24  }
0xa3: {  	[tilespmem:s16], [sflag:$0x1] =	stream.indirect.gather.add.f32 [hbm:s6], $0x80, s0, s12, $0xb8;
	[tilespmem:$0x1C000] =	vst v63  }
0xa4: {  	s0 =	sadd.s32 $0x2300, s24  }
0xa5: {  	[tilespmem:s17], [sflag:$0x1] =	stream.indirect.gather.add.f32 [hbm:s6], $0x80, s0, s12, $0xb8;
	[tilespmem:$0x1C000] =	vst v63  }
0xa6: {  	s0 =	sadd.s32 $0x2380, s24  }
0xa7: {  	[tilespmem:s18], [sflag:$0x1] =	stream.indirect.gather.add.f32 [hbm:s6], $0x80, s0, s12, $0xb8;
	[tilespmem:$0x1C000] =	vst v63  }
0xa8: {  	s0 =	sadd.s32 $0x2400, s24  }
0xa9: {  	[tilespmem:s30], [sflag:$0x1] =	stream.indirect.gather.add.f32 [hbm:s6], $0x80, s0, s12, $0xb8;
	[tilespmem:$0x1C000] =	vst v63  }
0xaa: {  	s0 =	sadd.s32 $0x2480, s24  }
0xab: {  	[tilespmem:s31], [sflag:$0x1] =	stream.indirect.gather.add.f32 [hbm:s6], $0x80, s0, s12, $0xb8;
	[tilespmem:$0x1C000] =	vst v63  }
0xac: {  	s0 =	sadd.s32 $0x2500, s24  }
0xad: {  	[tilespmem:s7], [sflag:$0x1] =	stream.indirect.gather.add.f32 [hbm:s6], $0x80, s0, s12, $0xb8;
	[tilespmem:$0x1C000] =	vst v63  }
0xae: {  	s0 =	sadd.s32 $0x2580, s24  }
0xaf: {  	[tilespmem:s3], [sflag:$0x1] =	stream.indirect.gather.add.f32 [hbm:s6], $0x80, s0, s12, $0xb8;
	[tilespmem:$0x1C000] =	vst v63  }
0xb0: {  	s0 =	sadd.s32 $0x2600, s24  }
0xb1: {  	[tilespmem:s9], [sflag:$0x1] =	stream.indirect.gather.add.f32 [hbm:s6], $0x80, s0, s12, $0xb8;
	[tilespmem:$0x1C000] =	vst v63  }
0xb2: {  	s0 =	sadd.s32 $0x2680, s24  }
0xb3: {  	[tilespmem:s11], [sflag:$0x1] =	stream.indirect.gather.add.f32 [hbm:s6], $0x80, s0, s12, $0xb8;
	[tilespmem:$0x1C000] =	vst v63  }
0xb4: {  	s0 =	sadd.s32 $0x2700, s24  }
0xb5: {  	[tilespmem:s2], [sflag:$0x1] =	stream.indirect.gather.add.f32 [hbm:s6], $0x80, s0, s12, $0xb8;
	[tilespmem:$0x1C000] =	vst v63  }
0xb6: {  	s0 =	sadd.s32 $0x2780, s24  }
0xb7: {  	[tilespmem:s4], [sflag:$0x1] =	stream.indirect.gather.add.f32 [hbm:s6], $0x80, s0, s12, $0xb8;
	[tilespmem:$0x1C000] =	vst v63  }
0xb8: {  	_ =	swait.ge [sflag:s19], $0xA00  }
0xb9: {  	[sflag:s19] =	ssyncset.done $0x0  }
0xba: {  	[sflag:s19] =	ssyncadd.s32 $0xFFFFF600  }
0xbb: {  	_ =	swait.ge [sflag:s19], $0xA00  }
0xbc: {  	[sflag:s19] =	ssyncset.done $0x0  }
0xbd: {  	[sflag:s19] =	ssyncadd.s32 $0xFFFFF600  }
0xbe: {  	_ =	swait.ge [sflag:s19], $0xA00  }
0xbf: {  	[sflag:s19] =	ssyncset.done $0x0  }
0xc0: {  	[sflag:s19] =	ssyncadd.s32 $0xFFFFF600  }
0xc1: {  	_ =	swait.ge [sflag:s19], $0xA00  }
0xc2: {  	[sflag:s19] =	ssyncset.done $0x0  }
0xc3: {  	[sflag:s19] =	ssyncadd.s32 $0xFFFFF600  }
0xc4: {  	_ =	swait.ge [sflag:s19], $0xA00  }
0xc5: {  	[sflag:s19] =	ssyncset.done $0x0  }
0xc6: {  	[sflag:s19] =	ssyncadd.s32 $0xFFFFF600  }
0xc7: {  	_ =	swait.ge [sflag:s19], $0xA00  }
0xc8: {  	[sflag:s19] =	ssyncset.done $0x0  }
0xc9: {  	[sflag:s19] =	ssyncadd.s32 $0xFFFFF600  }
0xca: {  	_ =	swait.ge [sflag:s19], $0xA00  }
0xcb: {  	[sflag:s19] =	ssyncset.done $0x0  }
0xcc: {  	[sflag:s19] =	ssyncadd.s32 $0xFFFFF600  }
0xcd: {  	_ =	swait.ge [sflag:s19], $0xA00  }
0xce: {  	[sflag:s19] =	ssyncset.done $0x0  }
0xcf: {  	[sflag:s19] =	ssyncadd.s32 $0xFFFFF600  }
0xd0: {  	_ =	swait.ge [sflag:s19], $0xA00  }
0xd1: {  	[sflag:s19] =	ssyncset.done $0x0  }
0xd2: {  	[sflag:s19] =	ssyncadd.s32 $0xFFFFF600  }
0xd3: {  	_ =	swait.ge [sflag:s19], $0xA00  }
0xd4: {  	[sflag:s19] =	ssyncset.done $0x0  }
0xd5: {  	[sflag:s19] =	ssyncadd.s32 $0xFFFFF600  }
0xd6: {  	_ =	swait.ge [sflag:s19], $0xA00  }
0xd7: {  	[sflag:s19] =	ssyncset.done $0x0  }
0xd8: {  	[sflag:s19] =	ssyncadd.s32 $0xFFFFF600  }
0xd9: {  	_ =	swait.ge [sflag:s19], $0xA00  }
0xda: {  	[sflag:s19] =	ssyncset.done $0x0  }
0xdb: {  	[sflag:s19] =	ssyncadd.s32 $0xFFFFF600  }
0xdc: {  	_ =	swait.ge [sflag:s19], $0xA00  }
0xdd: {  	[sflag:s19] =	ssyncset.done $0x0  }
0xde: {  	[sflag:s19] =	ssyncadd.s32 $0xFFFFF600  }
0xdf: {  	_ =	swait.ge [sflag:s19], $0xA00  }
0xe0: {  	[sflag:s19] =	ssyncset.done $0x0  }
0xe1: {  	[sflag:s19] =	ssyncadd.s32 $0xFFFFF600  }
0xe2: {  	_ =	swait.ge [sflag:s19], $0xA00  }
0xe3: {  	[sflag:s19] =	ssyncset.done $0x0  }
0xe4: {  	[sflag:s19] =	ssyncadd.s32 $0xFFFFF600  }
0xe5: {  	_ =	swait.ge [sflag:s19], $0xA00  }
0xe6: {  	[sflag:s19] =	ssyncset.done $0x0  }
0xe7: {  	s25 =	sadd.s32 $0x2000, s25;
	[sflag:s19] =	ssyncadd.s32 $0xFFFFF600  }
0xe8: {  	[tilespmem:s8], [sflag:$0x2] =	stream.indirect.gather.add.f32 [hbm:s6], $0x80, s25, s12, $0xb8;
	[tilespmem:$0x1C000] =	vst v63  }
0xe9: {  	s0 =	sadd.s32 $0x2880, s24  }
0xea: {  	[tilespmem:s10], [sflag:$0x2] =	stream.indirect.gather.add.f32 [hbm:s6], $0x80, s0, s12, $0xb8;
	[tilespmem:$0x1C000] =	vst v63  }
0xeb: {  	s0 =	sadd.s32 $0x2900, s24  }
0xec: {  	[tilespmem:s13], [sflag:$0x2] =	stream.indirect.gather.add.f32 [hbm:s6], $0x80, s0, s12, $0xb8;
	[tilespmem:$0x1C000] =	vst v63  }
0xed: {  	s0 =	sadd.s32 $0x2980, s24  }
0xee: {  	[tilespmem:s14], [sflag:$0x2] =	stream.indirect.gather.add.f32 [hbm:s6], $0x80, s0, s12, $0xb8;
	[tilespmem:$0x1C000] =	vst v63  }
0xef: {  	s25 =	sadd.s32 $0x2A00, s24;
	s0 =	simm.s32 $0x13000  }
0xf0: {  	[tilespmem:s0], [sflag:$0x2] =	stream.indirect.gather.add.f32 [hbm:s6], $0x80, s25, s12, $0xb8;
	[tilespmem:$0x1C000] =	vst v63  }
0xf1: {  	s25 =	sadd.s32 $0x2A80, s24;
	s0 =	simm.s32 $0x13C00  }
0xf2: {  	[tilespmem:s0], [sflag:$0x2] =	stream.indirect.gather.add.f32 [hbm:s6], $0x80, s25, s12, $0xb8;
	[tilespmem:$0x1C000] =	vst v63  }
0xf3: {  	s25 =	sadd.s32 $0x2B00, s24;
	s0 =	simm.s32 $0x14800  }
0xf4: {  	[tilespmem:s0], [sflag:$0x2] =	stream.indirect.gather.add.f32 [hbm:s6], $0x80, s25, s12, $0xb8;
	[tilespmem:$0x1C000] =	vst v63  }
0xf5: {  	s25 =	sadd.s32 $0x2B80, s24;
	s0 =	simm.s32 $0x15400  }
0xf6: {  	[tilespmem:s0], [sflag:$0x2] =	stream.indirect.gather.add.f32 [hbm:s6], $0x80, s25, s12, $0xb8;
	[tilespmem:$0x1C000] =	vst v63  }
0xf7: {  	s25 =	sadd.s32 $0x2C00, s24;
	s0 =	simm.s32 $0x16000  }
0xf8: {  	[tilespmem:s0], [sflag:$0x2] =	stream.indirect.gather.add.f32 [hbm:s6], $0x80, s25, s12, $0xb8;
	[tilespmem:$0x1C000] =	vst v63  }
0xf9: {  	s25 =	sadd.s32 $0x2C80, s24;
	s0 =	simm.s32 $0x16C00  }
0xfa: {  	[tilespmem:s0], [sflag:$0x2] =	stream.indirect.gather.add.f32 [hbm:s6], $0x80, s25, s12, $0xb8;
	[tilespmem:$0x1C000] =	vst v63  }
0xfb: {  	s25 =	sadd.s32 $0x2D00, s24;
	s0 =	simm.s32 $0x17800  }
0xfc: {  	[tilespmem:s0], [sflag:$0x2] =	stream.indirect.gather.add.f32 [hbm:s6], $0x80, s25, s12, $0xb8;
	[tilespmem:$0x1C000] =	vst v63  }
0xfd: {  	s25 =	sadd.s32 $0x2D80, s24;
	s0 =	simm.s32 $0x18400  }
0xfe: {  	[tilespmem:s0], [sflag:$0x2] =	stream.indirect.gather.add.f32 [hbm:s6], $0x80, s25, s12, $0xb8;
	[tilespmem:$0x1C000] =	vst v63  }
0xff: {  	s25 =	sadd.s32 $0x2E00, s24;
	s0 =	simm.s32 $0x19000  }
0x100: {  	[tilespmem:s0], [sflag:$0x2] =	stream.indirect.gather.add.f32 [hbm:s6], $0x80, s25, s12, $0xb8;
	[tilespmem:$0x1C000] =	vst v63  }
0x101: {  	s25 =	sadd.s32 $0x2E80, s24;
	s0 =	simm.s32 $0x19C00  }
0x102: {  	[tilespmem:s0], [sflag:$0x2] =	stream.indirect.gather.add.f32 [hbm:s6], $0x80, s25, s12, $0xb8;
	[tilespmem:$0x1C000] =	vst v63  }
0x103: {  	s25 =	sadd.s32 $0x2F00, s24;
	s0 =	simm.s32 $0x1A800  }
0x104: {  	[tilespmem:s0], [sflag:$0x2] =	stream.indirect.gather.add.f32 [hbm:s6], $0x80, s25, s12, $0xb8;
	[tilespmem:$0x1C000] =	vst v63  }
0x105: {  	s24 =	sadd.s32 $0x2F80, s24;
	s0 =	simm.s32 $0x1B400  }
0x106: {  	[tilespmem:s0], [sflag:$0x2] =	stream.indirect.gather.add.f32 [hbm:s6], $0x80, s24, s12, $0xb8;
	[tilespmem:$0x1C000] =	vst v63  }
0x107: {  	_ =	swait.ge [sflag:s21], $0xA00  }
0x108: {  	[sflag:s21] =	ssyncset.done $0x0  }
0x109: {  	[sflag:s21] =	ssyncadd.s32 $0xFFFFF600  }
0x10a: {  	_ =	swait.ge [sflag:s21], $0xA00  }
0x10b: {  	[sflag:s21] =	ssyncset.done $0x0  }
0x10c: {  	[sflag:s21] =	ssyncadd.s32 $0xFFFFF600  }
0x10d: {  	_ =	swait.ge [sflag:s21], $0xA00  }
0x10e: {  	[sflag:s21] =	ssyncset.done $0x0  }
0x10f: {  	[sflag:s21] =	ssyncadd.s32 $0xFFFFF600  }
0x110: {  	_ =	swait.ge [sflag:s21], $0xA00  }
0x111: {  	[sflag:s21] =	ssyncset.done $0x0  }
0x112: {  	[sflag:s21] =	ssyncadd.s32 $0xFFFFF600  }
0x113: {  	_ =	swait.ge [sflag:s21], $0xA00  }
0x114: {  	[sflag:s21] =	ssyncset.done $0x0  }
0x115: {  	[sflag:s21] =	ssyncadd.s32 $0xFFFFF600  }
0x116: {  	_ =	swait.ge [sflag:s21], $0xA00  }
0x117: {  	[sflag:s21] =	ssyncset.done $0x0  }
0x118: {  	[sflag:s21] =	ssyncadd.s32 $0xFFFFF600  }
0x119: {  	_ =	swait.ge [sflag:s21], $0xA00  }
0x11a: {  	[sflag:s21] =	ssyncset.done $0x0  }
0x11b: {  	[sflag:s21] =	ssyncadd.s32 $0xFFFFF600  }
0x11c: {  	_ =	swait.ge [sflag:s21], $0xA00  }
0x11d: {  	[sflag:s21] =	ssyncset.done $0x0  }
0x11e: {  	[sflag:s21] =	ssyncadd.s32 $0xFFFFF600  }
0x11f: {  	_ =	swait.ge [sflag:s21], $0xA00  }
0x120: {  	[sflag:s21] =	ssyncset.done $0x0  }
0x121: {  	[sflag:s21] =	ssyncadd.s32 $0xFFFFF600  }
0x122: {  	_ =	swait.ge [sflag:s21], $0xA00  }
0x123: {  	[sflag:s21] =	ssyncset.done $0x0  }
0x124: {  	[sflag:s21] =	ssyncadd.s32 $0xFFFFF600  }
0x125: {  	_ =	swait.ge [sflag:s21], $0xA00  }
0x126: {  	[sflag:s21] =	ssyncset.done $0x0  }
0x127: {  	[sflag:s21] =	ssyncadd.s32 $0xFFFFF600  }
0x128: {  	_ =	swait.ge [sflag:s21], $0xA00  }
0x129: {  	[sflag:s21] =	ssyncset.done $0x0  }
0x12a: {  	[sflag:s21] =	ssyncadd.s32 $0xFFFFF600  }
0x12b: {  	_ =	swait.ge [sflag:s21], $0xA00  }
0x12c: {  	[sflag:s21] =	ssyncset.done $0x0  }
0x12d: {  	[sflag:s21] =	ssyncadd.s32 $0xFFFFF600  }
0x12e: {  	_ =	swait.ge [sflag:s21], $0xA00  }
0x12f: {  	[sflag:s21] =	ssyncset.done $0x0  }
0x130: {  	[sflag:s21] =	ssyncadd.s32 $0xFFFFF600  }
0x131: {  	_ =	swait.ge [sflag:s21], $0xA00  }
0x132: {  	[sflag:s21] =	ssyncset.done $0x0;
	s0 =	rddreg [dreg:$0x8]  }
0x133: {  	[sflag:s21] =	ssyncadd.s32 $0xFFFFF600;
	s23 =	sor.u32 s0, s23  }
0x134: {  	_ =	swait.ge [sflag:s21], $0xA00;
	s23 =	smul.u32 $0x180, s23  }
0x135: {  	[sflag:s21] =	ssyncset.done $0x0  }
0x136: {  	s25 =	simm.s32 $0x4000;
	[sflag:s21] =	ssyncadd.s32 $0xFFFFF600;
	s23 =	sadd.s32 s20, s23  }
0x137: {  	[hbm4b:s23+s1] =	stream.linear.scatter [tilespmem:s25], [sflag:$0x3], $0xA00, $0x38;
	[tilespmem:$0x1C000] =	vst v63  }
0x138: {  	s26 =	simm.s32 $0x4C00;
	s24 =	sadd.s32 $0x180, s23  }
0x139: {  	[hbm4b:s24+s1] =	stream.linear.scatter [tilespmem:s26], [sflag:$0x3], $0xA00, $0x38;
	[tilespmem:$0x1C000] =	vst v63  }
0x13a: {  	s24 =	sadd.s32 $0x300, s23  }
0x13b: {  	[hbm4b:s24+s1] =	stream.linear.scatter [tilespmem:s28], [sflag:$0x3], $0xA00, $0x38;
	[tilespmem:$0x1C000] =	vst v63  }
0x13c: {  	s24 =	sadd.s32 $0x480, s23  }
0x13d: {  	[hbm4b:s24+s1] =	stream.linear.scatter [tilespmem:s29], [sflag:$0x3], $0xA00, $0x38;
	[tilespmem:$0x1C000] =	vst v63  }
0x13e: {  	s24 =	sadd.s32 $0x600, s23  }
0x13f: {  	[hbm4b:s24+s1] =	stream.linear.scatter [tilespmem:s15], [sflag:$0x3], $0xA00, $0x38;
	[tilespmem:$0x1C000] =	vst v63  }
0x140: {  	s24 =	sadd.s32 $0x780, s23  }
0x141: {  	[hbm4b:s24+s1] =	stream.linear.scatter [tilespmem:s16], [sflag:$0x3], $0xA00, $0x38;
	[tilespmem:$0x1C000] =	vst v63  }
0x142: {  	s24 =	sadd.s32 $0x900, s23  }
0x143: {  	[hbm4b:s24+s1] =	stream.linear.scatter [tilespmem:s17], [sflag:$0x3], $0xA00, $0x38;
	[tilespmem:$0x1C000] =	vst v63  }
0x144: {  	s24 =	sadd.s32 $0xA80, s23  }
0x145: {  	[hbm4b:s24+s1] =	stream.linear.scatter [tilespmem:s18], [sflag:$0x3], $0xA00, $0x38;
	[tilespmem:$0x1C000] =	vst v63  }
0x146: {  	s24 =	sadd.s32 $0xC00, s23  }
0x147: {  	[hbm4b:s24+s1] =	stream.linear.scatter [tilespmem:s30], [sflag:$0x3], $0xA00, $0x38;
	[tilespmem:$0x1C000] =	vst v63  }
0x148: {  	s24 =	sadd.s32 $0xD80, s23  }
0x149: {  	[hbm4b:s24+s1] =	stream.linear.scatter [tilespmem:s31], [sflag:$0x3], $0xA00, $0x38;
	[tilespmem:$0x1C000] =	vst v63  }
0x14a: {  	s24 =	sadd.s32 $0xF00, s23  }
0x14b: {  	[hbm4b:s24+s1] =	stream.linear.scatter [tilespmem:s7], [sflag:$0x3], $0xA00, $0x38;
	[tilespmem:$0x1C000] =	vst v63  }
0x14c: {  	s24 =	sadd.s32 $0x1080, s23  }
0x14d: {  	[hbm4b:s24+s1] =	stream.linear.scatter [tilespmem:s3], [sflag:$0x3], $0xA00, $0x38;
	[tilespmem:$0x1C000] =	vst v63  }
0x14e: {  	s24 =	sadd.s32 $0x1200, s23  }
0x14f: {  	[hbm4b:s24+s1] =	stream.linear.scatter [tilespmem:s9], [sflag:$0x3], $0xA00, $0x38;
	[tilespmem:$0x1C000] =	vst v63  }
0x150: {  	s24 =	sadd.s32 $0x1380, s23  }
0x151: {  	[hbm4b:s24+s1] =	stream.linear.scatter [tilespmem:s11], [sflag:$0x3], $0xA00, $0x38;
	[tilespmem:$0x1C000] =	vst v63  }
0x152: {  	s24 =	sadd.s32 $0x1500, s23  }
0x153: {  	[hbm4b:s24+s1] =	stream.linear.scatter [tilespmem:s2], [sflag:$0x3], $0xA00, $0x38;
	[tilespmem:$0x1C000] =	vst v63  }
0x154: {  	s23 =	sadd.s32 $0x1680, s23  }
0x155: {  	[hbm4b:s23+s1] =	stream.linear.scatter [tilespmem:s4], [sflag:$0x3], $0xA00, $0x38;
	[tilespmem:$0x1C000] =	vst v63  }
0x156: {  	_ =	swait.ge [sflag:s19], $0xA00  }
0x157: {  	[sflag:s19] =	ssyncset.done $0x0  }
0x158: {  	[sflag:s19] =	ssyncadd.s32 $0xFFFFF600  }
0x159: {  	_ =	swait.ge [sflag:s19], $0xA00  }
0x15a: {  	[sflag:s19] =	ssyncset.done $0x0  }
0x15b: {  	[sflag:s19] =	ssyncadd.s32 $0xFFFFF600  }
0x15c: {  	_ =	swait.ge [sflag:s19], $0xA00  }
0x15d: {  	[sflag:s19] =	ssyncset.done $0x0  }
0x15e: {  	[sflag:s19] =	ssyncadd.s32 $0xFFFFF600  }
0x15f: {  	_ =	swait.ge [sflag:s19], $0xA00  }
0x160: {  	[sflag:s19] =	ssyncset.done $0x0  }
0x161: {  	[sflag:s19] =	ssyncadd.s32 $0xFFFFF600  }
0x162: {  	_ =	swait.ge [sflag:s19], $0xA00  }
0x163: {  	[sflag:s19] =	ssyncset.done $0x0  }
0x164: {  	[sflag:s19] =	ssyncadd.s32 $0xFFFFF600  }
0x165: {  	_ =	swait.ge [sflag:s19], $0xA00  }
0x166: {  	[sflag:s19] =	ssyncset.done $0x0  }
0x167: {  	[sflag:s19] =	ssyncadd.s32 $0xFFFFF600  }
0x168: {  	_ =	swait.ge [sflag:s19], $0xA00  }
0x169: {  	[sflag:s19] =	ssyncset.done $0x0  }
0x16a: {  	[sflag:s19] =	ssyncadd.s32 $0xFFFFF600  }
0x16b: {  	_ =	swait.ge [sflag:s19], $0xA00  }
0x16c: {  	[sflag:s19] =	ssyncset.done $0x0  }
0x16d: {  	[sflag:s19] =	ssyncadd.s32 $0xFFFFF600  }
0x16e: {  	_ =	swait.ge [sflag:s19], $0xA00  }
0x16f: {  	[sflag:s19] =	ssyncset.done $0x0  }
0x170: {  	[sflag:s19] =	ssyncadd.s32 $0xFFFFF600  }
0x171: {  	_ =	swait.ge [sflag:s19], $0xA00  }
0x172: {  	[sflag:s19] =	ssyncset.done $0x0  }
0x173: {  	[sflag:s19] =	ssyncadd.s32 $0xFFFFF600  }
0x174: {  	_ =	swait.ge [sflag:s19], $0xA00  }
0x175: {  	[sflag:s19] =	ssyncset.done $0x0  }
0x176: {  	[sflag:s19] =	ssyncadd.s32 $0xFFFFF600  }
0x177: {  	_ =	swait.ge [sflag:s19], $0xA00  }
0x178: {  	[sflag:s19] =	ssyncset.done $0x0  }
0x179: {  	[sflag:s19] =	ssyncadd.s32 $0xFFFFF600  }
0x17a: {  	_ =	swait.ge [sflag:s19], $0xA00  }
0x17b: {  	[sflag:s19] =	ssyncset.done $0x0  }
0x17c: {  	[sflag:s19] =	ssyncadd.s32 $0xFFFFF600  }
0x17d: {  	_ =	swait.ge [sflag:s19], $0xA00  }
0x17e: {  	[sflag:s19] =	ssyncset.done $0x0  }
0x17f: {  	[sflag:s19] =	ssyncadd.s32 $0xFFFFF600  }
0x180: {  	_ =	swait.ge [sflag:s19], $0xA00  }
0x181: {  	[sflag:s19] =	ssyncset.done $0x0  }
0x182: {  	s22 =	sor.u32 s0, s22;
	[sflag:s19] =	ssyncadd.s32 $0xFFFFF600  }
0x183: {  	s22 =	smul.u32 $0x180, s22;
	_ =	swait.ge [sflag:s19], $0xA00  }
0x184: {  	[sflag:s19] =	ssyncset.done $0x0  }
0x185: {  	s22 =	sadd.s32 s20, s22;
	[sflag:s19] =	ssyncadd.s32 $0xFFFFF600  }
0x186: {  	[hbm4b:s22+s1] =	stream.linear.scatter [tilespmem:s8], [sflag:$0x4], $0xA00, $0x38;
	[tilespmem:$0x1C000] =	vst v63  }
0x187: {  	s2 =	sadd.s32 $0x180, s22  }
0x188: {  	[hbm4b:s2+s1] =	stream.linear.scatter [tilespmem:s10], [sflag:$0x4], $0xA00, $0x38;
	[tilespmem:$0x1C000] =	vst v63  }
0x189: {  	s9 =	smov.u32 s20;
	s20 =	sadd.s32 $0x300, s22  }
0x18a: {  	[hbm4b:s20+s1] =	stream.linear.scatter [tilespmem:s13], [sflag:$0x4], $0xA00, $0x38;
	[tilespmem:$0x1C000] =	vst v63  }
0x18b: {  	s24 =	sadd.s32 $0x480, s22  }
0x18c: {  	[hbm4b:s24+s1] =	stream.linear.scatter [tilespmem:s14], [sflag:$0x4], $0xA00, $0x38;
	[tilespmem:$0x1C000] =	vst v63  }
0x18d: {  	s0 =	sadd.s32 $0x600, s22;
	s2 =	simm.s32 $0x13000  }
0x18e: {  	[hbm4b:s0+s1] =	stream.linear.scatter [tilespmem:s2], [sflag:$0x4], $0xA00, $0x38;
	[tilespmem:$0x1C000] =	vst v63  }
0x18f: {  	s20 =	sadd.s32 $0x780, s22;
	s24 =	simm.s32 $0x13C00  }
0x190: {  	[hbm4b:s20+s1] =	stream.linear.scatter [tilespmem:s24], [sflag:$0x4], $0xA00, $0x38;
	[tilespmem:$0x1C000] =	vst v63  }
0x191: {  	s0 =	sadd.s32 $0x900, s22;
	s2 =	simm.s32 $0x14800  }
0x192: {  	[hbm4b:s0+s1] =	stream.linear.scatter [tilespmem:s2], [sflag:$0x4], $0xA00, $0x38;
	[tilespmem:$0x1C000] =	vst v63  }
0x193: {  	s20 =	sadd.s32 $0xA80, s22;
	s24 =	simm.s32 $0x15400  }
0x194: {  	[hbm4b:s20+s1] =	stream.linear.scatter [tilespmem:s24], [sflag:$0x4], $0xA00, $0x38;
	[tilespmem:$0x1C000] =	vst v63  }
0x195: {  	s0 =	sadd.s32 $0xC00, s22;
	s2 =	simm.s32 $0x16000  }
0x196: {  	[hbm4b:s0+s1] =	stream.linear.scatter [tilespmem:s2], [sflag:$0x4], $0xA00, $0x38;
	[tilespmem:$0x1C000] =	vst v63  }
0x197: {  	s20 =	sadd.s32 $0xD80, s22;
	s24 =	simm.s32 $0x16C00  }
0x198: {  	[hbm4b:s20+s1] =	stream.linear.scatter [tilespmem:s24], [sflag:$0x4], $0xA00, $0x38;
	[tilespmem:$0x1C000] =	vst v63  }
0x199: {  	s0 =	sadd.s32 $0xF00, s22;
	s2 =	simm.s32 $0x17800  }
0x19a: {  	[hbm4b:s0+s1] =	stream.linear.scatter [tilespmem:s2], [sflag:$0x4], $0xA00, $0x38;
	[tilespmem:$0x1C000] =	vst v63  }
0x19b: {  	s20 =	sadd.s32 $0x1080, s22;
	s24 =	simm.s32 $0x18400  }
0x19c: {  	[hbm4b:s20+s1] =	stream.linear.scatter [tilespmem:s24], [sflag:$0x4], $0xA00, $0x38;
	[tilespmem:$0x1C000] =	vst v63  }
0x19d: {  	s0 =	sadd.s32 $0x1200, s22;
	s2 =	simm.s32 $0x19000  }
0x19e: {  	[hbm4b:s0+s1] =	stream.linear.scatter [tilespmem:s2], [sflag:$0x4], $0xA00, $0x38;
	[tilespmem:$0x1C000] =	vst v63  }
0x19f: {  	p1 =	por p0, p0;
	s20 =	sadd.s32 $0x1380, s22;
	s24 =	simm.s32 $0x19C00  }
0x1a0: {  	[hbm4b:s20+s1] =	stream.linear.scatter [tilespmem:s24], [sflag:$0x4], $0xA00, $0x38;
	[tilespmem:$0x1C000] =	vst v63  }
.Ltmp0:
0x1a1: {  	_ = 	snop;
	(pc) =	sbr.rel @p1 .LBB2_3-.Ltmp0, $4  }
0x1a2: {  	s2 =	sadd.s32 $0x1500, s22;
	s20 =	simm.s32 $0x1A800  }
0x1a3: {  	[hbm4b:s2+s1] =	stream.linear.scatter [tilespmem:s20], [sflag:$0x4], $0xA00, $0x38;
	[tilespmem:$0x1C000] =	vst v63  }
0x1a4: {  	p0 =	por $0x0, $0x0;
	s22 =	sadd.s32 $0x1680, s22;
	s24 =	simm.s32 $0x1B400  }
0x1a5: {  	[hbm4b:s22+s1] =	stream.linear.scatter [tilespmem:s24], [sflag:$0x4], $0xA00, $0x38;
	[tilespmem:$0x1C000] =	vst v63  }
0x1a6: {  	s0 =	rddreg [dreg:$0x7]  }
0x1a7: {  	s0 =	sadd.s32 $0x1, s0  }
0x1a8: {  	p0 =	sne.s32 s0, $0x8  }
.Ltmp1:
0x1a9: {  	_ = 	snop;
	(pc) =	sbr.rel @p0 .LBB2_2-.Ltmp1, $2  }
0x1aa: {  	_ =	sdelay $0x2  }
0x1ab: {  	[dreg:$0x7] =	wrdreg s0  }
0x1ac: {  	s0 =	simm.s32 $0x3  }
0x1ad: {  	_ =	swait.ge [sflag:s0], $0xA000  }
0x1ae: {  	[sflag:s0] =	ssyncset.done $0x0  }
0x1af: {  	s24 =	simm.s32 $0x4;
	[sflag:s0] =	ssyncadd.s32 $0xFFFF6000  }
0x1b0: {  	_ =	swait.ge [sflag:s24], $0xA000  }
0x1b1: {  	s2 =	rddreg [dreg:$0x6]  }
0x1b2: {  	s20 =	rddreg [dreg:$0x5];
	s2 =	sadd.s32 $0x1, s2  }
0x1b3: {  	p0 =	sne.s32 s2, s20  }
.Ltmp2:
0x1b4: {  	_ = 	snop;
	(pc) =	sbr.rel @p0 .LBB2_1-.Ltmp2, $3  }
0x1b5: {  	_ =	sdelay $0x1  }
0x1b6: {  	[sflag:s24] =	ssyncset.done $0x0  }
0x1b7: {  	[sflag:s24] =	ssyncadd.s32 $0xFFFF6000  }
0x1b8: {  	_ =	sfence.sel $0x180000  }
0x1b9: {  	[bflag:$0x0] =	sbarrier.arrive $0xFFFF  }
0x1ba: {  	_ =	strace $0x90000047  }
0x1bb: {  	s0 =	stileid.u32;
	[bflag:$0x2] =	sbarrier.arrive $0xFFFF  }
0x1bc: {  	p0 =	sne.s32 s0, $0x0;
	s0 =	rddreg [dreg:$0x1]  }
0x1bd: {  	s0 =	sadd.s32 @!p0 $0x100000, s0  }
0x1be: {  	[sflag:s0] =	ssyncadd.tile.s32 @!p0 $0x1;
	_ =	shalt  }
.Lfunc_end2:
_tile_overlayer_lowered:
.L_overlay_start_2:
0x1bf: {  	(tag) =	ssettag $0x2  }
0x1c0: {  	s0 =	rddreg [dreg:$0x0];
	s2 =	stileid.u32  }
0x1c1: {  	s1 =	rddreg [dreg:$0x1];
	p0 =	sne.s32 s2, $0x0  }
0x1c2: {  	s3 =	rddreg [dreg:$0x2];
	[bflag:$0x3] =	sbarrier.arrive $0xFFFF;
	s2 =	simm.s32 @!p0 $0x1C05  }
0x1c3: {  	[timem:s3], [sflag:s2] =	dma.local @!p0 [hbm:s0], s1  }
0x1c4: {  	s0 =	simm.s32 @!p0 $0x5  }
0x1c5: {  	_ =	swait.ge @!p0 [sflag:s0], s1  }
0x1c6: {  	s1 =	ssub.s32 @!p0 $0x0, s1;
	[sflag:s0] =	ssyncset.done @!p0 $0x0  }
0x1c7: {  	[sflag:s0] =	ssyncadd.s32 @!p0 s1  }
0x1c8: {  	[bflag:$0x3] =	sbarrier.arrive $0xFFFF  }
0x1c9: {  	_ =	shalt  }

</sc_bundles>
